<compile_context>
chip_gen: v7x
topology: tpu7x:2x2x1
jax: 0.10.2.dev20260603
libtpu: 0.0.44.dev20260713+nightly
codegen_flags: <defaults>
</compile_context>

<pallas_src>
import functools

import jax
import jax.numpy as jnp
from jax import lax
from jax.experimental import pallas as pl
from jax.experimental.pallas import tpu as pltpu
from jax.experimental.pallas import tpu_sc as plsc

N = 10000
D = 128
E = 320000

NC = 2
NS = 16
NW = NC * NS
HALF = 5000
LROWS = 5096
TRASH = HALF
CHUNK = 128
SLICE = 20224
NSL = SLICE // CHUNK
ZR = 312
ZREM = LROWS - NS * ZR

_mesh = plsc.VectorSubcoreMesh(core_axis_name="c", subcore_axis_name="s")
_params = pltpu.CompilerParams(needs_layout_passes=False,
                               use_tc_tiling_on_sc=False)


@functools.partial(
    pl.kernel,
    out_type=[
        jax.ShapeDtypeStruct((NC * LROWS,), jnp.float32),
        jax.ShapeDtypeStruct((NW, NSL, CHUNK), jnp.int32),
        jax.ShapeDtypeStruct((NW, NSL, CHUNK), jnp.int32),
        jax.ShapeDtypeStruct((NW, 16), jnp.int32),
    ],
    mesh=_mesh,
    scratch_types=[
        pltpu.VMEM((SLICE,), jnp.int32),
        pltpu.VMEM((SLICE,), jnp.int32),
        pltpu.VMEM((NSL, CHUNK), jnp.int32),
        pltpu.VMEM((NSL, CHUNK), jnp.int32),
        pltpu.VMEM((CHUNK,), jnp.float32),
        pltpu.VMEM((ZR + ZREM,), jnp.float32),
        pltpu.VMEM((16,), jnp.int32),
        pltpu.VMEM_SHARED((LROWS,), jnp.float32),
    ],
    compiler_params=_params,
)
def _sc_route(src_hbm, dst_hbm, zeros_hbm, ones_hbm, deg_out, srcc_out,
              dstc_out, cnt_out, src_v, dst_v, src_c, dst_c, ones_v, zbuf,
              cnt_v, hist):
    cid = lax.axis_index("c")
    sid = lax.axis_index("s")
    wid = cid * NS + sid
    pltpu.sync_copy(src_hbm.at[sid], src_v)
    pltpu.sync_copy(dst_hbm.at[sid], dst_v)
    pltpu.sync_copy(ones_hbm, ones_v)
    pltpu.sync_copy(zeros_hbm, zbuf)
    pltpu.sync_copy(zbuf.at[pl.ds(0, ZR)], hist.at[pl.ds(sid * ZR, ZR)])

    @pl.when(sid == 0)
    def _():
        pltpu.sync_copy(zbuf.at[pl.ds(0, ZREM)],
                        hist.at[pl.ds(NS * ZR, ZREM)])

    zsrc = jnp.zeros((16,), jnp.int32)
    ztrash = jnp.full((16,), TRASH, jnp.int32)

    def fill(r, c):
        for k in range(CHUNK // 16):
            src_c[r, pl.ds(k * 16, 16)] = zsrc
            dst_c[r, pl.ds(k * 16, 16)] = ztrash
        return c

    lax.fori_loop(0, NSL, fill, 0)

    lo = cid * HALF

    def compact(i, off):
        p = pl.multiple_of(i * 16, 16)
        vs = src_v[pl.ds(p, 16)]
        vd = dst_v[pl.ds(p, 16)]
        ld = vd - lo
        m = (ld >= 0) & (ld < HALF)
        mi = jnp.where(m, 1, 0).astype(jnp.int32)
        pos = off - 1 + plsc.cumsum(mi)
        row = lax.shift_right_arithmetic(pos, 7)
        col = lax.bitwise_and(pos, 127)
        plsc.store_scatter(dst_c, [row, col], ld, mask=m)
        plsc.store_scatter(src_c, [row, col], vs, mask=m)
        return off + jnp.sum(mi)

    cnt = lax.fori_loop(0, SLICE // 16, compact, jnp.int32(0))

    plsc.subcore_barrier()
    nch = (cnt + CHUNK - 1) // CHUNK

    def hbody(j, c):
        pltpu.sync_copy(ones_v, hist.at[dst_c.at[j]], add=True)
        return c

    lax.fori_loop(0, nch, hbody, 0)

    pltpu.sync_copy(src_c, srcc_out.at[wid])
    pltpu.sync_copy(dst_c, dstc_out.at[wid])
    cnt_v[...] = jnp.full((16,), 1, jnp.int32) * cnt
    pltpu.sync_copy(cnt_v, cnt_out.at[wid])

    plsc.subcore_barrier()
    pltpu.sync_copy(hist.at[pl.ds(sid * ZR, ZR)], zbuf.at[pl.ds(0, ZR)])
    pltpu.sync_copy(zbuf.at[pl.ds(0, ZR)],
                    deg_out.at[pl.ds(cid * LROWS + sid * ZR, ZR)])

    @pl.when(sid == 0)
    def _():
        pltpu.sync_copy(hist.at[pl.ds(NS * ZR, ZREM)],
                        zbuf.at[pl.ds(0, ZREM)])
        pltpu.sync_copy(zbuf.at[pl.ds(0, ZREM)],
                        deg_out.at[pl.ds(cid * LROWS + NS * ZR, ZREM)])


@functools.partial(
    pl.kernel,
    out_type=jax.ShapeDtypeStruct((NC * LROWS, D), jnp.float32),
    mesh=_mesh,
    scratch_types=[
        pltpu.VMEM((NSL, CHUNK), jnp.int32),
        pltpu.VMEM((NSL, CHUNK), jnp.int32),
        pltpu.VMEM((16,), jnp.int32),
        pltpu.VMEM((2, CHUNK, D), jnp.float32),
        pltpu.VMEM((CHUNK, D), jnp.float32),
        pltpu.VMEM_SHARED((LROWS, D), jnp.float32),
        pltpu.SemaphoreType.DMA,
        pltpu.SemaphoreType.DMA,
    ],
    compiler_params=_params,
)
def _sc_scatter(y_hbm, srcc_hbm, dstc_hbm, cnt_hbm, zeros_hbm, out_hbm,
                src_v, dst_v, cnt_v, buf, zeros_v, acc, gsem, ssem):
    cid = lax.axis_index("c")
    sid = lax.axis_index("s")
    wid = cid * NS + sid
    pltpu.sync_copy(srcc_hbm.at[wid], src_v)
    pltpu.sync_copy(dstc_hbm.at[wid], dst_v)
    pltpu.sync_copy(cnt_hbm.at[wid], cnt_v)
    cnt = jnp.max(cnt_v[...])
    nch = (cnt + CHUNK - 1) // CHUNK

    @pl.when(nch > 0)
    def _():
        pltpu.async_copy(y_hbm.at[src_v.at[0]], buf.at[0], gsem)

    pltpu.sync_copy(zeros_hbm, zeros_v)
    base = sid * ZR
    pltpu.sync_copy(zeros_v, acc.at[pl.ds(base, CHUNK)])
    pltpu.sync_copy(zeros_v, acc.at[pl.ds(base + CHUNK, CHUNK)])
    pltpu.sync_copy(zeros_v.at[pl.ds(0, ZR - 2 * CHUNK)],
                    acc.at[pl.ds(base + 2 * CHUNK, ZR - 2 * CHUNK)])

    @pl.when(sid == 0)
    def _():
        pltpu.sync_copy(zeros_v.at[pl.ds(0, ZREM)],
                        acc.at[pl.ds(NS * ZR, ZREM)])

    plsc.subcore_barrier()

    def body(j, c):
        @pl.when(j >= 1)
        def _():
            pltpu.make_async_copy(buf.at[(j - 1) % 2],
                                  acc.at[dst_v.at[j - 1]], ssem).wait()

        @pl.when(j + 1 < nch)
        def _():
            pltpu.async_copy(y_hbm.at[src_v.at[j + 1]], buf.at[(j + 1) % 2],
                             gsem)

        pltpu.make_async_copy(y_hbm.at[src_v.at[j]], buf.at[j % 2],
                              gsem).wait()
        pltpu.async_copy(buf.at[j % 2], acc.at[dst_v.at[j]], ssem, add=True)
        return c

    lax.fori_loop(0, nch, body, 0)

    @pl.when(nch > 0)
    def _():
        pltpu.make_async_copy(buf.at[(nch - 1) % 2],
                              acc.at[dst_v.at[nch - 1]], ssem).wait()

    plsc.subcore_barrier()

    obase = cid * LROWS + base
    hbm_pend = []
    for k in range(3):
        rows = CHUNK if k < 2 else ZR - 2 * CHUNK
        b = buf.at[k % 2] if rows == CHUNK else buf.at[k % 2].at[pl.ds(0, rows)]
        pltpu.sync_copy(acc.at[pl.ds(base + k * CHUNK, rows)], b)
        hbm_pend.append(
            pltpu.async_copy(b, out_hbm.at[pl.ds(obase + k * CHUNK, rows)],
                             gsem))
        if k >= 1:
            hbm_pend[k - 1].wait()
    hbm_pend[2].wait()

    @pl.when(sid == 0)
    def _():
        b = buf.at[0].at[pl.ds(0, ZREM)]
        pltpu.sync_copy(acc.at[pl.ds(NS * ZR, ZREM)], b)
        pltpu.sync_copy(b, out_hbm.at[pl.ds(cid * LROWS + NS * ZR, ZREM)])


BR = 1000
NB = N // BR


def _tc_matmul_body(x_ref, w_ref, xw_ref):
    xw_ref[...] = jnp.dot(x_ref[...], w_ref[...],
                          preferred_element_type=jnp.float32)


def _tc_scale_body(h_ref, xw_ref, y_ref, dinv_ref):
    dinv = lax.rsqrt(h_ref[...] + 1.0)
    y_ref[...] = xw_ref[...] * dinv
    dinv_ref[...] = dinv


def _tc_mid_body(a_ref, y_ref, dinv_ref, b_ref, w_ref, y2_ref):
    dinv = dinv_ref[...]
    h = jnp.maximum((a_ref[...] + y_ref[...]) * dinv + b_ref[...], 0.0)
    y2_ref[...] = jnp.dot(h * dinv, w_ref[...],
                          preferred_element_type=jnp.float32)


def _tc_last_body(a_ref, y_ref, dinv_ref, b_ref, out_ref):
    out_ref[...] = (a_ref[...] + y_ref[...]) * dinv_ref[...] + b_ref[...]


_row = pl.BlockSpec((BR, D), lambda i: (i, 0))
_col = pl.BlockSpec((BR, 1), lambda i: (i, 0))
_mat = pl.BlockSpec((D, D), lambda i: (0, 0))
_bias = pl.BlockSpec((1, D), lambda i: (0, 0))

_tc_matmul = pl.pallas_call(
    _tc_matmul_body,
    grid=(NB,),
    in_specs=[_row, _mat],
    out_specs=_row,
    out_shape=jax.ShapeDtypeStruct((N, D), jnp.float32),
)

_tc_scale = pl.pallas_call(
    _tc_scale_body,
    grid=(NB,),
    in_specs=[_col, _row],
    out_specs=[_row, _col],
    out_shape=[jax.ShapeDtypeStruct((N, D), jnp.float32),
               jax.ShapeDtypeStruct((N, 1), jnp.float32)],
)

_tc_mid = pl.pallas_call(
    _tc_mid_body,
    grid=(NB,),
    in_specs=[_row, _row, _col, _bias, _mat],
    out_specs=_row,
    out_shape=jax.ShapeDtypeStruct((N, D), jnp.float32),
)

_tc_last = pl.pallas_call(
    _tc_last_body,
    grid=(NB,),
    in_specs=[_row, _row, _col, _bias],
    out_specs=_row,
    out_shape=jax.ShapeDtypeStruct((N, D), jnp.float32),
)


def _merge(a):
    return jnp.concatenate([a[:HALF], a[LROWS:LROWS + HALF]], axis=0)


def kernel(x, edge_index, W1, b1, W2, b2):
    src = edge_index[0]
    dst = edge_index[1]
    pad = NS * SLICE - E
    src_p = jnp.concatenate([src, jnp.zeros((pad,), jnp.int32)])
    dst_p = jnp.concatenate([dst, jnp.full((pad,), N, jnp.int32)])
    src2 = src_p.reshape(NS, SLICE)
    dst2 = dst_p.reshape(NS, SLICE)

    ones_c = jnp.ones((CHUNK,), jnp.float32)
    zeros_z = jnp.zeros((ZR + ZREM,), jnp.float32)
    zeros_r = jnp.zeros((CHUNK, D), jnp.float32)

    deg, srcc, dstc, cnts = _sc_route(src2, dst2, zeros_z, ones_c)
    xw1 = _tc_matmul(x, W1)

    h_col = _merge(deg).reshape(N, 1)
    y1, dinv = _tc_scale(h_col, xw1)

    acc1 = _merge(_sc_scatter(y1, srcc, dstc, cnts, zeros_r))
    y2 = _tc_mid(acc1, y1, dinv, b1.reshape(1, D), W2)
    acc2 = _merge(_sc_scatter(y2, srcc, dstc, cnts, zeros_r))
    return _tc_last(acc2, y2, dinv, b2.reshape(1, D))

# --- scband reference (transcript-rebuilt; emitter-appended) ---
"""Pipeline reference for scband-gcn-pyg-64510408786077 (READ-ONLY COPY).

The authoritative reference and input builder live on the scoring server;
editing this copy changes nothing except your own understanding.
"""

import jax, jax.numpy as jnp
import numpy as np

N_NODES = 10000
IN_DIM = 128
HIDDEN_DIM = 128
N_EDGES = 320000


def gcn_conv(x, src, dst, W, b, num_nodes):
    # add self loops (PyG GCNConv default add_self_loops=True)
    loop = jnp.arange(num_nodes, dtype=src.dtype)
    src_full = jnp.concatenate([src, loop])
    dst_full = jnp.concatenate([dst, loop])
    ew = jnp.ones(src_full.shape[0], dtype=x.dtype)
    # symmetric normalization: deg computed at target nodes
    deg = jnp.zeros((num_nodes,), dtype=x.dtype).at[dst_full].add(ew)
    deg_inv_sqrt = jnp.where(deg > 0, jax.lax.rsqrt(jnp.maximum(deg, 1e-12)), 0.0)
    norm = deg_inv_sqrt[src_full] * ew * deg_inv_sqrt[dst_full]
    xw = x @ W
    msg = xw[src_full] * norm[:, None]
    out = jnp.zeros((num_nodes, xw.shape[1]), dtype=x.dtype).at[dst_full].add(msg)
    return out + b


def setup_inputs(seed: int = 0) -> dict:
    key = jax.random.key(seed)
    k1, k2, k3, k4, k5, k6 = jax.random.split(key, 6)
    x = jax.random.normal(k1, (N_NODES, IN_DIM), dtype=jnp.float32)
    edge_index = jax.random.randint(k2, (2, N_EDGES), 0, N_NODES, dtype=jnp.int64 if jax.config.jax_enable_x64 else jnp.int32).astype(jnp.int32)
    s1 = 1.0 / np.sqrt(IN_DIM)
    s2 = 1.0 / np.sqrt(HIDDEN_DIM)
    W1 = jax.random.uniform(k3, (IN_DIM, HIDDEN_DIM), dtype=jnp.float32, minval=-s1, maxval=s1)
    b1 = jnp.zeros((HIDDEN_DIM,), dtype=jnp.float32)
    W2 = jax.random.uniform(k4, (HIDDEN_DIM, HIDDEN_DIM), dtype=jnp.float32, minval=-s2, maxval=s2)
    b2 = jnp.zeros((HIDDEN_DIM,), dtype=jnp.float32)
    return {"x": x, "edge_index": edge_index, "W1": W1, "b1": b1, "W2": W2, "b2": b2}


def reference(x, edge_index, W1, b1, W2, b2):
    src, dst = edge_index[0], edge_index[1]
    h = gcn_conv(x, src, dst, W1, b1, N_NODES)
    h = jax.nn.relu(h)
    # dropout is identity in eval mode
    out = gcn_conv(h, src, dst, W2, b2, N_NODES)
    return out

if __name__ == "__main__":
    import jax
    _d = setup_inputs()
    print(jax.jit(kernel)(*tuple(_d.values())))

</pallas_src>

<mosaic_0001>
#map = affine_map<(d0, d1) -> (0, 0)>
#map1 = affine_map<(d0, d1) -> (0)>
#map2 = affine_map<(d0, d1) -> (0, 0, 0)>
module attributes {stable_mosaic.version = 14 : i64} {
  func.func @_sc_route(%arg0: i32, %arg1: i32, %arg2: memref<16x20224xi32, #tpu.memory_space<hbm>>, %arg3: memref<16x20224xi32, #tpu.memory_space<hbm>>, %arg4: memref<416xf32, #tpu.memory_space<hbm>>, %arg5: memref<128xf32, #tpu.memory_space<hbm>>, %arg6: memref<10192xf32, #tpu.memory_space<hbm>>, %arg7: memref<32x158x128xi32, #tpu.memory_space<hbm>>, %arg8: memref<32x158x128xi32, #tpu.memory_space<hbm>>, %arg9: memref<32x16xi32, #tpu.memory_space<hbm>>, %arg10: memref<20224xi32, #tpu.memory_space<vmem>>, %arg11: memref<20224xi32, #tpu.memory_space<vmem>>, %arg12: memref<158x128xi32, #tpu.memory_space<vmem>>, %arg13: memref<158x128xi32, #tpu.memory_space<vmem>>, %arg14: memref<128xf32, #tpu.memory_space<vmem>>, %arg15: memref<416xf32, #tpu.memory_space<vmem>>, %arg16: memref<16xi32, #tpu.memory_space<vmem>>, %arg17: memref<5096xf32, #tpu.memory_space<vmem_shared>>) attributes {dimension_semantics = [#tpu.dimension_semantics<core_parallel>, #tpu.dimension_semantics<subcore_parallel>], iteration_bounds = array<i64: 2, 16>, scalar_prefetch = 0 : i64, scratch_operands = 8 : i64, tpu.core_type = #tpu.core_type<sc_vector_subcore>, window_params = [{transform_indices = #map}, {transform_indices = #map}, {transform_indices = #map1}, {transform_indices = #map1}, {transform_indices = #map1}, {transform_indices = #map2}, {transform_indices = #map2}, {transform_indices = #map}]} {
    %mul3A = arith.constant 16 : i32
    %mul3A_0 = arith.muli %arg0, %mul3A : i32
    %add3A = arith.addi %mul3A_0, %arg1 : i32
    "tpu.region"() ({
      %run_scoped3A = tpu.sem_alloc : memref<!tpu.dma_semaphore, #tpu.memory_space<semaphore_mem>>
      %dma_start3A = arith.constant 0 : i32
      %dma_start3A_69 = tpu.memref_slice %arg2[%arg1, %dma_start3A] : memref<16x20224xi32, #tpu.memory_space<hbm>> -> memref<1x20224xi32, #tpu.memory_space<hbm>>
      %dma_start3A_70 = tpu.memref_squeeze %dma_start3A_69 : memref<1x20224xi32, #tpu.memory_space<hbm>> -> memref<20224xi32, #tpu.memory_space<hbm>>
      %dma_start3A_71 = arith.constant 0 : i32
      %dma_start3A_72 = tpu.memref_slice %arg2[%arg1, %dma_start3A_71] : memref<16x20224xi32, #tpu.memory_space<hbm>> -> memref<1x20224xi32, #tpu.memory_space<hbm>>
      %dma_start3A_73 = tpu.memref_squeeze %dma_start3A_72 : memref<1x20224xi32, #tpu.memory_space<hbm>> -> memref<20224xi32, #tpu.memory_space<hbm>>
      tpu.enqueue_dma source(%dma_start3A_73 : memref<20224xi32, #tpu.memory_space<hbm>>) target(%arg10 : memref<20224xi32, #tpu.memory_space<vmem>>) target_semaphore(%run_scoped3A : memref<!tpu.dma_semaphore, #tpu.memory_space<semaphore_mem>>)
      %dma_wait3A = arith.constant 0 : i32
      %dma_wait3A_74 = tpu.memref_slice %arg2[%arg1, %dma_wait3A] : memref<16x20224xi32, #tpu.memory_space<hbm>> -> memref<1x20224xi32, #tpu.memory_space<hbm>>
      %dma_wait3A_75 = tpu.memref_squeeze %dma_wait3A_74 : memref<1x20224xi32, #tpu.memory_space<hbm>> -> memref<20224xi32, #tpu.memory_space<hbm>>
      %dma_wait3A_76 = arith.constant 0 : i32
      %dma_wait3A_77 = tpu.memref_slice %arg2[%arg1, %dma_wait3A_76] : memref<16x20224xi32, #tpu.memory_space<hbm>> -> memref<1x20224xi32, #tpu.memory_space<hbm>>
      %dma_wait3A_78 = tpu.memref_squeeze %dma_wait3A_77 : memref<1x20224xi32, #tpu.memory_space<hbm>> -> memref<20224xi32, #tpu.memory_space<hbm>>
      tpu.wait_dma2 semaphore(%run_scoped3A : memref<!tpu.dma_semaphore, #tpu.memory_space<semaphore_mem>>) src(%dma_wait3A_78 : memref<20224xi32, #tpu.memory_space<hbm>>) dst(%arg10 : memref<20224xi32, #tpu.memory_space<vmem>>)
      tpu.yield
    }) : () -> ()
    "tpu.region"() ({
      %run_scoped3A = tpu.sem_alloc : memref<!tpu.dma_semaphore, #tpu.memory_space<semaphore_mem>>
      %dma_start3A = arith.constant 0 : i32
      %dma_start3A_69 = tpu.memref_slice %arg3[%arg1, %dma_start3A] : memref<16x20224xi32, #tpu.memory_space<hbm>> -> memref<1x20224xi32, #tpu.memory_space<hbm>>
      %dma_start3A_70 = tpu.memref_squeeze %dma_start3A_69 : memref<1x20224xi32, #tpu.memory_space<hbm>> -> memref<20224xi32, #tpu.memory_space<hbm>>
      %dma_start3A_71 = arith.constant 0 : i32
      %dma_start3A_72 = tpu.memref_slice %arg3[%arg1, %dma_start3A_71] : memref<16x20224xi32, #tpu.memory_space<hbm>> -> memref<1x20224xi32, #tpu.memory_space<hbm>>
      %dma_start3A_73 = tpu.memref_squeeze %dma_start3A_72 : memref<1x20224xi32, #tpu.memory_space<hbm>> -> memref<20224xi32, #tpu.memory_space<hbm>>
      tpu.enqueue_dma source(%dma_start3A_73 : memref<20224xi32, #tpu.memory_space<hbm>>) target(%arg11 : memref<20224xi32, #tpu.memory_space<vmem>>) target_semaphore(%run_scoped3A : memref<!tpu.dma_semaphore, #tpu.memory_space<semaphore_mem>>)
      %dma_wait3A = arith.constant 0 : i32
      %dma_wait3A_74 = tpu.memref_slice %arg3[%arg1, %dma_wait3A] : memref<16x20224xi32, #tpu.memory_space<hbm>> -> memref<1x20224xi32, #tpu.memory_space<hbm>>
      %dma_wait3A_75 = tpu.memref_squeeze %dma_wait3A_74 : memref<1x20224xi32, #tpu.memory_space<hbm>> -> memref<20224xi32, #tpu.memory_space<hbm>>
      %dma_wait3A_76 = arith.constant 0 : i32
      %dma_wait3A_77 = tpu.memref_slice %arg3[%arg1, %dma_wait3A_76] : memref<16x20224xi32, #tpu.memory_space<hbm>> -> memref<1x20224xi32, #tpu.memory_space<hbm>>
      %dma_wait3A_78 = tpu.memref_squeeze %dma_wait3A_77 : memref<1x20224xi32, #tpu.memory_space<hbm>> -> memref<20224xi32, #tpu.memory_space<hbm>>
      tpu.wait_dma2 semaphore(%run_scoped3A : memref<!tpu.dma_semaphore, #tpu.memory_space<semaphore_mem>>) src(%dma_wait3A_78 : memref<20224xi32, #tpu.memory_space<hbm>>) dst(%arg11 : memref<20224xi32, #tpu.memory_space<vmem>>)
      tpu.yield
    }) : () -> ()
    "tpu.region"() ({
      %run_scoped3A = tpu.sem_alloc : memref<!tpu.dma_semaphore, #tpu.memory_space<semaphore_mem>>
      tpu.enqueue_dma source(%arg5 : memref<128xf32, #tpu.memory_space<hbm>>) target(%arg14 : memref<128xf32, #tpu.memory_space<vmem>>) target_semaphore(%run_scoped3A : memref<!tpu.dma_semaphore, #tpu.memory_space<semaphore_mem>>)
      tpu.wait_dma2 semaphore(%run_scoped3A : memref<!tpu.dma_semaphore, #tpu.memory_space<semaphore_mem>>) src(%arg5 : memref<128xf32, #tpu.memory_space<hbm>>) dst(%arg14 : memref<128xf32, #tpu.memory_space<vmem>>)
      tpu.yield
    }) : () -> ()
    "tpu.region"() ({
      %run_scoped3A = tpu.sem_alloc : memref<!tpu.dma_semaphore, #tpu.memory_space<semaphore_mem>>
      tpu.enqueue_dma source(%arg4 : memref<416xf32, #tpu.memory_space<hbm>>) target(%arg15 : memref<416xf32, #tpu.memory_space<vmem>>) target_semaphore(%run_scoped3A : memref<!tpu.dma_semaphore, #tpu.memory_space<semaphore_mem>>)
      tpu.wait_dma2 semaphore(%run_scoped3A : memref<!tpu.dma_semaphore, #tpu.memory_space<semaphore_mem>>) src(%arg4 : memref<416xf32, #tpu.memory_space<hbm>>) dst(%arg15 : memref<416xf32, #tpu.memory_space<vmem>>)
      tpu.yield
    }) : () -> ()
    %mul3A_1 = arith.constant 312 : i32
    %mul3A_2 = arith.muli %arg1, %mul3A_1 : i32
    "tpu.region"() ({
      %run_scoped3A = tpu.sem_alloc : memref<!tpu.dma_semaphore, #tpu.memory_space<semaphore_mem>>
      %dma_start3A = arith.constant 0 : i32
      %dma_start3A_69 = tpu.memref_slice %arg15[%dma_start3A] : memref<416xf32, #tpu.memory_space<vmem>> -> memref<312xf32, #tpu.memory_space<vmem>>
      %dma_start3A_70 = tpu.memref_slice %arg17[%mul3A_2] : memref<5096xf32, #tpu.memory_space<vmem_shared>> -> memref<312xf32, #tpu.memory_space<vmem_shared>>
      %dma_start3A_71 = tpu.memref_slice %arg17[%mul3A_2] : memref<5096xf32, #tpu.memory_space<vmem_shared>> -> memref<312xf32, #tpu.memory_space<vmem_shared>>
      %dma_start3A_72 = arith.constant 0 : i32
      %dma_start3A_73 = tpu.memref_slice %arg15[%dma_start3A_72] : memref<416xf32, #tpu.memory_space<vmem>> -> memref<312xf32, #tpu.memory_space<vmem>>
      tpu.enqueue_dma source(%dma_start3A_73 : memref<312xf32, #tpu.memory_space<vmem>>) target(%dma_start3A_71 : memref<312xf32, #tpu.memory_space<vmem_shared>>) target_semaphore(%run_scoped3A : memref<!tpu.dma_semaphore, #tpu.memory_space<semaphore_mem>>)
      %dma_wait3A = arith.constant 0 : i32
      %dma_wait3A_74 = tpu.memref_slice %arg15[%dma_wait3A] : memref<416xf32, #tpu.memory_space<vmem>> -> memref<312xf32, #tpu.memory_space<vmem>>
      %dma_wait3A_75 = tpu.memref_slice %arg17[%mul3A_2] : memref<5096xf32, #tpu.memory_space<vmem_shared>> -> memref<312xf32, #tpu.memory_space<vmem_shared>>
      %dma_wait3A_76 = tpu.memref_slice %arg17[%mul3A_2] : memref<5096xf32, #tpu.memory_space<vmem_shared>> -> memref<312xf32, #tpu.memory_space<vmem_shared>>
      %dma_wait3A_77 = arith.constant 0 : i32
      %dma_wait3A_78 = tpu.memref_slice %arg15[%dma_wait3A_77] : memref<416xf32, #tpu.memory_space<vmem>> -> memref<312xf32, #tpu.memory_space<vmem>>
      tpu.wait_dma2 semaphore(%run_scoped3A : memref<!tpu.dma_semaphore, #tpu.memory_space<semaphore_mem>>) src(%dma_wait3A_78 : memref<312xf32, #tpu.memory_space<vmem>>) dst(%dma_wait3A_76 : memref<312xf32, #tpu.memory_space<vmem_shared>>)
      tpu.yield
    }) : () -> ()
    %eq3A = arith.constant 0 : i32
    %eq3A_3 = arith.cmpi eq, %arg1, %eq3A : i32
    %convert_element_type3A = arith.extui %eq3A_3 : i1 to i32
    %cond3A = arith.constant 0 : i32
    %cond3A_4 = arith.cmpi ne, %convert_element_type3A, %cond3A : i32
    scf.if %cond3A_4 {
      "tpu.region"() ({
        %run_scoped3A = tpu.sem_alloc : memref<!tpu.dma_semaphore, #tpu.memory_space<semaphore_mem>>
        %dma_start3A = arith.constant 0 : i32
        %dma_start3A_69 = tpu.memref_slice %arg15[%dma_start3A] : memref<416xf32, #tpu.memory_space<vmem>> -> memref<104xf32, #tpu.memory_space<vmem>>
        %dma_start3A_70 = arith.constant 4992 : i32
        %dma_start3A_71 = tpu.memref_slice %arg17[%dma_start3A_70] : memref<5096xf32, #tpu.memory_space<vmem_shared>> -> memref<104xf32, #tpu.memory_space<vmem_shared>>
        %dma_start3A_72 = arith.constant 4992 : i32
        %dma_start3A_73 = tpu.memref_slice %arg17[%dma_start3A_72] : memref<5096xf32, #tpu.memory_space<vmem_shared>> -> memref<104xf32, #tpu.memory_space<vmem_shared>>
        %dma_start3A_74 = arith.constant 0 : i32
        %dma_start3A_75 = tpu.memref_slice %arg15[%dma_start3A_74] : memref<416xf32, #tpu.memory_space<vmem>> -> memref<104xf32, #tpu.memory_space<vmem>>
        tpu.enqueue_dma source(%dma_start3A_75 : memref<104xf32, #tpu.memory_space<vmem>>) target(%dma_start3A_73 : memref<104xf32, #tpu.memory_space<vmem_shared>>) target_semaphore(%run_scoped3A : memref<!tpu.dma_semaphore, #tpu.memory_space<semaphore_mem>>)
        %dma_wait3A = arith.constant 0 : i32
        %dma_wait3A_76 = tpu.memref_slice %arg15[%dma_wait3A] : memref<416xf32, #tpu.memory_space<vmem>> -> memref<104xf32, #tpu.memory_space<vmem>>
        %dma_wait3A_77 = arith.constant 4992 : i32
        %dma_wait3A_78 = tpu.memref_slice %arg17[%dma_wait3A_77] : memref<5096xf32, #tpu.memory_space<vmem_shared>> -> memref<104xf32, #tpu.memory_space<vmem_shared>>
        %dma_wait3A_79 = arith.constant 4992 : i32
        %dma_wait3A_80 = tpu.memref_slice %arg17[%dma_wait3A_79] : memref<5096xf32, #tpu.memory_space<vmem_shared>> -> memref<104xf32, #tpu.memory_space<vmem_shared>>
        %dma_wait3A_81 = arith.constant 0 : i32
        %dma_wait3A_82 = tpu.memref_slice %arg15[%dma_wait3A_81] : memref<416xf32, #tpu.memory_space<vmem>> -> memref<104xf32, #tpu.memory_space<vmem>>
        tpu.wait_dma2 semaphore(%run_scoped3A : memref<!tpu.dma_semaphore, #tpu.memory_space<semaphore_mem>>) src(%dma_wait3A_82 : memref<104xf32, #tpu.memory_space<vmem>>) dst(%dma_wait3A_80 : memref<104xf32, #tpu.memory_space<vmem_shared>>)
        tpu.yield
      }) : () -> ()
    } else {
    }
    %broadcast_in_dim3A = arith.constant 0 : i32
    %broadcast_in_dim3A_5 = vector.broadcast %broadcast_in_dim3A : i32 to vector<16xi32>
    %broadcast_in_dim3A_6 = arith.constant 5000 : i32
    %broadcast_in_dim3A_7 = vector.broadcast %broadcast_in_dim3A_6 : i32 to vector<16xi32>
    %scan3A = arith.constant 0 : i32
    %scan3A_8 = arith.constant 0 : i32
    %scan3A_9 = arith.constant 158 : i32
    %scan3A_10 = arith.addi %scan3A_8, %scan3A_9 : i32
    %scan3A_11 = arith.constant 1 : i32
    scf.for %scan3A_69 = %scan3A_8 to %scan3A_10 step %scan3A_11  : i32 {
      %swap3A_70 = arith.index_cast %scan3A_69 : i32 to index
      %swap3A_71 = arith.constant 0 : index
      %swap3A_72 = tpu.vector_load %arg12[%swap3A_70, %swap3A_71] {strides = array<i32>} : memref<158x128xi32, #tpu.memory_space<vmem>>, vector<16xi32>,
      tpu.vector_store %arg12[%swap3A_70, %swap3A_71], %broadcast_in_dim3A_5 {strides = array<i32>} : memref<158x128xi32, #tpu.memory_space<vmem>>, vector<16xi32>,
      %swap3A_73 = arith.index_cast %scan3A_69 : i32 to index
      %swap3A_74 = arith.constant 0 : index
      %swap3A_75 = tpu.vector_load %arg13[%swap3A_73, %swap3A_74] {strides = array<i32>} : memref<158x128xi32, #tpu.memory_space<vmem>>, vector<16xi32>,
      tpu.vector_store %arg13[%swap3A_73, %swap3A_74], %broadcast_in_dim3A_7 {strides = array<i32>} : memref<158x128xi32, #tpu.memory_space<vmem>>, vector<16xi32>,
      %swap3A_76 = arith.index_cast %scan3A_69 : i32 to index
      %swap3A_77 = arith.constant 16 : index
      %swap3A_78 = tpu.vector_load %arg12[%swap3A_76, %swap3A_77] {strides = array<i32>} : memref<158x128xi32, #tpu.memory_space<vmem>>, vector<16xi32>,
      tpu.vector_store %arg12[%swap3A_76, %swap3A_77], %broadcast_in_dim3A_5 {strides = array<i32>} : memref<158x128xi32, #tpu.memory_space<vmem>>, vector<16xi32>,
      %swap3A_79 = arith.index_cast %scan3A_69 : i32 to index
      %swap3A_80 = arith.constant 16 : index
      %swap3A_81 = tpu.vector_load %arg13[%swap3A_79, %swap3A_80] {strides = array<i32>} : memref<158x128xi32, #tpu.memory_space<vmem>>, vector<16xi32>,
      tpu.vector_store %arg13[%swap3A_79, %swap3A_80], %broadcast_in_dim3A_7 {strides = array<i32>} : memref<158x128xi32, #tpu.memory_space<vmem>>, vector<16xi32>,
      %swap3A_82 = arith.index_cast %scan3A_69 : i32 to index
      %swap3A_83 = arith.constant 32 : index
      %swap3A_84 = tpu.vector_load %arg12[%swap3A_82, %swap3A_83] {strides = array<i32>} : memref<158x128xi32, #tpu.memory_space<vmem>>, vector<16xi32>,
      tpu.vector_store %arg12[%swap3A_82, %swap3A_83], %broadcast_in_dim3A_5 {strides = array<i32>} : memref<158x128xi32, #tpu.memory_space<vmem>>, vector<16xi32>,
      %swap3A_85 = arith.index_cast %scan3A_69 : i32 to index
      %swap3A_86 = arith.constant 32 : index
      %swap3A_87 = tpu.vector_load %arg13[%swap3A_85, %swap3A_86] {strides = array<i32>} : memref<158x128xi32, #tpu.memory_space<vmem>>, vector<16xi32>,
      tpu.vector_store %arg13[%swap3A_85, %swap3A_86], %broadcast_in_dim3A_7 {strides = array<i32>} : memref<158x128xi32, #tpu.memory_space<vmem>>, vector<16xi32>,
      %swap3A_88 = arith.index_cast %scan3A_69 : i32 to index
      %swap3A_89 = arith.constant 48 : index
      %swap3A_90 = tpu.vector_load %arg12[%swap3A_88, %swap3A_89] {strides = array<i32>} : memref<158x128xi32, #tpu.memory_space<vmem>>, vector<16xi32>,
      tpu.vector_store %arg12[%swap3A_88, %swap3A_89], %broadcast_in_dim3A_5 {strides = array<i32>} : memref<158x128xi32, #tpu.memory_space<vmem>>, vector<16xi32>,
      %swap3A_91 = arith.index_cast %scan3A_69 : i32 to index
      %swap3A_92 = arith.constant 48 : index
      %swap3A_93 = tpu.vector_load %arg13[%swap3A_91, %swap3A_92] {strides = array<i32>} : memref<158x128xi32, #tpu.memory_space<vmem>>, vector<16xi32>,
      tpu.vector_store %arg13[%swap3A_91, %swap3A_92], %broadcast_in_dim3A_7 {strides = array<i32>} : memref<158x128xi32, #tpu.memory_space<vmem>>, vector<16xi32>,
      %swap3A_94 = arith.index_cast %scan3A_69 : i32 to index
      %swap3A_95 = arith.constant 64 : index
      %swap3A_96 = tpu.vector_load %arg12[%swap3A_94, %swap3A_95] {strides = array<i32>} : memref<158x128xi32, #tpu.memory_space<vmem>>, vector<16xi32>,
      tpu.vector_store %arg12[%swap3A_94, %swap3A_95], %broadcast_in_dim3A_5 {strides = array<i32>} : memref<158x128xi32, #tpu.memory_space<vmem>>, vector<16xi32>,
      %swap3A_97 = arith.index_cast %scan3A_69 : i32 to index
      %swap3A_98 = arith.constant 64 : index
      %swap3A_99 = tpu.vector_load %arg13[%swap3A_97, %swap3A_98] {strides = array<i32>} : memref<158x128xi32, #tpu.memory_space<vmem>>, vector<16xi32>,
      tpu.vector_store %arg13[%swap3A_97, %swap3A_98], %broadcast_in_dim3A_7 {strides = array<i32>} : memref<158x128xi32, #tpu.memory_space<vmem>>, vector<16xi32>,
      %swap3A_100 = arith.index_cast %scan3A_69 : i32 to index
      %swap3A_101 = arith.constant 80 : index
      %swap3A_102 = tpu.vector_load %arg12[%swap3A_100, %swap3A_101] {strides = array<i32>} : memref<158x128xi32, #tpu.memory_space<vmem>>, vector<16xi32>,
      tpu.vector_store %arg12[%swap3A_100, %swap3A_101], %broadcast_in_dim3A_5 {strides = array<i32>} : memref<158x128xi32, #tpu.memory_space<vmem>>, vector<16xi32>,
      %swap3A_103 = arith.index_cast %scan3A_69 : i32 to index
      %swap3A_104 = arith.constant 80 : index
      %swap3A_105 = tpu.vector_load %arg13[%swap3A_103, %swap3A_104] {strides = array<i32>} : memref<158x128xi32, #tpu.memory_space<vmem>>, vector<16xi32>,
      tpu.vector_store %arg13[%swap3A_103, %swap3A_104], %broadcast_in_dim3A_7 {strides = array<i32>} : memref<158x128xi32, #tpu.memory_space<vmem>>, vector<16xi32>,
      %swap3A_106 = arith.index_cast %scan3A_69 : i32 to index
      %swap3A_107 = arith.constant 96 : index
      %swap3A_108 = tpu.vector_load %arg12[%swap3A_106, %swap3A_107] {strides = array<i32>} : memref<158x128xi32, #tpu.memory_space<vmem>>, vector<16xi32>,
      tpu.vector_store %arg12[%swap3A_106, %swap3A_107], %broadcast_in_dim3A_5 {strides = array<i32>} : memref<158x128xi32, #tpu.memory_space<vmem>>, vector<16xi32>,
      %swap3A_109 = arith.index_cast %scan3A_69 : i32 to index
      %swap3A_110 = arith.constant 96 : index
      %swap3A_111 = tpu.vector_load %arg13[%swap3A_109, %swap3A_110] {strides = array<i32>} : memref<158x128xi32, #tpu.memory_space<vmem>>, vector<16xi32>,
      tpu.vector_store %arg13[%swap3A_109, %swap3A_110], %broadcast_in_dim3A_7 {strides = array<i32>} : memref<158x128xi32, #tpu.memory_space<vmem>>, vector<16xi32>,
      %swap3A_112 = arith.index_cast %scan3A_69 : i32 to index
      %swap3A_113 = arith.constant 112 : index
      %swap3A_114 = tpu.vector_load %arg12[%swap3A_112, %swap3A_113] {strides = array<i32>} : memref<158x128xi32, #tpu.memory_space<vmem>>, vector<16xi32>,
      tpu.vector_store %arg12[%swap3A_112, %swap3A_113], %broadcast_in_dim3A_5 {strides = array<i32>} : memref<158x128xi32, #tpu.memory_space<vmem>>, vector<16xi32>,
      %swap3A_115 = arith.index_cast %scan3A_69 : i32 to index
      %swap3A_116 = arith.constant 112 : index
      %swap3A_117 = tpu.vector_load %arg13[%swap3A_115, %swap3A_116] {strides = array<i32>} : memref<158x128xi32, #tpu.memory_space<vmem>>, vector<16xi32>,
      tpu.vector_store %arg13[%swap3A_115, %swap3A_116], %broadcast_in_dim3A_7 {strides = array<i32>} : memref<158x128xi32, #tpu.memory_space<vmem>>, vector<16xi32>,
    }
    %scan3A_12 = arith.constant 158 : i32
    %mul3A_13 = arith.constant 5000 : i32
    %mul3A_14 = arith.muli %arg0, %mul3A_13 : i32
    %scan3A_15 = arith.constant 0 : i32
    %scan3A_16 = arith.constant 0 : i32
    %scan3A_17 = arith.constant 1264 : i32
    %scan3A_18 = arith.addi %scan3A_16, %scan3A_17 : i32
    %scan3A_19 = arith.constant 1 : i32
    %scan3A_20 = scf.for %scan3A_69 = %scan3A_16 to %scan3A_18 step %scan3A_19 iter_args(%scan3A_70 = %scan3A_15) -> (i32)  : i32 {
      %mul3A_71 = arith.constant 16 : i32
      %mul3A_72 = arith.muli %scan3A_69, %mul3A_71 : i32
      %multiple_of3A = tpu.assume_multiple %mul3A_72, 16 : i32
      %get3A = arith.index_cast %multiple_of3A : i32 to index
      %get3A_73 = tpu.vector_load %arg10[%get3A] {strides = array<i32>} : memref<20224xi32, #tpu.memory_space<vmem>>, vector<16xi32>,
      %get3A_74 = arith.index_cast %multiple_of3A : i32 to index
      %get3A_75 = tpu.vector_load %arg11[%get3A_74] {strides = array<i32>} : memref<20224xi32, #tpu.memory_space<vmem>>, vector<16xi32>,
      %sub3A_76 = vector.broadcast %mul3A_14 : i32 to vector<16xi32>
      %sub3A_77 = arith.subi %get3A_75, %sub3A_76 : vector<16xi32>
      %ge3A = arith.constant 0 : i32
      %ge3A_78 = vector.broadcast %ge3A : i32 to vector<16xi32>
      %ge3A_79 = arith.cmpi sge, %sub3A_77, %ge3A_78 : vector<16xi32>
      %lt3A = arith.constant 5000 : i32
      %lt3A_80 = vector.broadcast %lt3A : i32 to vector<16xi32>
      %lt3A_81 = arith.cmpi slt, %sub3A_77, %lt3A_80 : vector<16xi32>
      %and3A_82 = arith.andi %ge3A_79, %lt3A_81 : vector<16xi1>
      %jit3A_83 = arith.constant 1 : i32
      %jit3A_84 = arith.constant 0 : i32
      %broadcast_in_dim3A_85 = vector.broadcast %jit3A_83 : i32 to vector<16xi32>
      %broadcast_in_dim3A_86 = vector.broadcast %jit3A_84 : i32 to vector<16xi32>
      %select_n3A_87 = arith.select %and3A_82, %broadcast_in_dim3A_85, %broadcast_in_dim3A_86 : vector<16xi1>, vector<16xi32>
      %sub3A_88 = arith.constant 1 : i32
      %sub3A_89 = arith.subi %scan3A_70, %sub3A_88 : i32
      %broadcast_in_dim3A_90 = arith.constant true
      %broadcast_in_dim3A_91 = vector.broadcast %broadcast_in_dim3A_90 : i1 to vector<16xi1>
      %masked_cumsum3A = tpu.scan <sum>, %select_n3A_87 masked %broadcast_in_dim3A_91 : vector<16xi32>, vector<16xi1> -> vector<16xi32>
      %add3A_92 = vector.broadcast %sub3A_89 : i32 to vector<16xi32>
      %add3A_93 = arith.addi %add3A_92, %masked_cumsum3A : vector<16xi32>
      %shift_right_arithmetic3A = arith.constant 7 : i32
      %shift_right_arithmetic3A_94 = vector.broadcast %shift_right_arithmetic3A : i32 to vector<16xi32>
      %shift_right_arithmetic3A_95 = arith.shrsi %add3A_93, %shift_right_arithmetic3A_94 : vector<16xi32>
      %and3A_96 = arith.constant 127 : i32
      %and3A_97 = vector.broadcast %and3A_96 : i32 to vector<16xi32>
      %and3A_98 = arith.andi %add3A_93, %and3A_97 : vector<16xi32>
      tpu.vector_store_idx %arg13[%shift_right_arithmetic3A_95, %and3A_98], %sub3A_77 masked %and3A_82 : memref<158x128xi32, #tpu.memory_space<vmem>>[vector<16xi32>, vector<16xi32>], vector<16xi32>, vector<16xi1>
      tpu.vector_store_idx %arg12[%shift_right_arithmetic3A_95, %and3A_98], %get3A_73 masked %and3A_82 : memref<158x128xi32, #tpu.memory_space<vmem>>[vector<16xi32>, vector<16xi32>], vector<16xi32>, vector<16xi1>
      %reduce_sum3A = arith.constant true
      %reduce_sum3A_99 = vector.broadcast %reduce_sum3A : i1 to vector<16xi1>
      %reduce_sum3A_100 = tpu.scan <sum>, %select_n3A_87 masked %reduce_sum3A_99 : vector<16xi32>, vector<16xi1> -> vector<16xi32>
      %reduce_sum3A_101 = vector.extract %reduce_sum3A_100[15] : i32 from vector<16xi32>
      %add3A_102 = arith.addi %scan3A_70, %reduce_sum3A_101 : i32
      scf.yield %add3A_102 : i32
    }
    %scan3A_21 = arith.constant 1264 : i32
    %barrier3A = arith.constant 0 : index
    tpu.barrier barrier_id(%barrier3A)
    %add3A_22 = arith.constant 128 : i32
    %add3A_23 = arith.addi %scan3A_20, %add3A_22 : i32
    %sub3A = arith.constant 1 : i32
    %sub3A_24 = arith.subi %add3A_23, %sub3A : i32
    %jit3A = arith.constant 128 : i32
    %div3A = arith.divsi %sub3A_24, %jit3A : i32
    %sign3A = arith.constant 0 : i32
    %sign3A_25 = arith.cmpi sgt, %sub3A_24, %sign3A : i32
    %sign3A_26 = arith.extui %sign3A_25 : i1 to i32
    %sign3A_27 = arith.constant 0 : i32
    %sign3A_28 = arith.cmpi slt, %sub3A_24, %sign3A_27 : i32
    %sign3A_29 = arith.extui %sign3A_28 : i1 to i32
    %sign3A_30 = arith.subi %sign3A_26, %sign3A_29 : i32
    %sign3A_31 = arith.constant 0 : i32
    %sign3A_32 = arith.cmpi sgt, %jit3A, %sign3A_31 : i32
    %sign3A_33 = arith.extui %sign3A_32 : i1 to i32
    %sign3A_34 = arith.constant 0 : i32
    %sign3A_35 = arith.cmpi slt, %jit3A, %sign3A_34 : i32
    %sign3A_36 = arith.extui %sign3A_35 : i1 to i32
    %sign3A_37 = arith.subi %sign3A_33, %sign3A_36 : i32
    %ne3A = arith.cmpi ne, %sign3A_30, %sign3A_37 : i32
    %rem3A = arith.remsi %sub3A_24, %jit3A : i32
    %ne3A_38 = arith.constant 0 : i32
    %ne3A_39 = arith.cmpi ne, %rem3A, %ne3A_38 : i32
    %and3A = arith.andi %ne3A, %ne3A_39 : i1
    %sub3A_40 = arith.constant 1 : i32
    %sub3A_41 = arith.subi %div3A, %sub3A_40 : i32
    %select_n3A = arith.select %and3A, %sub3A_41, %div3A : i32
    %while3A = arith.constant 0 : i32
    %while3A_42 = arith.constant 0 : i32
    %while3A_43 = arith.subi %select_n3A, %while3A_42 : i32
    %while3A_44 = arith.addi %while3A_42, %while3A_43 : i32
    %while3A_45 = arith.constant 1 : i32
    %while3A_46 = arith.divsi %while3A_43, %while3A_45 : i32
    %while3A_47 = arith.muli %while3A_46, %while3A_45 : i32
    %while3A_48 = arith.addi %while3A_42, %while3A_47 : i32
    %while3A_49 = arith.constant 1 : i32
    scf.for %while3A_69 = %while3A_42 to %while3A_48 step %while3A_49  : i32 {
      "tpu.region"() ({
        %run_scoped3A = tpu.sem_alloc : memref<!tpu.dma_semaphore, #tpu.memory_space<semaphore_mem>>
        %dma_start3A = arith.constant 0 : i32
        %dma_start3A_70 = tpu.memref_slice %arg13[%while3A_69, %dma_start3A] : memref<158x128xi32, #tpu.memory_space<vmem>> -> memref<1x128xi32, #tpu.memory_space<vmem>>
        %dma_start3A_71 = tpu.memref_squeeze %dma_start3A_70 : memref<1x128xi32, #tpu.memory_space<vmem>> -> memref<128xi32, #tpu.memory_space<vmem>>
        %dma_start3A_72 = arith.constant 0 : i32
        %dma_start3A_73 = tpu.memref_slice %arg17[%dma_start3A_72] : memref<5096xf32, #tpu.memory_space<vmem_shared>> -> memref<5096xf32, #tpu.memory_space<vmem_shared>>
        tpu.enqueue_indirect_dma source(%arg14 : memref<128xf32, #tpu.memory_space<vmem>>) target(%dma_start3A_73 : memref<5096xf32, #tpu.memory_space<vmem_shared>>) offsets(%dma_start3A_71 : memref<128xi32, #tpu.memory_space<vmem>>) semaphore(%run_scoped3A : memref<!tpu.dma_semaphore, #tpu.memory_space<semaphore_mem>>) {add = true}
        %dma_wait3A = arith.constant 0 : i32
        %dma_wait3A_74 = tpu.memref_slice %arg13[%while3A_69, %dma_wait3A] : memref<158x128xi32, #tpu.memory_space<vmem>> -> memref<1x128xi32, #tpu.memory_space<vmem>>
        %dma_wait3A_75 = tpu.memref_squeeze %dma_wait3A_74 : memref<1x128xi32, #tpu.memory_space<vmem>> -> memref<128xi32, #tpu.memory_space<vmem>>
        %dma_wait3A_76 = arith.constant 0 : i32
        %dma_wait3A_77 = tpu.memref_slice %arg17[%dma_wait3A_76] : memref<5096xf32, #tpu.memory_space<vmem_shared>> -> memref<5096xf32, #tpu.memory_space<vmem_shared>>
        tpu.wait_indirect_dma semaphore(%run_scoped3A : memref<!tpu.dma_semaphore, #tpu.memory_space<semaphore_mem>>) src(%arg14 : memref<128xf32, #tpu.memory_space<vmem>>) dst(%dma_wait3A_77 : memref<5096xf32, #tpu.memory_space<vmem_shared>>)
        tpu.yield
      }) : () -> ()
    }
    %while3A_50 = arith.constant 1 : i32
    scf.for %while3A_69 = %while3A_48 to %while3A_44 step %while3A_50  : i32 {
      "tpu.region"() ({
        %run_scoped3A = tpu.sem_alloc : memref<!tpu.dma_semaphore, #tpu.memory_space<semaphore_mem>>
        %dma_start3A = arith.constant 0 : i32
        %dma_start3A_70 = tpu.memref_slice %arg13[%while3A_69, %dma_start3A] : memref<158x128xi32, #tpu.memory_space<vmem>> -> memref<1x128xi32, #tpu.memory_space<vmem>>
        %dma_start3A_71 = tpu.memref_squeeze %dma_start3A_70 : memref<1x128xi32, #tpu.memory_space<vmem>> -> memref<128xi32, #tpu.memory_space<vmem>>
        %dma_start3A_72 = arith.constant 0 : i32
        %dma_start3A_73 = tpu.memref_slice %arg17[%dma_start3A_72] : memref<5096xf32, #tpu.memory_space<vmem_shared>> -> memref<5096xf32, #tpu.memory_space<vmem_shared>>
        tpu.enqueue_indirect_dma source(%arg14 : memref<128xf32, #tpu.memory_space<vmem>>) target(%dma_start3A_73 : memref<5096xf32, #tpu.memory_space<vmem_shared>>) offsets(%dma_start3A_71 : memref<128xi32, #tpu.memory_space<vmem>>) semaphore(%run_scoped3A : memref<!tpu.dma_semaphore, #tpu.memory_space<semaphore_mem>>) {add = true}
        %dma_wait3A = arith.constant 0 : i32
        %dma_wait3A_74 = tpu.memref_slice %arg13[%while3A_69, %dma_wait3A] : memref<158x128xi32, #tpu.memory_space<vmem>> -> memref<1x128xi32, #tpu.memory_space<vmem>>
        %dma_wait3A_75 = tpu.memref_squeeze %dma_wait3A_74 : memref<1x128xi32, #tpu.memory_space<vmem>> -> memref<128xi32, #tpu.memory_space<vmem>>
        %dma_wait3A_76 = arith.constant 0 : i32
        %dma_wait3A_77 = tpu.memref_slice %arg17[%dma_wait3A_76] : memref<5096xf32, #tpu.memory_space<vmem_shared>> -> memref<5096xf32, #tpu.memory_space<vmem_shared>>
        tpu.wait_indirect_dma semaphore(%run_scoped3A : memref<!tpu.dma_semaphore, #tpu.memory_space<semaphore_mem>>) src(%arg14 : memref<128xf32, #tpu.memory_space<vmem>>) dst(%dma_wait3A_77 : memref<5096xf32, #tpu.memory_space<vmem_shared>>)
        tpu.yield
      }) : () -> ()
    }
    "tpu.region"() ({
      %run_scoped3A = tpu.sem_alloc : memref<!tpu.dma_semaphore, #tpu.memory_space<semaphore_mem>>
      %dma_start3A = arith.constant 0 : i32
      %dma_start3A_69 = arith.constant 0 : i32
      %dma_start3A_70 = tpu.memref_slice %arg7[%add3A, %dma_start3A, %dma_start3A_69] : memref<32x158x128xi32, #tpu.memory_space<hbm>> -> memref<1x158x128xi32, #tpu.memory_space<hbm>>
      %dma_start3A_71 = tpu.memref_squeeze %dma_start3A_70 : memref<1x158x128xi32, #tpu.memory_space<hbm>> -> memref<158x128xi32, #tpu.memory_space<hbm>>
      %dma_start3A_72 = arith.constant 0 : i32
      %dma_start3A_73 = arith.constant 0 : i32
      %dma_start3A_74 = tpu.memref_slice %arg7[%add3A, %dma_start3A_72, %dma_start3A_73] : memref<32x158x128xi32, #tpu.memory_space<hbm>> -> memref<1x158x128xi32, #tpu.memory_space<hbm>>
      %dma_start3A_75 = tpu.memref_squeeze %dma_start3A_74 : memref<1x158x128xi32, #tpu.memory_space<hbm>> -> memref<158x128xi32, #tpu.memory_space<hbm>>
      tpu.enqueue_dma source(%arg12 : memref<158x128xi32, #tpu.memory_space<vmem>>) target(%dma_start3A_75 : memref<158x128xi32, #tpu.memory_space<hbm>>) target_semaphore(%run_scoped3A : memref<!tpu.dma_semaphore, #tpu.memory_space<semaphore_mem>>)
      %dma_wait3A = arith.constant 0 : i32
      %dma_wait3A_76 = arith.constant 0 : i32
      %dma_wait3A_77 = tpu.memref_slice %arg7[%add3A, %dma_wait3A, %dma_wait3A_76] : memref<32x158x128xi32, #tpu.memory_space<hbm>> -> memref<1x158x128xi32, #tpu.memory_space<hbm>>
      %dma_wait3A_78 = tpu.memref_squeeze %dma_wait3A_77 : memref<1x158x128xi32, #tpu.memory_space<hbm>> -> memref<158x128xi32, #tpu.memory_space<hbm>>
      %dma_wait3A_79 = arith.constant 0 : i32
      %dma_wait3A_80 = arith.constant 0 : i32
      %dma_wait3A_81 = tpu.memref_slice %arg7[%add3A, %dma_wait3A_79, %dma_wait3A_80] : memref<32x158x128xi32, #tpu.memory_space<hbm>> -> memref<1x158x128xi32, #tpu.memory_space<hbm>>
      %dma_wait3A_82 = tpu.memref_squeeze %dma_wait3A_81 : memref<1x158x128xi32, #tpu.memory_space<hbm>> -> memref<158x128xi32, #tpu.memory_space<hbm>>
      tpu.wait_dma2 semaphore(%run_scoped3A : memref<!tpu.dma_semaphore, #tpu.memory_space<semaphore_mem>>) src(%arg12 : memref<158x128xi32, #tpu.memory_space<vmem>>) dst(%dma_wait3A_82 : memref<158x128xi32, #tpu.memory_space<hbm>>)
      tpu.yield
    }) : () -> ()
    "tpu.region"() ({
      %run_scoped3A = tpu.sem_alloc : memref<!tpu.dma_semaphore, #tpu.memory_space<semaphore_mem>>
      %dma_start3A = arith.constant 0 : i32
      %dma_start3A_69 = arith.constant 0 : i32
      %dma_start3A_70 = tpu.memref_slice %arg8[%add3A, %dma_start3A, %dma_start3A_69] : memref<32x158x128xi32, #tpu.memory_space<hbm>> -> memref<1x158x128xi32, #tpu.memory_space<hbm>>
      %dma_start3A_71 = tpu.memref_squeeze %dma_start3A_70 : memref<1x158x128xi32, #tpu.memory_space<hbm>> -> memref<158x128xi32, #tpu.memory_space<hbm>>
      %dma_start3A_72 = arith.constant 0 : i32
      %dma_start3A_73 = arith.constant 0 : i32
      %dma_start3A_74 = tpu.memref_slice %arg8[%add3A, %dma_start3A_72, %dma_start3A_73] : memref<32x158x128xi32, #tpu.memory_space<hbm>> -> memref<1x158x128xi32, #tpu.memory_space<hbm>>
      %dma_start3A_75 = tpu.memref_squeeze %dma_start3A_74 : memref<1x158x128xi32, #tpu.memory_space<hbm>> -> memref<158x128xi32, #tpu.memory_space<hbm>>
      tpu.enqueue_dma source(%arg13 : memref<158x128xi32, #tpu.memory_space<vmem>>) target(%dma_start3A_75 : memref<158x128xi32, #tpu.memory_space<hbm>>) target_semaphore(%run_scoped3A : memref<!tpu.dma_semaphore, #tpu.memory_space<semaphore_mem>>)
      %dma_wait3A = arith.constant 0 : i32
      %dma_wait3A_76 = arith.constant 0 : i32
      %dma_wait3A_77 = tpu.memref_slice %arg8[%add3A, %dma_wait3A, %dma_wait3A_76] : memref<32x158x128xi32, #tpu.memory_space<hbm>> -> memref<1x158x128xi32, #tpu.memory_space<hbm>>
      %dma_wait3A_78 = tpu.memref_squeeze %dma_wait3A_77 : memref<1x158x128xi32, #tpu.memory_space<hbm>> -> memref<158x128xi32, #tpu.memory_space<hbm>>
      %dma_wait3A_79 = arith.constant 0 : i32
      %dma_wait3A_80 = arith.constant 0 : i32
      %dma_wait3A_81 = tpu.memref_slice %arg8[%add3A, %dma_wait3A_79, %dma_wait3A_80] : memref<32x158x128xi32, #tpu.memory_space<hbm>> -> memref<1x158x128xi32, #tpu.memory_space<hbm>>
      %dma_wait3A_82 = tpu.memref_squeeze %dma_wait3A_81 : memref<1x158x128xi32, #tpu.memory_space<hbm>> -> memref<158x128xi32, #tpu.memory_space<hbm>>
      tpu.wait_dma2 semaphore(%run_scoped3A : memref<!tpu.dma_semaphore, #tpu.memory_space<semaphore_mem>>) src(%arg13 : memref<158x128xi32, #tpu.memory_space<vmem>>) dst(%dma_wait3A_82 : memref<158x128xi32, #tpu.memory_space<hbm>>)
      tpu.yield
    }) : () -> ()
    %broadcast_in_dim3A_51 = arith.constant 1 : i32
    %broadcast_in_dim3A_52 = vector.broadcast %broadcast_in_dim3A_51 : i32 to vector<16xi32>
    %mul3A_53 = vector.broadcast %scan3A_20 : i32 to vector<16xi32>
    %mul3A_54 = arith.muli %broadcast_in_dim3A_52, %mul3A_53 : vector<16xi32>
    %swap3A = arith.constant 0 : index
    %swap3A_55 = tpu.vector_load %arg16[%swap3A] {strides = array<i32>} : memref<16xi32, #tpu.memory_space<vmem>>, vector<16xi32>,
    tpu.vector_store %arg16[%swap3A], %mul3A_54 {strides = array<i32>} : memref<16xi32, #tpu.memory_space<vmem>>, vector<16xi32>,
    "tpu.region"() ({
      %run_scoped3A = tpu.sem_alloc : memref<!tpu.dma_semaphore, #tpu.memory_space<semaphore_mem>>
      %dma_start3A = arith.constant 0 : i32
      %dma_start3A_69 = tpu.memref_slice %arg9[%add3A, %dma_start3A] : memref<32x16xi32, #tpu.memory_space<hbm>> -> memref<1x16xi32, #tpu.memory_space<hbm>>
      %dma_start3A_70 = tpu.memref_squeeze %dma_start3A_69 : memref<1x16xi32, #tpu.memory_space<hbm>> -> memref<16xi32, #tpu.memory_space<hbm>>
      %dma_start3A_71 = arith.constant 0 : i32
      %dma_start3A_72 = tpu.memref_slice %arg9[%add3A, %dma_start3A_71] : memref<32x16xi32, #tpu.memory_space<hbm>> -> memref<1x16xi32, #tpu.memory_space<hbm>>
      %dma_start3A_73 = tpu.memref_squeeze %dma_start3A_72 : memref<1x16xi32, #tpu.memory_space<hbm>> -> memref<16xi32, #tpu.memory_space<hbm>>
      tpu.enqueue_dma source(%arg16 : memref<16xi32, #tpu.memory_space<vmem>>) target(%dma_start3A_73 : memref<16xi32, #tpu.memory_space<hbm>>) target_semaphore(%run_scoped3A : memref<!tpu.dma_semaphore, #tpu.memory_space<semaphore_mem>>)
      %dma_wait3A = arith.constant 0 : i32
      %dma_wait3A_74 = tpu.memref_slice %arg9[%add3A, %dma_wait3A] : memref<32x16xi32, #tpu.memory_space<hbm>> -> memref<1x16xi32, #tpu.memory_space<hbm>>
      %dma_wait3A_75 = tpu.memref_squeeze %dma_wait3A_74 : memref<1x16xi32, #tpu.memory_space<hbm>> -> memref<16xi32, #tpu.memory_space<hbm>>
      %dma_wait3A_76 = arith.constant 0 : i32
      %dma_wait3A_77 = tpu.memref_slice %arg9[%add3A, %dma_wait3A_76] : memref<32x16xi32, #tpu.memory_space<hbm>> -> memref<1x16xi32, #tpu.memory_space<hbm>>
      %dma_wait3A_78 = tpu.memref_squeeze %dma_wait3A_77 : memref<1x16xi32, #tpu.memory_space<hbm>> -> memref<16xi32, #tpu.memory_space<hbm>>
      tpu.wait_dma2 semaphore(%run_scoped3A : memref<!tpu.dma_semaphore, #tpu.memory_space<semaphore_mem>>) src(%arg16 : memref<16xi32, #tpu.memory_space<vmem>>) dst(%dma_wait3A_78 : memref<16xi32, #tpu.memory_space<hbm>>)
      tpu.yield
    }) : () -> ()
    %barrier3A_56 = arith.constant 0 : index
    tpu.barrier barrier_id(%barrier3A_56)
    %mul3A_57 = arith.constant 312 : i32
    %mul3A_58 = arith.muli %arg1, %mul3A_57 : i32
    "tpu.region"() ({
      %run_scoped3A = tpu.sem_alloc : memref<!tpu.dma_semaphore, #tpu.memory_space<semaphore_mem>>
      %dma_start3A = arith.constant 0 : i32
      %dma_start3A_69 = tpu.memref_slice %arg15[%dma_start3A] : memref<416xf32, #tpu.memory_space<vmem>> -> memref<312xf32, #tpu.memory_space<vmem>>
      %dma_start3A_70 = tpu.memref_slice %arg17[%mul3A_58] : memref<5096xf32, #tpu.memory_space<vmem_shared>> -> memref<312xf32, #tpu.memory_space<vmem_shared>>
      %dma_start3A_71 = arith.constant 0 : i32
      %dma_start3A_72 = tpu.memref_slice %arg15[%dma_start3A_71] : memref<416xf32, #tpu.memory_space<vmem>> -> memref<312xf32, #tpu.memory_space<vmem>>
      %dma_start3A_73 = tpu.memref_slice %arg17[%mul3A_58] : memref<5096xf32, #tpu.memory_space<vmem_shared>> -> memref<312xf32, #tpu.memory_space<vmem_shared>>
      tpu.enqueue_dma source(%dma_start3A_73 : memref<312xf32, #tpu.memory_space<vmem_shared>>) target(%dma_start3A_72 : memref<312xf32, #tpu.memory_space<vmem>>) target_semaphore(%run_scoped3A : memref<!tpu.dma_semaphore, #tpu.memory_space<semaphore_mem>>)
      %dma_wait3A = arith.constant 0 : i32
      %dma_wait3A_74 = tpu.memref_slice %arg15[%dma_wait3A] : memref<416xf32, #tpu.memory_space<vmem>> -> memref<312xf32, #tpu.memory_space<vmem>>
      %dma_wait3A_75 = tpu.memref_slice %arg17[%mul3A_58] : memref<5096xf32, #tpu.memory_space<vmem_shared>> -> memref<312xf32, #tpu.memory_space<vmem_shared>>
      %dma_wait3A_76 = arith.constant 0 : i32
      %dma_wait3A_77 = tpu.memref_slice %arg15[%dma_wait3A_76] : memref<416xf32, #tpu.memory_space<vmem>> -> memref<312xf32, #tpu.memory_space<vmem>>
      %dma_wait3A_78 = tpu.memref_slice %arg17[%mul3A_58] : memref<5096xf32, #tpu.memory_space<vmem_shared>> -> memref<312xf32, #tpu.memory_space<vmem_shared>>
      tpu.wait_dma2 semaphore(%run_scoped3A : memref<!tpu.dma_semaphore, #tpu.memory_space<semaphore_mem>>) src(%dma_wait3A_78 : memref<312xf32, #tpu.memory_space<vmem_shared>>) dst(%dma_wait3A_77 : memref<312xf32, #tpu.memory_space<vmem>>)
      tpu.yield
    }) : () -> ()
    %mul3A_59 = arith.constant 5096 : i32
    %mul3A_60 = arith.muli %arg0, %mul3A_59 : i32
    %mul3A_61 = arith.constant 312 : i32
    %mul3A_62 = arith.muli %arg1, %mul3A_61 : i32
    %add3A_63 = arith.addi %mul3A_60, %mul3A_62 : i32
    "tpu.region"() ({
      %run_scoped3A = tpu.sem_alloc : memref<!tpu.dma_semaphore, #tpu.memory_space<semaphore_mem>>
      %dma_start3A = arith.constant 0 : i32
      %dma_start3A_69 = tpu.memref_slice %arg15[%dma_start3A] : memref<416xf32, #tpu.memory_space<vmem>> -> memref<312xf32, #tpu.memory_space<vmem>>
      %dma_start3A_70 = tpu.memref_slice %arg6[%add3A_63] : memref<10192xf32, #tpu.memory_space<hbm>> -> memref<312xf32, #tpu.memory_space<hbm>>
      %dma_start3A_71 = tpu.memref_slice %arg6[%add3A_63] : memref<10192xf32, #tpu.memory_space<hbm>> -> memref<312xf32, #tpu.memory_space<hbm>>
      %dma_start3A_72 = arith.constant 0 : i32
      %dma_start3A_73 = tpu.memref_slice %arg15[%dma_start3A_72] : memref<416xf32, #tpu.memory_space<vmem>> -> memref<312xf32, #tpu.memory_space<vmem>>
      tpu.enqueue_dma source(%dma_start3A_73 : memref<312xf32, #tpu.memory_space<vmem>>) target(%dma_start3A_71 : memref<312xf32, #tpu.memory_space<hbm>>) target_semaphore(%run_scoped3A : memref<!tpu.dma_semaphore, #tpu.memory_space<semaphore_mem>>)
      %dma_wait3A = arith.constant 0 : i32
      %dma_wait3A_74 = tpu.memref_slice %arg15[%dma_wait3A] : memref<416xf32, #tpu.memory_space<vmem>> -> memref<312xf32, #tpu.memory_space<vmem>>
      %dma_wait3A_75 = tpu.memref_slice %arg6[%add3A_63] : memref<10192xf32, #tpu.memory_space<hbm>> -> memref<312xf32, #tpu.memory_space<hbm>>
      %dma_wait3A_76 = tpu.memref_slice %arg6[%add3A_63] : memref<10192xf32, #tpu.memory_space<hbm>> -> memref<312xf32, #tpu.memory_space<hbm>>
      %dma_wait3A_77 = arith.constant 0 : i32
      %dma_wait3A_78 = tpu.memref_slice %arg15[%dma_wait3A_77] : memref<416xf32, #tpu.memory_space<vmem>> -> memref<312xf32, #tpu.memory_space<vmem>>
      tpu.wait_dma2 semaphore(%run_scoped3A : memref<!tpu.dma_semaphore, #tpu.memory_space<semaphore_mem>>) src(%dma_wait3A_78 : memref<312xf32, #tpu.memory_space<vmem>>) dst(%dma_wait3A_76 : memref<312xf32, #tpu.memory_space<hbm>>)
      tpu.yield
    }) : () -> ()
    %eq3A_64 = arith.constant 0 : i32
    %eq3A_65 = arith.cmpi eq, %arg1, %eq3A_64 : i32
    %convert_element_type3A_66 = arith.extui %eq3A_65 : i1 to i32
    %cond3A_67 = arith.constant 0 : i32
    %cond3A_68 = arith.cmpi ne, %convert_element_type3A_66, %cond3A_67 : i32
    scf.if %cond3A_68 {
      "tpu.region"() ({
        %run_scoped3A = tpu.sem_alloc : memref<!tpu.dma_semaphore, #tpu.memory_space<semaphore_mem>>
        %dma_start3A = arith.constant 0 : i32
        %dma_start3A_73 = tpu.memref_slice %arg15[%dma_start3A] : memref<416xf32, #tpu.memory_space<vmem>> -> memref<104xf32, #tpu.memory_space<vmem>>
        %dma_start3A_74 = arith.constant 4992 : i32
        %dma_start3A_75 = tpu.memref_slice %arg17[%dma_start3A_74] : memref<5096xf32, #tpu.memory_space<vmem_shared>> -> memref<104xf32, #tpu.memory_space<vmem_shared>>
        %dma_start3A_76 = arith.constant 0 : i32
        %dma_start3A_77 = tpu.memref_slice %arg15[%dma_start3A_76] : memref<416xf32, #tpu.memory_space<vmem>> -> memref<104xf32, #tpu.memory_space<vmem>>
        %dma_start3A_78 = arith.constant 4992 : i32
        %dma_start3A_79 = tpu.memref_slice %arg17[%dma_start3A_78] : memref<5096xf32, #tpu.memory_space<vmem_shared>> -> memref<104xf32, #tpu.memory_space<vmem_shared>>
        tpu.enqueue_dma source(%dma_start3A_79 : memref<104xf32, #tpu.memory_space<vmem_shared>>) target(%dma_start3A_77 : memref<104xf32, #tpu.memory_space<vmem>>) target_semaphore(%run_scoped3A : memref<!tpu.dma_semaphore, #tpu.memory_space<semaphore_mem>>)
        %dma_wait3A = arith.constant 0 : i32
        %dma_wait3A_80 = tpu.memref_slice %arg15[%dma_wait3A] : memref<416xf32, #tpu.memory_space<vmem>> -> memref<104xf32, #tpu.memory_space<vmem>>
        %dma_wait3A_81 = arith.constant 4992 : i32
        %dma_wait3A_82 = tpu.memref_slice %arg17[%dma_wait3A_81] : memref<5096xf32, #tpu.memory_space<vmem_shared>> -> memref<104xf32, #tpu.memory_space<vmem_shared>>
        %dma_wait3A_83 = arith.constant 0 : i32
        %dma_wait3A_84 = tpu.memref_slice %arg15[%dma_wait3A_83] : memref<416xf32, #tpu.memory_space<vmem>> -> memref<104xf32, #tpu.memory_space<vmem>>
        %dma_wait3A_85 = arith.constant 4992 : i32
        %dma_wait3A_86 = tpu.memref_slice %arg17[%dma_wait3A_85] : memref<5096xf32, #tpu.memory_space<vmem_shared>> -> memref<104xf32, #tpu.memory_space<vmem_shared>>
        tpu.wait_dma2 semaphore(%run_scoped3A : memref<!tpu.dma_semaphore, #tpu.memory_space<semaphore_mem>>) src(%dma_wait3A_86 : memref<104xf32, #tpu.memory_space<vmem_shared>>) dst(%dma_wait3A_84 : memref<104xf32, #tpu.memory_space<vmem>>)
        tpu.yield
      }) : () -> ()
      %mul3A_69 = arith.constant 5096 : i32
      %mul3A_70 = arith.muli %arg0, %mul3A_69 : i32
      %add3A_71 = arith.constant 4992 : i32
      %add3A_72 = arith.addi %mul3A_70, %add3A_71 : i32
      "tpu.region"() ({
        %run_scoped3A = tpu.sem_alloc : memref<!tpu.dma_semaphore, #tpu.memory_space<semaphore_mem>>
        %dma_start3A = arith.constant 0 : i32
        %dma_start3A_73 = tpu.memref_slice %arg15[%dma_start3A] : memref<416xf32, #tpu.memory_space<vmem>> -> memref<104xf32, #tpu.memory_space<vmem>>
        %dma_start3A_74 = tpu.memref_slice %arg6[%add3A_72] : memref<10192xf32, #tpu.memory_space<hbm>> -> memref<104xf32, #tpu.memory_space<hbm>>
        %dma_start3A_75 = tpu.memref_slice %arg6[%add3A_72] : memref<10192xf32, #tpu.memory_space<hbm>> -> memref<104xf32, #tpu.memory_space<hbm>>
        %dma_start3A_76 = arith.constant 0 : i32
        %dma_start3A_77 = tpu.memref_slice %arg15[%dma_start3A_76] : memref<416xf32, #tpu.memory_space<vmem>> -> memref<104xf32, #tpu.memory_space<vmem>>
        tpu.enqueue_dma source(%dma_start3A_77 : memref<104xf32, #tpu.memory_space<vmem>>) target(%dma_start3A_75 : memref<104xf32, #tpu.memory_space<hbm>>) target_semaphore(%run_scoped3A : memref<!tpu.dma_semaphore, #tpu.memory_space<semaphore_mem>>)
        %dma_wait3A = arith.constant 0 : i32
        %dma_wait3A_78 = tpu.memref_slice %arg15[%dma_wait3A] : memref<416xf32, #tpu.memory_space<vmem>> -> memref<104xf32, #tpu.memory_space<vmem>>
        %dma_wait3A_79 = tpu.memref_slice %arg6[%add3A_72] : memref<10192xf32, #tpu.memory_space<hbm>> -> memref<104xf32, #tpu.memory_space<hbm>>
        %dma_wait3A_80 = tpu.memref_slice %arg6[%add3A_72] : memref<10192xf32, #tpu.memory_space<hbm>> -> memref<104xf32, #tpu.memory_space<hbm>>
        %dma_wait3A_81 = arith.constant 0 : i32
        %dma_wait3A_82 = tpu.memref_slice %arg15[%dma_wait3A_81] : memref<416xf32, #tpu.memory_space<vmem>> -> memref<104xf32, #tpu.memory_space<vmem>>
        tpu.wait_dma2 semaphore(%run_scoped3A : memref<!tpu.dma_semaphore, #tpu.memory_space<semaphore_mem>>) src(%dma_wait3A_82 : memref<104xf32, #tpu.memory_space<vmem>>) dst(%dma_wait3A_80 : memref<104xf32, #tpu.memory_space<hbm>>)
        tpu.yield
      }) : () -> ()
    } else {
    }
    return
  }
}

#map = affine_map<(d0, d1) -> (0, 0)>
#map1 = affine_map<(d0, d1) -> (0, 0, 0)>
module attributes {stable_mosaic.version = 14 : i64} {
  func.func @_sc_scatter(%arg0: i32, %arg1: i32, %arg2: memref<10000x128xf32, #tpu.memory_space<hbm>>, %arg3: memref<32x158x128xi32, #tpu.memory_space<hbm>>, %arg4: memref<32x158x128xi32, #tpu.memory_space<hbm>>, %arg5: memref<32x16xi32, #tpu.memory_space<hbm>>, %arg6: memref<128x128xf32, #tpu.memory_space<hbm>>, %arg7: memref<10192x128xf32, #tpu.memory_space<hbm>>, %arg8: memref<158x128xi32, #tpu.memory_space<vmem>>, %arg9: memref<158x128xi32, #tpu.memory_space<vmem>>, %arg10: memref<16xi32, #tpu.memory_space<vmem>>, %arg11: memref<2x128x128xf32, #tpu.memory_space<vmem>>, %arg12: memref<128x128xf32, #tpu.memory_space<vmem>>, %arg13: memref<5096x128xf32, #tpu.memory_space<vmem_shared>>, %arg14: memref<!tpu.dma_semaphore, #tpu.memory_space<semaphore_mem>>, %arg15: memref<!tpu.dma_semaphore, #tpu.memory_space<semaphore_mem>>) attributes {dimension_semantics = [#tpu.dimension_semantics<core_parallel>, #tpu.dimension_semantics<subcore_parallel>], iteration_bounds = array<i64: 2, 16>, scalar_prefetch = 0 : i64, scratch_operands = 8 : i64, tpu.core_type = #tpu.core_type<sc_vector_subcore>, window_params = [{transform_indices = #map}, {transform_indices = #map1}, {transform_indices = #map1}, {transform_indices = #map}, {transform_indices = #map}, {transform_indices = #map}]} {
    %mul3A = arith.constant 16 : i32
    %mul3A_0 = arith.muli %arg0, %mul3A : i32
    %add3A = arith.addi %mul3A_0, %arg1 : i32
    "tpu.region"() ({
      %run_scoped3A_166 = tpu.sem_alloc : memref<!tpu.dma_semaphore, #tpu.memory_space<semaphore_mem>>
      %dma_start3A_167 = arith.constant 0 : i32
      %dma_start3A_168 = arith.constant 0 : i32
      %dma_start3A_169 = tpu.memref_slice %arg3[%add3A, %dma_start3A_167, %dma_start3A_168] : memref<32x158x128xi32, #tpu.memory_space<hbm>> -> memref<1x158x128xi32, #tpu.memory_space<hbm>>
      %dma_start3A_170 = tpu.memref_squeeze %dma_start3A_169 : memref<1x158x128xi32, #tpu.memory_space<hbm>> -> memref<158x128xi32, #tpu.memory_space<hbm>>
      %dma_start3A_171 = arith.constant 0 : i32
      %dma_start3A_172 = arith.constant 0 : i32
      %dma_start3A_173 = tpu.memref_slice %arg3[%add3A, %dma_start3A_171, %dma_start3A_172] : memref<32x158x128xi32, #tpu.memory_space<hbm>> -> memref<1x158x128xi32, #tpu.memory_space<hbm>>
      %dma_start3A_174 = tpu.memref_squeeze %dma_start3A_173 : memref<1x158x128xi32, #tpu.memory_space<hbm>> -> memref<158x128xi32, #tpu.memory_space<hbm>>
      tpu.enqueue_dma source(%dma_start3A_174 : memref<158x128xi32, #tpu.memory_space<hbm>>) target(%arg8 : memref<158x128xi32, #tpu.memory_space<vmem>>) target_semaphore(%run_scoped3A_166 : memref<!tpu.dma_semaphore, #tpu.memory_space<semaphore_mem>>)
      %dma_wait3A_175 = arith.constant 0 : i32
      %dma_wait3A_176 = arith.constant 0 : i32
      %dma_wait3A_177 = tpu.memref_slice %arg3[%add3A, %dma_wait3A_175, %dma_wait3A_176] : memref<32x158x128xi32, #tpu.memory_space<hbm>> -> memref<1x158x128xi32, #tpu.memory_space<hbm>>
      %dma_wait3A_178 = tpu.memref_squeeze %dma_wait3A_177 : memref<1x158x128xi32, #tpu.memory_space<hbm>> -> memref<158x128xi32, #tpu.memory_space<hbm>>
      %dma_wait3A_179 = arith.constant 0 : i32
      %dma_wait3A_180 = arith.constant 0 : i32
      %dma_wait3A_181 = tpu.memref_slice %arg3[%add3A, %dma_wait3A_179, %dma_wait3A_180] : memref<32x158x128xi32, #tpu.memory_space<hbm>> -> memref<1x158x128xi32, #tpu.memory_space<hbm>>
      %dma_wait3A_182 = tpu.memref_squeeze %dma_wait3A_181 : memref<1x158x128xi32, #tpu.memory_space<hbm>> -> memref<158x128xi32, #tpu.memory_space<hbm>>
      tpu.wait_dma2 semaphore(%run_scoped3A_166 : memref<!tpu.dma_semaphore, #tpu.memory_space<semaphore_mem>>) src(%dma_wait3A_182 : memref<158x128xi32, #tpu.memory_space<hbm>>) dst(%arg8 : memref<158x128xi32, #tpu.memory_space<vmem>>)
      tpu.yield
    }) : () -> ()
    "tpu.region"() ({
      %run_scoped3A_166 = tpu.sem_alloc : memref<!tpu.dma_semaphore, #tpu.memory_space<semaphore_mem>>
      %dma_start3A_167 = arith.constant 0 : i32
      %dma_start3A_168 = arith.constant 0 : i32
      %dma_start3A_169 = tpu.memref_slice %arg4[%add3A, %dma_start3A_167, %dma_start3A_168] : memref<32x158x128xi32, #tpu.memory_space<hbm>> -> memref<1x158x128xi32, #tpu.memory_space<hbm>>
      %dma_start3A_170 = tpu.memref_squeeze %dma_start3A_169 : memref<1x158x128xi32, #tpu.memory_space<hbm>> -> memref<158x128xi32, #tpu.memory_space<hbm>>
      %dma_start3A_171 = arith.constant 0 : i32
      %dma_start3A_172 = arith.constant 0 : i32
      %dma_start3A_173 = tpu.memref_slice %arg4[%add3A, %dma_start3A_171, %dma_start3A_172] : memref<32x158x128xi32, #tpu.memory_space<hbm>> -> memref<1x158x128xi32, #tpu.memory_space<hbm>>
      %dma_start3A_174 = tpu.memref_squeeze %dma_start3A_173 : memref<1x158x128xi32, #tpu.memory_space<hbm>> -> memref<158x128xi32, #tpu.memory_space<hbm>>
      tpu.enqueue_dma source(%dma_start3A_174 : memref<158x128xi32, #tpu.memory_space<hbm>>) target(%arg9 : memref<158x128xi32, #tpu.memory_space<vmem>>) target_semaphore(%run_scoped3A_166 : memref<!tpu.dma_semaphore, #tpu.memory_space<semaphore_mem>>)
      %dma_wait3A_175 = arith.constant 0 : i32
      %dma_wait3A_176 = arith.constant 0 : i32
      %dma_wait3A_177 = tpu.memref_slice %arg4[%add3A, %dma_wait3A_175, %dma_wait3A_176] : memref<32x158x128xi32, #tpu.memory_space<hbm>> -> memref<1x158x128xi32, #tpu.memory_space<hbm>>
      %dma_wait3A_178 = tpu.memref_squeeze %dma_wait3A_177 : memref<1x158x128xi32, #tpu.memory_space<hbm>> -> memref<158x128xi32, #tpu.memory_space<hbm>>
      %dma_wait3A_179 = arith.constant 0 : i32
      %dma_wait3A_180 = arith.constant 0 : i32
      %dma_wait3A_181 = tpu.memref_slice %arg4[%add3A, %dma_wait3A_179, %dma_wait3A_180] : memref<32x158x128xi32, #tpu.memory_space<hbm>> -> memref<1x158x128xi32, #tpu.memory_space<hbm>>
      %dma_wait3A_182 = tpu.memref_squeeze %dma_wait3A_181 : memref<1x158x128xi32, #tpu.memory_space<hbm>> -> memref<158x128xi32, #tpu.memory_space<hbm>>
      tpu.wait_dma2 semaphore(%run_scoped3A_166 : memref<!tpu.dma_semaphore, #tpu.memory_space<semaphore_mem>>) src(%dma_wait3A_182 : memref<158x128xi32, #tpu.memory_space<hbm>>) dst(%arg9 : memref<158x128xi32, #tpu.memory_space<vmem>>)
      tpu.yield
    }) : () -> ()
    "tpu.region"() ({
      %run_scoped3A_166 = tpu.sem_alloc : memref<!tpu.dma_semaphore, #tpu.memory_space<semaphore_mem>>
      %dma_start3A_167 = arith.constant 0 : i32
      %dma_start3A_168 = tpu.memref_slice %arg5[%add3A, %dma_start3A_167] : memref<32x16xi32, #tpu.memory_space<hbm>> -> memref<1x16xi32, #tpu.memory_space<hbm>>
      %dma_start3A_169 = tpu.memref_squeeze %dma_start3A_168 : memref<1x16xi32, #tpu.memory_space<hbm>> -> memref<16xi32, #tpu.memory_space<hbm>>
      %dma_start3A_170 = arith.constant 0 : i32
      %dma_start3A_171 = tpu.memref_slice %arg5[%add3A, %dma_start3A_170] : memref<32x16xi32, #tpu.memory_space<hbm>> -> memref<1x16xi32, #tpu.memory_space<hbm>>
      %dma_start3A_172 = tpu.memref_squeeze %dma_start3A_171 : memref<1x16xi32, #tpu.memory_space<hbm>> -> memref<16xi32, #tpu.memory_space<hbm>>
      tpu.enqueue_dma source(%dma_start3A_172 : memref<16xi32, #tpu.memory_space<hbm>>) target(%arg10 : memref<16xi32, #tpu.memory_space<vmem>>) target_semaphore(%run_scoped3A_166 : memref<!tpu.dma_semaphore, #tpu.memory_space<semaphore_mem>>)
      %dma_wait3A_173 = arith.constant 0 : i32
      %dma_wait3A_174 = tpu.memref_slice %arg5[%add3A, %dma_wait3A_173] : memref<32x16xi32, #tpu.memory_space<hbm>> -> memref<1x16xi32, #tpu.memory_space<hbm>>
      %dma_wait3A_175 = tpu.memref_squeeze %dma_wait3A_174 : memref<1x16xi32, #tpu.memory_space<hbm>> -> memref<16xi32, #tpu.memory_space<hbm>>
      %dma_wait3A_176 = arith.constant 0 : i32
      %dma_wait3A_177 = tpu.memref_slice %arg5[%add3A, %dma_wait3A_176] : memref<32x16xi32, #tpu.memory_space<hbm>> -> memref<1x16xi32, #tpu.memory_space<hbm>>
      %dma_wait3A_178 = tpu.memref_squeeze %dma_wait3A_177 : memref<1x16xi32, #tpu.memory_space<hbm>> -> memref<16xi32, #tpu.memory_space<hbm>>
      tpu.wait_dma2 semaphore(%run_scoped3A_166 : memref<!tpu.dma_semaphore, #tpu.memory_space<semaphore_mem>>) src(%dma_wait3A_178 : memref<16xi32, #tpu.memory_space<hbm>>) dst(%arg10 : memref<16xi32, #tpu.memory_space<vmem>>)
      tpu.yield
    }) : () -> ()
    %get3A = arith.constant 0 : index
    %get3A_1 = tpu.vector_load %arg10[%get3A] {strides = array<i32>} : memref<16xi32, #tpu.memory_space<vmem>>, vector<16xi32>,
    %reduce_max3A = arith.constant true
    %reduce_max3A_2 = vector.broadcast %reduce_max3A : i1 to vector<16xi1>
    %reduce_max3A_3 = arith.constant -2147483648 : i32
    %reduce_max3A_4 = vector.broadcast %reduce_max3A_3 : i32 to vector<16xi32>
    %reduce_max3A_5 = arith.xori %get3A_1, %reduce_max3A_4 : vector<16xi32>
    %reduce_max3A_6 = tpu.scan <max>, %reduce_max3A_5 masked %reduce_max3A_2 : vector<16xi32>, vector<16xi1> -> vector<16xi32>
    %reduce_max3A_7 = arith.xori %reduce_max3A_6, %reduce_max3A_4 : vector<16xi32>
    %reduce_max3A_8 = vector.extract %reduce_max3A_7[15] : i32 from vector<16xi32>
    %add3A_9 = arith.constant 128 : i32
    %add3A_10 = arith.addi %reduce_max3A_8, %add3A_9 : i32
    %sub3A = arith.constant 1 : i32
    %sub3A_11 = arith.subi %add3A_10, %sub3A : i32
    %jit3A = arith.constant 128 : i32
    %div3A = arith.divsi %sub3A_11, %jit3A : i32
    %sign3A = arith.constant 0 : i32
    %sign3A_12 = arith.cmpi sgt, %sub3A_11, %sign3A : i32
    %sign3A_13 = arith.extui %sign3A_12 : i1 to i32
    %sign3A_14 = arith.constant 0 : i32
    %sign3A_15 = arith.cmpi slt, %sub3A_11, %sign3A_14 : i32
    %sign3A_16 = arith.extui %sign3A_15 : i1 to i32
    %sign3A_17 = arith.subi %sign3A_13, %sign3A_16 : i32
    %sign3A_18 = arith.constant 0 : i32
    %sign3A_19 = arith.cmpi sgt, %jit3A, %sign3A_18 : i32
    %sign3A_20 = arith.extui %sign3A_19 : i1 to i32
    %sign3A_21 = arith.constant 0 : i32
    %sign3A_22 = arith.cmpi slt, %jit3A, %sign3A_21 : i32
    %sign3A_23 = arith.extui %sign3A_22 : i1 to i32
    %sign3A_24 = arith.subi %sign3A_20, %sign3A_23 : i32
    %ne3A = arith.cmpi ne, %sign3A_17, %sign3A_24 : i32
    %rem3A = arith.remsi %sub3A_11, %jit3A : i32
    %ne3A_25 = arith.constant 0 : i32
    %ne3A_26 = arith.cmpi ne, %rem3A, %ne3A_25 : i32
    %and3A = arith.andi %ne3A, %ne3A_26 : i1
    %sub3A_27 = arith.constant 1 : i32
    %sub3A_28 = arith.subi %div3A, %sub3A_27 : i32
    %select_n3A = arith.select %and3A, %sub3A_28, %div3A : i32
    %gt3A = arith.constant 0 : i32
    %gt3A_29 = arith.cmpi sgt, %select_n3A, %gt3A : i32
    %convert_element_type3A = arith.extui %gt3A_29 : i1 to i32
    %cond3A = arith.constant 0 : i32
    %cond3A_30 = arith.cmpi ne, %convert_element_type3A, %cond3A : i32
    scf.if %cond3A_30 {
      %dma_start3A_166 = arith.constant 0 : i32
      %dma_start3A_167 = arith.constant 0 : i32
      %dma_start3A_168 = arith.constant 0 : i32
      %dma_start3A_169 = arith.constant 0 : i32
      %dma_start3A_170 = tpu.memref_slice %arg11[%dma_start3A_167, %dma_start3A_168, %dma_start3A_169] : memref<2x128x128xf32, #tpu.memory_space<vmem>> -> memref<1x128x128xf32, #tpu.memory_space<vmem>>
      %dma_start3A_171 = tpu.memref_squeeze %dma_start3A_170 : memref<1x128x128xf32, #tpu.memory_space<vmem>> -> memref<128x128xf32, #tpu.memory_space<vmem>>
      %dma_start3A_172 = arith.constant 0 : i32
      %dma_start3A_173 = tpu.memref_slice %arg8[%dma_start3A_166, %dma_start3A_172] : memref<158x128xi32, #tpu.memory_space<vmem>> -> memref<1x128xi32, #tpu.memory_space<vmem>>
      %dma_start3A_174 = tpu.memref_squeeze %dma_start3A_173 : memref<1x128xi32, #tpu.memory_space<vmem>> -> memref<128xi32, #tpu.memory_space<vmem>>
      %dma_start3A_175 = arith.constant 0 : i32
      %dma_start3A_176 = arith.constant 0 : i32
      %dma_start3A_177 = tpu.memref_slice %arg2[%dma_start3A_175, %dma_start3A_176] : memref<10000x128xf32, #tpu.memory_space<hbm>> -> memref<10000x128xf32, #tpu.memory_space<hbm>>
      tpu.enqueue_indirect_dma source(%dma_start3A_177 : memref<10000x128xf32, #tpu.memory_space<hbm>>) target(%dma_start3A_171 : memref<128x128xf32, #tpu.memory_space<vmem>>) offsets(%dma_start3A_174 : memref<128xi32, #tpu.memory_space<vmem>>) semaphore(%arg14 : memref<!tpu.dma_semaphore, #tpu.memory_space<semaphore_mem>>)
    } else {
    }
    "tpu.region"() ({
      %run_scoped3A_166 = tpu.sem_alloc : memref<!tpu.dma_semaphore, #tpu.memory_space<semaphore_mem>>
      tpu.enqueue_dma source(%arg6 : memref<128x128xf32, #tpu.memory_space<hbm>>) target(%arg12 : memref<128x128xf32, #tpu.memory_space<vmem>>) target_semaphore(%run_scoped3A_166 : memref<!tpu.dma_semaphore, #tpu.memory_space<semaphore_mem>>)
      tpu.wait_dma2 semaphore(%run_scoped3A_166 : memref<!tpu.dma_semaphore, #tpu.memory_space<semaphore_mem>>) src(%arg6 : memref<128x128xf32, #tpu.memory_space<hbm>>) dst(%arg12 : memref<128x128xf32, #tpu.memory_space<vmem>>)
      tpu.yield
    }) : () -> ()
    %mul3A_31 = arith.constant 312 : i32
    %mul3A_32 = arith.muli %arg1, %mul3A_31 : i32
    "tpu.region"() ({
      %run_scoped3A_166 = tpu.sem_alloc : memref<!tpu.dma_semaphore, #tpu.memory_space<semaphore_mem>>
      %dma_start3A_167 = arith.constant 0 : i32
      %dma_start3A_168 = tpu.memref_slice %arg13[%mul3A_32, %dma_start3A_167] : memref<5096x128xf32, #tpu.memory_space<vmem_shared>> -> memref<128x128xf32, #tpu.memory_space<vmem_shared>>
      %dma_start3A_169 = arith.constant 0 : i32
      %dma_start3A_170 = tpu.memref_slice %arg13[%mul3A_32, %dma_start3A_169] : memref<5096x128xf32, #tpu.memory_space<vmem_shared>> -> memref<128x128xf32, #tpu.memory_space<vmem_shared>>
      tpu.enqueue_dma source(%arg12 : memref<128x128xf32, #tpu.memory_space<vmem>>) target(%dma_start3A_170 : memref<128x128xf32, #tpu.memory_space<vmem_shared>>) target_semaphore(%run_scoped3A_166 : memref<!tpu.dma_semaphore, #tpu.memory_space<semaphore_mem>>)
      %dma_wait3A_171 = arith.constant 0 : i32
      %dma_wait3A_172 = tpu.memref_slice %arg13[%mul3A_32, %dma_wait3A_171] : memref<5096x128xf32, #tpu.memory_space<vmem_shared>> -> memref<128x128xf32, #tpu.memory_space<vmem_shared>>
      %dma_wait3A_173 = arith.constant 0 : i32
      %dma_wait3A_174 = tpu.memref_slice %arg13[%mul3A_32, %dma_wait3A_173] : memref<5096x128xf32, #tpu.memory_space<vmem_shared>> -> memref<128x128xf32, #tpu.memory_space<vmem_shared>>
      tpu.wait_dma2 semaphore(%run_scoped3A_166 : memref<!tpu.dma_semaphore, #tpu.memory_space<semaphore_mem>>) src(%arg12 : memref<128x128xf32, #tpu.memory_space<vmem>>) dst(%dma_wait3A_174 : memref<128x128xf32, #tpu.memory_space<vmem_shared>>)
      tpu.yield
    }) : () -> ()
    %add3A_33 = arith.constant 128 : i32
    %add3A_34 = arith.addi %mul3A_32, %add3A_33 : i32
    "tpu.region"() ({
      %run_scoped3A_166 = tpu.sem_alloc : memref<!tpu.dma_semaphore, #tpu.memory_space<semaphore_mem>>
      %dma_start3A_167 = arith.constant 0 : i32
      %dma_start3A_168 = tpu.memref_slice %arg13[%add3A_34, %dma_start3A_167] : memref<5096x128xf32, #tpu.memory_space<vmem_shared>> -> memref<128x128xf32, #tpu.memory_space<vmem_shared>>
      %dma_start3A_169 = arith.constant 0 : i32
      %dma_start3A_170 = tpu.memref_slice %arg13[%add3A_34, %dma_start3A_169] : memref<5096x128xf32, #tpu.memory_space<vmem_shared>> -> memref<128x128xf32, #tpu.memory_space<vmem_shared>>
      tpu.enqueue_dma source(%arg12 : memref<128x128xf32, #tpu.memory_space<vmem>>) target(%dma_start3A_170 : memref<128x128xf32, #tpu.memory_space<vmem_shared>>) target_semaphore(%run_scoped3A_166 : memref<!tpu.dma_semaphore, #tpu.memory_space<semaphore_mem>>)
      %dma_wait3A_171 = arith.constant 0 : i32
      %dma_wait3A_172 = tpu.memref_slice %arg13[%add3A_34, %dma_wait3A_171] : memref<5096x128xf32, #tpu.memory_space<vmem_shared>> -> memref<128x128xf32, #tpu.memory_space<vmem_shared>>
      %dma_wait3A_173 = arith.constant 0 : i32
      %dma_wait3A_174 = tpu.memref_slice %arg13[%add3A_34, %dma_wait3A_173] : memref<5096x128xf32, #tpu.memory_space<vmem_shared>> -> memref<128x128xf32, #tpu.memory_space<vmem_shared>>
      tpu.wait_dma2 semaphore(%run_scoped3A_166 : memref<!tpu.dma_semaphore, #tpu.memory_space<semaphore_mem>>) src(%arg12 : memref<128x128xf32, #tpu.memory_space<vmem>>) dst(%dma_wait3A_174 : memref<128x128xf32, #tpu.memory_space<vmem_shared>>)
      tpu.yield
    }) : () -> ()
    %add3A_35 = arith.constant 256 : i32
    %add3A_36 = arith.addi %mul3A_32, %add3A_35 : i32
    "tpu.region"() ({
      %run_scoped3A_166 = tpu.sem_alloc : memref<!tpu.dma_semaphore, #tpu.memory_space<semaphore_mem>>
      %dma_start3A_167 = arith.constant 0 : i32
      %dma_start3A_168 = arith.constant 0 : i32
      %dma_start3A_169 = tpu.memref_slice %arg12[%dma_start3A_167, %dma_start3A_168] : memref<128x128xf32, #tpu.memory_space<vmem>> -> memref<56x128xf32, #tpu.memory_space<vmem>>
      %dma_start3A_170 = arith.constant 0 : i32
      %dma_start3A_171 = tpu.memref_slice %arg13[%add3A_36, %dma_start3A_170] : memref<5096x128xf32, #tpu.memory_space<vmem_shared>> -> memref<56x128xf32, #tpu.memory_space<vmem_shared>>
      %dma_start3A_172 = arith.constant 0 : i32
      %dma_start3A_173 = tpu.memref_slice %arg13[%add3A_36, %dma_start3A_172] : memref<5096x128xf32, #tpu.memory_space<vmem_shared>> -> memref<56x128xf32, #tpu.memory_space<vmem_shared>>
      %dma_start3A_174 = arith.constant 0 : i32
      %dma_start3A_175 = arith.constant 0 : i32
      %dma_start3A_176 = tpu.memref_slice %arg12[%dma_start3A_174, %dma_start3A_175] : memref<128x128xf32, #tpu.memory_space<vmem>> -> memref<56x128xf32, #tpu.memory_space<vmem>>
      tpu.enqueue_dma source(%dma_start3A_176 : memref<56x128xf32, #tpu.memory_space<vmem>>) target(%dma_start3A_173 : memref<56x128xf32, #tpu.memory_space<vmem_shared>>) target_semaphore(%run_scoped3A_166 : memref<!tpu.dma_semaphore, #tpu.memory_space<semaphore_mem>>)
      %dma_wait3A_177 = arith.constant 0 : i32
      %dma_wait3A_178 = arith.constant 0 : i32
      %dma_wait3A_179 = tpu.memref_slice %arg12[%dma_wait3A_177, %dma_wait3A_178] : memref<128x128xf32, #tpu.memory_space<vmem>> -> memref<56x128xf32, #tpu.memory_space<vmem>>
      %dma_wait3A_180 = arith.constant 0 : i32
      %dma_wait3A_181 = tpu.memref_slice %arg13[%add3A_36, %dma_wait3A_180] : memref<5096x128xf32, #tpu.memory_space<vmem_shared>> -> memref<56x128xf32, #tpu.memory_space<vmem_shared>>
      %dma_wait3A_182 = arith.constant 0 : i32
      %dma_wait3A_183 = tpu.memref_slice %arg13[%add3A_36, %dma_wait3A_182] : memref<5096x128xf32, #tpu.memory_space<vmem_shared>> -> memref<56x128xf32, #tpu.memory_space<vmem_shared>>
      %dma_wait3A_184 = arith.constant 0 : i32
      %dma_wait3A_185 = arith.constant 0 : i32
      %dma_wait3A_186 = tpu.memref_slice %arg12[%dma_wait3A_184, %dma_wait3A_185] : memref<128x128xf32, #tpu.memory_space<vmem>> -> memref<56x128xf32, #tpu.memory_space<vmem>>
      tpu.wait_dma2 semaphore(%run_scoped3A_166 : memref<!tpu.dma_semaphore, #tpu.memory_space<semaphore_mem>>) src(%dma_wait3A_186 : memref<56x128xf32, #tpu.memory_space<vmem>>) dst(%dma_wait3A_183 : memref<56x128xf32, #tpu.memory_space<vmem_shared>>)
      tpu.yield
    }) : () -> ()
    %eq3A = arith.constant 0 : i32
    %eq3A_37 = arith.cmpi eq, %arg1, %eq3A : i32
    %convert_element_type3A_38 = arith.extui %eq3A_37 : i1 to i32
    %cond3A_39 = arith.constant 0 : i32
    %cond3A_40 = arith.cmpi ne, %convert_element_type3A_38, %cond3A_39 : i32
    scf.if %cond3A_40 {
      "tpu.region"() ({
        %run_scoped3A_166 = tpu.sem_alloc : memref<!tpu.dma_semaphore, #tpu.memory_space<semaphore_mem>>
        %dma_start3A_167 = arith.constant 0 : i32
        %dma_start3A_168 = arith.constant 0 : i32
        %dma_start3A_169 = tpu.memref_slice %arg12[%dma_start3A_167, %dma_start3A_168] : memref<128x128xf32, #tpu.memory_space<vmem>> -> memref<104x128xf32, #tpu.memory_space<vmem>>
        %dma_start3A_170 = arith.constant 4992 : i32
        %dma_start3A_171 = arith.constant 0 : i32
        %dma_start3A_172 = tpu.memref_slice %arg13[%dma_start3A_170, %dma_start3A_171] : memref<5096x128xf32, #tpu.memory_space<vmem_shared>> -> memref<104x128xf32, #tpu.memory_space<vmem_shared>>
        %dma_start3A_173 = arith.constant 4992 : i32
        %dma_start3A_174 = arith.constant 0 : i32
        %dma_start3A_175 = tpu.memref_slice %arg13[%dma_start3A_173, %dma_start3A_174] : memref<5096x128xf32, #tpu.memory_space<vmem_shared>> -> memref<104x128xf32, #tpu.memory_space<vmem_shared>>
        %dma_start3A_176 = arith.constant 0 : i32
        %dma_start3A_177 = arith.constant 0 : i32
        %dma_start3A_178 = tpu.memref_slice %arg12[%dma_start3A_176, %dma_start3A_177] : memref<128x128xf32, #tpu.memory_space<vmem>> -> memref<104x128xf32, #tpu.memory_space<vmem>>
        tpu.enqueue_dma source(%dma_start3A_178 : memref<104x128xf32, #tpu.memory_space<vmem>>) target(%dma_start3A_175 : memref<104x128xf32, #tpu.memory_space<vmem_shared>>) target_semaphore(%run_scoped3A_166 : memref<!tpu.dma_semaphore, #tpu.memory_space<semaphore_mem>>)
        %dma_wait3A_179 = arith.constant 0 : i32
        %dma_wait3A_180 = arith.constant 0 : i32
        %dma_wait3A_181 = tpu.memref_slice %arg12[%dma_wait3A_179, %dma_wait3A_180] : memref<128x128xf32, #tpu.memory_space<vmem>> -> memref<104x128xf32, #tpu.memory_space<vmem>>
        %dma_wait3A_182 = arith.constant 4992 : i32
        %dma_wait3A_183 = arith.constant 0 : i32
        %dma_wait3A_184 = tpu.memref_slice %arg13[%dma_wait3A_182, %dma_wait3A_183] : memref<5096x128xf32, #tpu.memory_space<vmem_shared>> -> memref<104x128xf32, #tpu.memory_space<vmem_shared>>
        %dma_wait3A_185 = arith.constant 4992 : i32
        %dma_wait3A_186 = arith.constant 0 : i32
        %dma_wait3A_187 = tpu.memref_slice %arg13[%dma_wait3A_185, %dma_wait3A_186] : memref<5096x128xf32, #tpu.memory_space<vmem_shared>> -> memref<104x128xf32, #tpu.memory_space<vmem_shared>>
        %dma_wait3A_188 = arith.constant 0 : i32
        %dma_wait3A_189 = arith.constant 0 : i32
        %dma_wait3A_190 = tpu.memref_slice %arg12[%dma_wait3A_188, %dma_wait3A_189] : memref<128x128xf32, #tpu.memory_space<vmem>> -> memref<104x128xf32, #tpu.memory_space<vmem>>
        tpu.wait_dma2 semaphore(%run_scoped3A_166 : memref<!tpu.dma_semaphore, #tpu.memory_space<semaphore_mem>>) src(%dma_wait3A_190 : memref<104x128xf32, #tpu.memory_space<vmem>>) dst(%dma_wait3A_187 : memref<104x128xf32, #tpu.memory_space<vmem_shared>>)
        tpu.yield
      }) : () -> ()
    } else {
    }
    %barrier3A = arith.constant 0 : index
    tpu.barrier barrier_id(%barrier3A)
    %while3A = arith.constant 0 : i32
    %while3A_41 = arith.constant 0 : i32
    %while3A_42 = arith.subi %select_n3A, %while3A_41 : i32
    %while3A_43 = arith.addi %while3A_41, %while3A_42 : i32
    %while3A_44 = arith.constant 1 : i32
    %while3A_45 = arith.divsi %while3A_42, %while3A_44 : i32
    %while3A_46 = arith.muli %while3A_45, %while3A_44 : i32
    %while3A_47 = arith.addi %while3A_41, %while3A_46 : i32
    %while3A_48 = arith.constant 1 : i32
    scf.for %while3A_166 = %while3A_41 to %while3A_47 step %while3A_48  : i32 {
      %ge3A = arith.constant 1 : i32
      %ge3A_167 = arith.cmpi sge, %while3A_166, %ge3A : i32
      %convert_element_type3A_168 = arith.extui %ge3A_167 : i1 to i32
      %cond3A_169 = arith.constant 0 : i32
      %cond3A_170 = arith.cmpi ne, %convert_element_type3A_168, %cond3A_169 : i32
      scf.if %cond3A_170 {
        %sub3A_228 = arith.constant 1 : i32
        %sub3A_229 = arith.subi %while3A_166, %sub3A_228 : i32
        %jit3A_230 = arith.constant 2 : i32
        %eq3A_231 = arith.constant 0 : i32
        %eq3A_232 = arith.cmpi eq, %jit3A_230, %eq3A_231 : i32
        %jit3A_233 = arith.constant 1 : i32
        %select_n3A_234 = arith.select %eq3A_232, %jit3A_233, %jit3A_230 : i32
        %rem3A_235 = arith.remsi %sub3A_229, %select_n3A_234 : i32
        %ne3A_236 = arith.constant 0 : i32
        %ne3A_237 = arith.cmpi ne, %rem3A_235, %ne3A_236 : i32
        %lt3A_238 = arith.constant 0 : i32
        %lt3A_239 = arith.cmpi slt, %rem3A_235, %lt3A_238 : i32
        %lt3A_240 = arith.constant 0 : i32
        %lt3A_241 = arith.cmpi slt, %select_n3A_234, %lt3A_240 : i32
        %ne3A_242 = arith.xori %lt3A_239, %lt3A_241 : i1
        %and3A_243 = arith.andi %ne3A_242, %ne3A_237 : i1
        %add3A_244 = arith.addi %rem3A_235, %select_n3A_234 : i32
        %select_n3A_245 = arith.select %and3A_243, %add3A_244, %rem3A_235 : i32
        %sub3A_246 = arith.constant 1 : i32
        %sub3A_247 = arith.subi %while3A_166, %sub3A_246 : i32
        %dma_wait3A_248 = arith.constant 0 : i32
        %dma_wait3A_249 = arith.constant 0 : i32
        %dma_wait3A_250 = tpu.memref_slice %arg11[%select_n3A_245, %dma_wait3A_248, %dma_wait3A_249] : memref<2x128x128xf32, #tpu.memory_space<vmem>> -> memref<1x128x128xf32, #tpu.memory_space<vmem>>
        %dma_wait3A_251 = tpu.memref_squeeze %dma_wait3A_250 : memref<1x128x128xf32, #tpu.memory_space<vmem>> -> memref<128x128xf32, #tpu.memory_space<vmem>>
        %dma_wait3A_252 = arith.constant 0 : i32
        %dma_wait3A_253 = tpu.memref_slice %arg9[%sub3A_247, %dma_wait3A_252] : memref<158x128xi32, #tpu.memory_space<vmem>> -> memref<1x128xi32, #tpu.memory_space<vmem>>
        %dma_wait3A_254 = tpu.memref_squeeze %dma_wait3A_253 : memref<1x128xi32, #tpu.memory_space<vmem>> -> memref<128xi32, #tpu.memory_space<vmem>>
        %dma_wait3A_255 = arith.constant 0 : i32
        %dma_wait3A_256 = arith.constant 0 : i32
        %dma_wait3A_257 = tpu.memref_slice %arg13[%dma_wait3A_255, %dma_wait3A_256] : memref<5096x128xf32, #tpu.memory_space<vmem_shared>> -> memref<5096x128xf32, #tpu.memory_space<vmem_shared>>
        tpu.wait_indirect_dma semaphore(%arg15 : memref<!tpu.dma_semaphore, #tpu.memory_space<semaphore_mem>>) src(%dma_wait3A_251 : memref<128x128xf32, #tpu.memory_space<vmem>>) dst(%dma_wait3A_257 : memref<5096x128xf32, #tpu.memory_space<vmem_shared>>)
      } else {
      }
      %add3A_171 = arith.constant 1 : i32
      %add3A_172 = arith.addi %while3A_166, %add3A_171 : i32
      %lt3A = arith.cmpi slt, %add3A_172, %select_n3A : i32
      %convert_element_type3A_173 = arith.extui %lt3A : i1 to i32
      %cond3A_174 = arith.constant 0 : i32
      %cond3A_175 = arith.cmpi ne, %convert_element_type3A_173, %cond3A_174 : i32
      scf.if %cond3A_175 {
        %add3A_228 = arith.constant 1 : i32
        %add3A_229 = arith.addi %while3A_166, %add3A_228 : i32
        %add3A_230 = arith.constant 1 : i32
        %add3A_231 = arith.addi %while3A_166, %add3A_230 : i32
        %jit3A_232 = arith.constant 2 : i32
        %eq3A_233 = arith.constant 0 : i32
        %eq3A_234 = arith.cmpi eq, %jit3A_232, %eq3A_233 : i32
        %jit3A_235 = arith.constant 1 : i32
        %select_n3A_236 = arith.select %eq3A_234, %jit3A_235, %jit3A_232 : i32
        %rem3A_237 = arith.remsi %add3A_231, %select_n3A_236 : i32
        %ne3A_238 = arith.constant 0 : i32
        %ne3A_239 = arith.cmpi ne, %rem3A_237, %ne3A_238 : i32
        %lt3A_240 = arith.constant 0 : i32
        %lt3A_241 = arith.cmpi slt, %rem3A_237, %lt3A_240 : i32
        %lt3A_242 = arith.constant 0 : i32
        %lt3A_243 = arith.cmpi slt, %select_n3A_236, %lt3A_242 : i32
        %ne3A_244 = arith.xori %lt3A_241, %lt3A_243 : i1
        %and3A_245 = arith.andi %ne3A_244, %ne3A_239 : i1
        %add3A_246 = arith.addi %rem3A_237, %select_n3A_236 : i32
        %select_n3A_247 = arith.select %and3A_245, %add3A_246, %rem3A_237 : i32
        %dma_start3A_248 = arith.constant 0 : i32
        %dma_start3A_249 = arith.constant 0 : i32
        %dma_start3A_250 = tpu.memref_slice %arg11[%select_n3A_247, %dma_start3A_248, %dma_start3A_249] : memref<2x128x128xf32, #tpu.memory_space<vmem>> -> memref<1x128x128xf32, #tpu.memory_space<vmem>>
        %dma_start3A_251 = tpu.memref_squeeze %dma_start3A_250 : memref<1x128x128xf32, #tpu.memory_space<vmem>> -> memref<128x128xf32, #tpu.memory_space<vmem>>
        %dma_start3A_252 = arith.constant 0 : i32
        %dma_start3A_253 = tpu.memref_slice %arg8[%add3A_229, %dma_start3A_252] : memref<158x128xi32, #tpu.memory_space<vmem>> -> memref<1x128xi32, #tpu.memory_space<vmem>>
        %dma_start3A_254 = tpu.memref_squeeze %dma_start3A_253 : memref<1x128xi32, #tpu.memory_space<vmem>> -> memref<128xi32, #tpu.memory_space<vmem>>
        %dma_start3A_255 = arith.constant 0 : i32
        %dma_start3A_256 = arith.constant 0 : i32
        %dma_start3A_257 = tpu.memref_slice %arg2[%dma_start3A_255, %dma_start3A_256] : memref<10000x128xf32, #tpu.memory_space<hbm>> -> memref<10000x128xf32, #tpu.memory_space<hbm>>
        tpu.enqueue_indirect_dma source(%dma_start3A_257 : memref<10000x128xf32, #tpu.memory_space<hbm>>) target(%dma_start3A_251 : memref<128x128xf32, #tpu.memory_space<vmem>>) offsets(%dma_start3A_254 : memref<128xi32, #tpu.memory_space<vmem>>) semaphore(%arg14 : memref<!tpu.dma_semaphore, #tpu.memory_space<semaphore_mem>>)
      } else {
      }
      %jit3A_176 = arith.constant 2 : i32
      %eq3A_177 = arith.constant 0 : i32
      %eq3A_178 = arith.cmpi eq, %jit3A_176, %eq3A_177 : i32
      %jit3A_179 = arith.constant 1 : i32
      %select_n3A_180 = arith.select %eq3A_178, %jit3A_179, %jit3A_176 : i32
      %rem3A_181 = arith.remsi %while3A_166, %select_n3A_180 : i32
      %ne3A_182 = arith.constant 0 : i32
      %ne3A_183 = arith.cmpi ne, %rem3A_181, %ne3A_182 : i32
      %lt3A_184 = arith.constant 0 : i32
      %lt3A_185 = arith.cmpi slt, %rem3A_181, %lt3A_184 : i32
      %lt3A_186 = arith.constant 0 : i32
      %lt3A_187 = arith.cmpi slt, %select_n3A_180, %lt3A_186 : i32
      %ne3A_188 = arith.xori %lt3A_185, %lt3A_187 : i1
      %and3A_189 = arith.andi %ne3A_188, %ne3A_183 : i1
      %add3A_190 = arith.addi %rem3A_181, %select_n3A_180 : i32
      %select_n3A_191 = arith.select %and3A_189, %add3A_190, %rem3A_181 : i32
      %dma_wait3A_192 = arith.constant 0 : i32
      %dma_wait3A_193 = arith.constant 0 : i32
      %dma_wait3A_194 = tpu.memref_slice %arg11[%select_n3A_191, %dma_wait3A_192, %dma_wait3A_193] : memref<2x128x128xf32, #tpu.memory_space<vmem>> -> memref<1x128x128xf32, #tpu.memory_space<vmem>>
      %dma_wait3A_195 = tpu.memref_squeeze %dma_wait3A_194 : memref<1x128x128xf32, #tpu.memory_space<vmem>> -> memref<128x128xf32, #tpu.memory_space<vmem>>
      %dma_wait3A_196 = arith.constant 0 : i32
      %dma_wait3A_197 = tpu.memref_slice %arg8[%while3A_166, %dma_wait3A_196] : memref<158x128xi32, #tpu.memory_space<vmem>> -> memref<1x128xi32, #tpu.memory_space<vmem>>
      %dma_wait3A_198 = tpu.memref_squeeze %dma_wait3A_197 : memref<1x128xi32, #tpu.memory_space<vmem>> -> memref<128xi32, #tpu.memory_space<vmem>>
      %dma_wait3A_199 = arith.constant 0 : i32
      %dma_wait3A_200 = arith.constant 0 : i32
      %dma_wait3A_201 = tpu.memref_slice %arg2[%dma_wait3A_199, %dma_wait3A_200] : memref<10000x128xf32, #tpu.memory_space<hbm>> -> memref<10000x128xf32, #tpu.memory_space<hbm>>
      tpu.wait_indirect_dma semaphore(%arg14 : memref<!tpu.dma_semaphore, #tpu.memory_space<semaphore_mem>>) src(%dma_wait3A_201 : memref<10000x128xf32, #tpu.memory_space<hbm>>) dst(%dma_wait3A_195 : memref<128x128xf32, #tpu.memory_space<vmem>>)
      %jit3A_202 = arith.constant 2 : i32
      %eq3A_203 = arith.constant 0 : i32
      %eq3A_204 = arith.cmpi eq, %jit3A_202, %eq3A_203 : i32
      %jit3A_205 = arith.constant 1 : i32
      %select_n3A_206 = arith.select %eq3A_204, %jit3A_205, %jit3A_202 : i32
      %rem3A_207 = arith.remsi %while3A_166, %select_n3A_206 : i32
      %ne3A_208 = arith.constant 0 : i32
      %ne3A_209 = arith.cmpi ne, %rem3A_207, %ne3A_208 : i32
      %lt3A_210 = arith.constant 0 : i32
      %lt3A_211 = arith.cmpi slt, %rem3A_207, %lt3A_210 : i32
      %lt3A_212 = arith.constant 0 : i32
      %lt3A_213 = arith.cmpi slt, %select_n3A_206, %lt3A_212 : i32
      %ne3A_214 = arith.xori %lt3A_211, %lt3A_213 : i1
      %and3A_215 = arith.andi %ne3A_214, %ne3A_209 : i1
      %add3A_216 = arith.addi %rem3A_207, %select_n3A_206 : i32
      %select_n3A_217 = arith.select %and3A_215, %add3A_216, %rem3A_207 : i32
      %dma_start3A_218 = arith.constant 0 : i32
      %dma_start3A_219 = arith.constant 0 : i32
      %dma_start3A_220 = tpu.memref_slice %arg11[%select_n3A_217, %dma_start3A_218, %dma_start3A_219] : memref<2x128x128xf32, #tpu.memory_space<vmem>> -> memref<1x128x128xf32, #tpu.memory_space<vmem>>
      %dma_start3A_221 = tpu.memref_squeeze %dma_start3A_220 : memref<1x128x128xf32, #tpu.memory_space<vmem>> -> memref<128x128xf32, #tpu.memory_space<vmem>>
      %dma_start3A_222 = arith.constant 0 : i32
      %dma_start3A_223 = tpu.memref_slice %arg9[%while3A_166, %dma_start3A_222] : memref<158x128xi32, #tpu.memory_space<vmem>> -> memref<1x128xi32, #tpu.memory_space<vmem>>
      %dma_start3A_224 = tpu.memref_squeeze %dma_start3A_223 : memref<1x128xi32, #tpu.memory_space<vmem>> -> memref<128xi32, #tpu.memory_space<vmem>>
      %dma_start3A_225 = arith.constant 0 : i32
      %dma_start3A_226 = arith.constant 0 : i32
      %dma_start3A_227 = tpu.memref_slice %arg13[%dma_start3A_225, %dma_start3A_226] : memref<5096x128xf32, #tpu.memory_space<vmem_shared>> -> memref<5096x128xf32, #tpu.memory_space<vmem_shared>>
      tpu.enqueue_indirect_dma source(%dma_start3A_221 : memref<128x128xf32, #tpu.memory_space<vmem>>) target(%dma_start3A_227 : memref<5096x128xf32, #tpu.memory_space<vmem_shared>>) offsets(%dma_start3A_224 : memref<128xi32, #tpu.memory_space<vmem>>) semaphore(%arg15 : memref<!tpu.dma_semaphore, #tpu.memory_space<semaphore_mem>>) {add = true}
    }
    %while3A_49 = arith.constant 1 : i32
    scf.for %while3A_166 = %while3A_47 to %while3A_43 step %while3A_49  : i32 {
      %ge3A = arith.constant 1 : i32
      %ge3A_167 = arith.cmpi sge, %while3A_166, %ge3A : i32
      %convert_element_type3A_168 = arith.extui %ge3A_167 : i1 to i32
      %cond3A_169 = arith.constant 0 : i32
      %cond3A_170 = arith.cmpi ne, %convert_element_type3A_168, %cond3A_169 : i32
      scf.if %cond3A_170 {
        %sub3A_228 = arith.constant 1 : i32
        %sub3A_229 = arith.subi %while3A_166, %sub3A_228 : i32
        %jit3A_230 = arith.constant 2 : i32
        %eq3A_231 = arith.constant 0 : i32
        %eq3A_232 = arith.cmpi eq, %jit3A_230, %eq3A_231 : i32
        %jit3A_233 = arith.constant 1 : i32
        %select_n3A_234 = arith.select %eq3A_232, %jit3A_233, %jit3A_230 : i32
        %rem3A_235 = arith.remsi %sub3A_229, %select_n3A_234 : i32
        %ne3A_236 = arith.constant 0 : i32
        %ne3A_237 = arith.cmpi ne, %rem3A_235, %ne3A_236 : i32
        %lt3A_238 = arith.constant 0 : i32
        %lt3A_239 = arith.cmpi slt, %rem3A_235, %lt3A_238 : i32
        %lt3A_240 = arith.constant 0 : i32
        %lt3A_241 = arith.cmpi slt, %select_n3A_234, %lt3A_240 : i32
        %ne3A_242 = arith.xori %lt3A_239, %lt3A_241 : i1
        %and3A_243 = arith.andi %ne3A_242, %ne3A_237 : i1
        %add3A_244 = arith.addi %rem3A_235, %select_n3A_234 : i32
        %select_n3A_245 = arith.select %and3A_243, %add3A_244, %rem3A_235 : i32
        %sub3A_246 = arith.constant 1 : i32
        %sub3A_247 = arith.subi %while3A_166, %sub3A_246 : i32
        %dma_wait3A_248 = arith.constant 0 : i32
        %dma_wait3A_249 = arith.constant 0 : i32
        %dma_wait3A_250 = tpu.memref_slice %arg11[%select_n3A_245, %dma_wait3A_248, %dma_wait3A_249] : memref<2x128x128xf32, #tpu.memory_space<vmem>> -> memref<1x128x128xf32, #tpu.memory_space<vmem>>
        %dma_wait3A_251 = tpu.memref_squeeze %dma_wait3A_250 : memref<1x128x128xf32, #tpu.memory_space<vmem>> -> memref<128x128xf32, #tpu.memory_space<vmem>>
        %dma_wait3A_252 = arith.constant 0 : i32
        %dma_wait3A_253 = tpu.memref_slice %arg9[%sub3A_247, %dma_wait3A_252] : memref<158x128xi32, #tpu.memory_space<vmem>> -> memref<1x128xi32, #tpu.memory_space<vmem>>
        %dma_wait3A_254 = tpu.memref_squeeze %dma_wait3A_253 : memref<1x128xi32, #tpu.memory_space<vmem>> -> memref<128xi32, #tpu.memory_space<vmem>>
        %dma_wait3A_255 = arith.constant 0 : i32
        %dma_wait3A_256 = arith.constant 0 : i32
        %dma_wait3A_257 = tpu.memref_slice %arg13[%dma_wait3A_255, %dma_wait3A_256] : memref<5096x128xf32, #tpu.memory_space<vmem_shared>> -> memref<5096x128xf32, #tpu.memory_space<vmem_shared>>
        tpu.wait_indirect_dma semaphore(%arg15 : memref<!tpu.dma_semaphore, #tpu.memory_space<semaphore_mem>>) src(%dma_wait3A_251 : memref<128x128xf32, #tpu.memory_space<vmem>>) dst(%dma_wait3A_257 : memref<5096x128xf32, #tpu.memory_space<vmem_shared>>)
      } else {
      }
      %add3A_171 = arith.constant 1 : i32
      %add3A_172 = arith.addi %while3A_166, %add3A_171 : i32
      %lt3A = arith.cmpi slt, %add3A_172, %select_n3A : i32
      %convert_element_type3A_173 = arith.extui %lt3A : i1 to i32
      %cond3A_174 = arith.constant 0 : i32
      %cond3A_175 = arith.cmpi ne, %convert_element_type3A_173, %cond3A_174 : i32
      scf.if %cond3A_175 {
        %add3A_228 = arith.constant 1 : i32
        %add3A_229 = arith.addi %while3A_166, %add3A_228 : i32
        %add3A_230 = arith.constant 1 : i32
        %add3A_231 = arith.addi %while3A_166, %add3A_230 : i32
        %jit3A_232 = arith.constant 2 : i32
        %eq3A_233 = arith.constant 0 : i32
        %eq3A_234 = arith.cmpi eq, %jit3A_232, %eq3A_233 : i32
        %jit3A_235 = arith.constant 1 : i32
        %select_n3A_236 = arith.select %eq3A_234, %jit3A_235, %jit3A_232 : i32
        %rem3A_237 = arith.remsi %add3A_231, %select_n3A_236 : i32
        %ne3A_238 = arith.constant 0 : i32
        %ne3A_239 = arith.cmpi ne, %rem3A_237, %ne3A_238 : i32
        %lt3A_240 = arith.constant 0 : i32
        %lt3A_241 = arith.cmpi slt, %rem3A_237, %lt3A_240 : i32
        %lt3A_242 = arith.constant 0 : i32
        %lt3A_243 = arith.cmpi slt, %select_n3A_236, %lt3A_242 : i32
        %ne3A_244 = arith.xori %lt3A_241, %lt3A_243 : i1
        %and3A_245 = arith.andi %ne3A_244, %ne3A_239 : i1
        %add3A_246 = arith.addi %rem3A_237, %select_n3A_236 : i32
        %select_n3A_247 = arith.select %and3A_245, %add3A_246, %rem3A_237 : i32
        %dma_start3A_248 = arith.constant 0 : i32
        %dma_start3A_249 = arith.constant 0 : i32
        %dma_start3A_250 = tpu.memref_slice %arg11[%select_n3A_247, %dma_start3A_248, %dma_start3A_249] : memref<2x128x128xf32, #tpu.memory_space<vmem>> -> memref<1x128x128xf32, #tpu.memory_space<vmem>>
        %dma_start3A_251 = tpu.memref_squeeze %dma_start3A_250 : memref<1x128x128xf32, #tpu.memory_space<vmem>> -> memref<128x128xf32, #tpu.memory_space<vmem>>
        %dma_start3A_252 = arith.constant 0 : i32
        %dma_start3A_253 = tpu.memref_slice %arg8[%add3A_229, %dma_start3A_252] : memref<158x128xi32, #tpu.memory_space<vmem>> -> memref<1x128xi32, #tpu.memory_space<vmem>>
        %dma_start3A_254 = tpu.memref_squeeze %dma_start3A_253 : memref<1x128xi32, #tpu.memory_space<vmem>> -> memref<128xi32, #tpu.memory_space<vmem>>
        %dma_start3A_255 = arith.constant 0 : i32
        %dma_start3A_256 = arith.constant 0 : i32
        %dma_start3A_257 = tpu.memref_slice %arg2[%dma_start3A_255, %dma_start3A_256] : memref<10000x128xf32, #tpu.memory_space<hbm>> -> memref<10000x128xf32, #tpu.memory_space<hbm>>
        tpu.enqueue_indirect_dma source(%dma_start3A_257 : memref<10000x128xf32, #tpu.memory_space<hbm>>) target(%dma_start3A_251 : memref<128x128xf32, #tpu.memory_space<vmem>>) offsets(%dma_start3A_254 : memref<128xi32, #tpu.memory_space<vmem>>) semaphore(%arg14 : memref<!tpu.dma_semaphore, #tpu.memory_space<semaphore_mem>>)
      } else {
      }
      %jit3A_176 = arith.constant 2 : i32
      %eq3A_177 = arith.constant 0 : i32
      %eq3A_178 = arith.cmpi eq, %jit3A_176, %eq3A_177 : i32
      %jit3A_179 = arith.constant 1 : i32
      %select_n3A_180 = arith.select %eq3A_178, %jit3A_179, %jit3A_176 : i32
      %rem3A_181 = arith.remsi %while3A_166, %select_n3A_180 : i32
      %ne3A_182 = arith.constant 0 : i32
      %ne3A_183 = arith.cmpi ne, %rem3A_181, %ne3A_182 : i32
      %lt3A_184 = arith.constant 0 : i32
      %lt3A_185 = arith.cmpi slt, %rem3A_181, %lt3A_184 : i32
      %lt3A_186 = arith.constant 0 : i32
      %lt3A_187 = arith.cmpi slt, %select_n3A_180, %lt3A_186 : i32
      %ne3A_188 = arith.xori %lt3A_185, %lt3A_187 : i1
      %and3A_189 = arith.andi %ne3A_188, %ne3A_183 : i1
      %add3A_190 = arith.addi %rem3A_181, %select_n3A_180 : i32
      %select_n3A_191 = arith.select %and3A_189, %add3A_190, %rem3A_181 : i32
      %dma_wait3A_192 = arith.constant 0 : i32
      %dma_wait3A_193 = arith.constant 0 : i32
      %dma_wait3A_194 = tpu.memref_slice %arg11[%select_n3A_191, %dma_wait3A_192, %dma_wait3A_193] : memref<2x128x128xf32, #tpu.memory_space<vmem>> -> memref<1x128x128xf32, #tpu.memory_space<vmem>>
      %dma_wait3A_195 = tpu.memref_squeeze %dma_wait3A_194 : memref<1x128x128xf32, #tpu.memory_space<vmem>> -> memref<128x128xf32, #tpu.memory_space<vmem>>
      %dma_wait3A_196 = arith.constant 0 : i32
      %dma_wait3A_197 = tpu.memref_slice %arg8[%while3A_166, %dma_wait3A_196] : memref<158x128xi32, #tpu.memory_space<vmem>> -> memref<1x128xi32, #tpu.memory_space<vmem>>
      %dma_wait3A_198 = tpu.memref_squeeze %dma_wait3A_197 : memref<1x128xi32, #tpu.memory_space<vmem>> -> memref<128xi32, #tpu.memory_space<vmem>>
      %dma_wait3A_199 = arith.constant 0 : i32
      %dma_wait3A_200 = arith.constant 0 : i32
      %dma_wait3A_201 = tpu.memref_slice %arg2[%dma_wait3A_199, %dma_wait3A_200] : memref<10000x128xf32, #tpu.memory_space<hbm>> -> memref<10000x128xf32, #tpu.memory_space<hbm>>
      tpu.wait_indirect_dma semaphore(%arg14 : memref<!tpu.dma_semaphore, #tpu.memory_space<semaphore_mem>>) src(%dma_wait3A_201 : memref<10000x128xf32, #tpu.memory_space<hbm>>) dst(%dma_wait3A_195 : memref<128x128xf32, #tpu.memory_space<vmem>>)
      %jit3A_202 = arith.constant 2 : i32
      %eq3A_203 = arith.constant 0 : i32
      %eq3A_204 = arith.cmpi eq, %jit3A_202, %eq3A_203 : i32
      %jit3A_205 = arith.constant 1 : i32
      %select_n3A_206 = arith.select %eq3A_204, %jit3A_205, %jit3A_202 : i32
      %rem3A_207 = arith.remsi %while3A_166, %select_n3A_206 : i32
      %ne3A_208 = arith.constant 0 : i32
      %ne3A_209 = arith.cmpi ne, %rem3A_207, %ne3A_208 : i32
      %lt3A_210 = arith.constant 0 : i32
      %lt3A_211 = arith.cmpi slt, %rem3A_207, %lt3A_210 : i32
      %lt3A_212 = arith.constant 0 : i32
      %lt3A_213 = arith.cmpi slt, %select_n3A_206, %lt3A_212 : i32
      %ne3A_214 = arith.xori %lt3A_211, %lt3A_213 : i1
      %and3A_215 = arith.andi %ne3A_214, %ne3A_209 : i1
      %add3A_216 = arith.addi %rem3A_207, %select_n3A_206 : i32
      %select_n3A_217 = arith.select %and3A_215, %add3A_216, %rem3A_207 : i32
      %dma_start3A_218 = arith.constant 0 : i32
      %dma_start3A_219 = arith.constant 0 : i32
      %dma_start3A_220 = tpu.memref_slice %arg11[%select_n3A_217, %dma_start3A_218, %dma_start3A_219] : memref<2x128x128xf32, #tpu.memory_space<vmem>> -> memref<1x128x128xf32, #tpu.memory_space<vmem>>
      %dma_start3A_221 = tpu.memref_squeeze %dma_start3A_220 : memref<1x128x128xf32, #tpu.memory_space<vmem>> -> memref<128x128xf32, #tpu.memory_space<vmem>>
      %dma_start3A_222 = arith.constant 0 : i32
      %dma_start3A_223 = tpu.memref_slice %arg9[%while3A_166, %dma_start3A_222] : memref<158x128xi32, #tpu.memory_space<vmem>> -> memref<1x128xi32, #tpu.memory_space<vmem>>
      %dma_start3A_224 = tpu.memref_squeeze %dma_start3A_223 : memref<1x128xi32, #tpu.memory_space<vmem>> -> memref<128xi32, #tpu.memory_space<vmem>>
      %dma_start3A_225 = arith.constant 0 : i32
      %dma_start3A_226 = arith.constant 0 : i32
      %dma_start3A_227 = tpu.memref_slice %arg13[%dma_start3A_225, %dma_start3A_226] : memref<5096x128xf32, #tpu.memory_space<vmem_shared>> -> memref<5096x128xf32, #tpu.memory_space<vmem_shared>>
      tpu.enqueue_indirect_dma source(%dma_start3A_221 : memref<128x128xf32, #tpu.memory_space<vmem>>) target(%dma_start3A_227 : memref<5096x128xf32, #tpu.memory_space<vmem_shared>>) offsets(%dma_start3A_224 : memref<128xi32, #tpu.memory_space<vmem>>) semaphore(%arg15 : memref<!tpu.dma_semaphore, #tpu.memory_space<semaphore_mem>>) {add = true}
    }
    %gt3A_50 = arith.constant 0 : i32
    %gt3A_51 = arith.cmpi sgt, %select_n3A, %gt3A_50 : i32
    %convert_element_type3A_52 = arith.extui %gt3A_51 : i1 to i32
    %cond3A_53 = arith.constant 0 : i32
    %cond3A_54 = arith.cmpi ne, %convert_element_type3A_52, %cond3A_53 : i32
    scf.if %cond3A_54 {
      %sub3A_166 = arith.constant 1 : i32
      %sub3A_167 = arith.subi %select_n3A, %sub3A_166 : i32
      %jit3A_168 = arith.constant 2 : i32
      %eq3A_169 = arith.constant 0 : i32
      %eq3A_170 = arith.cmpi eq, %jit3A_168, %eq3A_169 : i32
      %jit3A_171 = arith.constant 1 : i32
      %select_n3A_172 = arith.select %eq3A_170, %jit3A_171, %jit3A_168 : i32
      %rem3A_173 = arith.remsi %sub3A_167, %select_n3A_172 : i32
      %ne3A_174 = arith.constant 0 : i32
      %ne3A_175 = arith.cmpi ne, %rem3A_173, %ne3A_174 : i32
      %lt3A = arith.constant 0 : i32
      %lt3A_176 = arith.cmpi slt, %rem3A_173, %lt3A : i32
      %lt3A_177 = arith.constant 0 : i32
      %lt3A_178 = arith.cmpi slt, %select_n3A_172, %lt3A_177 : i32
      %ne3A_179 = arith.xori %lt3A_176, %lt3A_178 : i1
      %and3A_180 = arith.andi %ne3A_179, %ne3A_175 : i1
      %add3A_181 = arith.addi %rem3A_173, %select_n3A_172 : i32
      %select_n3A_182 = arith.select %and3A_180, %add3A_181, %rem3A_173 : i32
      %sub3A_183 = arith.constant 1 : i32
      %sub3A_184 = arith.subi %select_n3A, %sub3A_183 : i32
      %dma_wait3A_185 = arith.constant 0 : i32
      %dma_wait3A_186 = arith.constant 0 : i32
      %dma_wait3A_187 = tpu.memref_slice %arg11[%select_n3A_182, %dma_wait3A_185, %dma_wait3A_186] : memref<2x128x128xf32, #tpu.memory_space<vmem>> -> memref<1x128x128xf32, #tpu.memory_space<vmem>>
      %dma_wait3A_188 = tpu.memref_squeeze %dma_wait3A_187 : memref<1x128x128xf32, #tpu.memory_space<vmem>> -> memref<128x128xf32, #tpu.memory_space<vmem>>
      %dma_wait3A_189 = arith.constant 0 : i32
      %dma_wait3A_190 = tpu.memref_slice %arg9[%sub3A_184, %dma_wait3A_189] : memref<158x128xi32, #tpu.memory_space<vmem>> -> memref<1x128xi32, #tpu.memory_space<vmem>>
      %dma_wait3A_191 = tpu.memref_squeeze %dma_wait3A_190 : memref<1x128xi32, #tpu.memory_space<vmem>> -> memref<128xi32, #tpu.memory_space<vmem>>
      %dma_wait3A_192 = arith.constant 0 : i32
      %dma_wait3A_193 = arith.constant 0 : i32
      %dma_wait3A_194 = tpu.memref_slice %arg13[%dma_wait3A_192, %dma_wait3A_193] : memref<5096x128xf32, #tpu.memory_space<vmem_shared>> -> memref<5096x128xf32, #tpu.memory_space<vmem_shared>>
      tpu.wait_indirect_dma semaphore(%arg15 : memref<!tpu.dma_semaphore, #tpu.memory_space<semaphore_mem>>) src(%dma_wait3A_188 : memref<128x128xf32, #tpu.memory_space<vmem>>) dst(%dma_wait3A_194 : memref<5096x128xf32, #tpu.memory_space<vmem_shared>>)
    } else {
    }
    %barrier3A_55 = arith.constant 0 : index
    tpu.barrier barrier_id(%barrier3A_55)
    %mul3A_56 = arith.constant 5096 : i32
    %mul3A_57 = arith.muli %arg0, %mul3A_56 : i32
    %add3A_58 = arith.addi %mul3A_57, %mul3A_32 : i32
    %add3A_59 = arith.constant 0 : i32
    %add3A_60 = arith.addi %mul3A_32, %add3A_59 : i32
    %run_scoped3A = arith.constant 0 : i32
    "tpu.region"() ({
      %run_scoped3A_166 = tpu.sem_alloc : memref<!tpu.dma_semaphore, #tpu.memory_space<semaphore_mem>>
      %dma_start3A_167 = arith.constant 0 : i32
      %dma_start3A_168 = arith.constant 0 : i32
      %dma_start3A_169 = tpu.memref_slice %arg11[%run_scoped3A, %dma_start3A_167, %dma_start3A_168] : memref<2x128x128xf32, #tpu.memory_space<vmem>> -> memref<1x128x128xf32, #tpu.memory_space<vmem>>
      %dma_start3A_170 = tpu.memref_squeeze %dma_start3A_169 : memref<1x128x128xf32, #tpu.memory_space<vmem>> -> memref<128x128xf32, #tpu.memory_space<vmem>>
      %dma_start3A_171 = arith.constant 0 : i32
      %dma_start3A_172 = tpu.memref_slice %arg13[%add3A_60, %dma_start3A_171] : memref<5096x128xf32, #tpu.memory_space<vmem_shared>> -> memref<128x128xf32, #tpu.memory_space<vmem_shared>>
      %dma_start3A_173 = arith.constant 0 : i32
      %dma_start3A_174 = arith.constant 0 : i32
      %dma_start3A_175 = tpu.memref_slice %arg11[%run_scoped3A, %dma_start3A_173, %dma_start3A_174] : memref<2x128x128xf32, #tpu.memory_space<vmem>> -> memref<1x128x128xf32, #tpu.memory_space<vmem>>
      %dma_start3A_176 = tpu.memref_squeeze %dma_start3A_175 : memref<1x128x128xf32, #tpu.memory_space<vmem>> -> memref<128x128xf32, #tpu.memory_space<vmem>>
      %dma_start3A_177 = arith.constant 0 : i32
      %dma_start3A_178 = tpu.memref_slice %arg13[%add3A_60, %dma_start3A_177] : memref<5096x128xf32, #tpu.memory_space<vmem_shared>> -> memref<128x128xf32, #tpu.memory_space<vmem_shared>>
      tpu.enqueue_dma source(%dma_start3A_178 : memref<128x128xf32, #tpu.memory_space<vmem_shared>>) target(%dma_start3A_176 : memref<128x128xf32, #tpu.memory_space<vmem>>) target_semaphore(%run_scoped3A_166 : memref<!tpu.dma_semaphore, #tpu.memory_space<semaphore_mem>>)
      %dma_wait3A_179 = arith.constant 0 : i32
      %dma_wait3A_180 = arith.constant 0 : i32
      %dma_wait3A_181 = tpu.memref_slice %arg11[%run_scoped3A, %dma_wait3A_179, %dma_wait3A_180] : memref<2x128x128xf32, #tpu.memory_space<vmem>> -> memref<1x128x128xf32, #tpu.memory_space<vmem>>
      %dma_wait3A_182 = tpu.memref_squeeze %dma_wait3A_181 : memref<1x128x128xf32, #tpu.memory_space<vmem>> -> memref<128x128xf32, #tpu.memory_space<vmem>>
      %dma_wait3A_183 = arith.constant 0 : i32
      %dma_wait3A_184 = tpu.memref_slice %arg13[%add3A_60, %dma_wait3A_183] : memref<5096x128xf32, #tpu.memory_space<vmem_shared>> -> memref<128x128xf32, #tpu.memory_space<vmem_shared>>
      %dma_wait3A_185 = arith.constant 0 : i32
      %dma_wait3A_186 = arith.constant 0 : i32
      %dma_wait3A_187 = tpu.memref_slice %arg11[%run_scoped3A, %dma_wait3A_185, %dma_wait3A_186] : memref<2x128x128xf32, #tpu.memory_space<vmem>> -> memref<1x128x128xf32, #tpu.memory_space<vmem>>
      %dma_wait3A_188 = tpu.memref_squeeze %dma_wait3A_187 : memref<1x128x128xf32, #tpu.memory_space<vmem>> -> memref<128x128xf32, #tpu.memory_space<vmem>>
      %dma_wait3A_189 = arith.constant 0 : i32
      %dma_wait3A_190 = tpu.memref_slice %arg13[%add3A_60, %dma_wait3A_189] : memref<5096x128xf32, #tpu.memory_space<vmem_shared>> -> memref<128x128xf32, #tpu.memory_space<vmem_shared>>
      tpu.wait_dma2 semaphore(%run_scoped3A_166 : memref<!tpu.dma_semaphore, #tpu.memory_space<semaphore_mem>>) src(%dma_wait3A_190 : memref<128x128xf32, #tpu.memory_space<vmem_shared>>) dst(%dma_wait3A_188 : memref<128x128xf32, #tpu.memory_space<vmem>>)
      tpu.yield
    }) : () -> ()
    %add3A_61 = arith.constant 0 : i32
    %add3A_62 = arith.addi %add3A_58, %add3A_61 : i32
    %dma_start3A = arith.constant 0 : i32
    %dma_start3A_63 = arith.constant 0 : i32
    %dma_start3A_64 = arith.constant 0 : i32
    %dma_start3A_65 = tpu.memref_slice %arg11[%dma_start3A, %dma_start3A_63, %dma_start3A_64] : memref<2x128x128xf32, #tpu.memory_space<vmem>> -> memref<1x128x128xf32, #tpu.memory_space<vmem>>
    %dma_start3A_66 = tpu.memref_squeeze %dma_start3A_65 : memref<1x128x128xf32, #tpu.memory_space<vmem>> -> memref<128x128xf32, #tpu.memory_space<vmem>>
    %dma_start3A_67 = arith.constant 0 : i32
    %dma_start3A_68 = tpu.memref_slice %arg7[%add3A_62, %dma_start3A_67] : memref<10192x128xf32, #tpu.memory_space<hbm>> -> memref<128x128xf32, #tpu.memory_space<hbm>>
    %dma_start3A_69 = arith.constant 0 : i32
    %dma_start3A_70 = tpu.memref_slice %arg7[%add3A_62, %dma_start3A_69] : memref<10192x128xf32, #tpu.memory_space<hbm>> -> memref<128x128xf32, #tpu.memory_space<hbm>>
    %dma_start3A_71 = arith.constant 0 : i32
    %dma_start3A_72 = arith.constant 0 : i32
    %dma_start3A_73 = tpu.memref_slice %arg11[%dma_start3A, %dma_start3A_71, %dma_start3A_72] : memref<2x128x128xf32, #tpu.memory_space<vmem>> -> memref<1x128x128xf32, #tpu.memory_space<vmem>>
    %dma_start3A_74 = tpu.memref_squeeze %dma_start3A_73 : memref<1x128x128xf32, #tpu.memory_space<vmem>> -> memref<128x128xf32, #tpu.memory_space<vmem>>
    tpu.enqueue_dma source(%dma_start3A_74 : memref<128x128xf32, #tpu.memory_space<vmem>>) target(%dma_start3A_70 : memref<128x128xf32, #tpu.memory_space<hbm>>) target_semaphore(%arg14 : memref<!tpu.dma_semaphore, #tpu.memory_space<semaphore_mem>>)
    %add3A_75 = arith.constant 128 : i32
    %add3A_76 = arith.addi %mul3A_32, %add3A_75 : i32
    %run_scoped3A_77 = arith.constant 1 : i32
    "tpu.region"() ({
      %run_scoped3A_166 = tpu.sem_alloc : memref<!tpu.dma_semaphore, #tpu.memory_space<semaphore_mem>>
      %dma_start3A_167 = arith.constant 0 : i32
      %dma_start3A_168 = arith.constant 0 : i32
      %dma_start3A_169 = tpu.memref_slice %arg11[%run_scoped3A_77, %dma_start3A_167, %dma_start3A_168] : memref<2x128x128xf32, #tpu.memory_space<vmem>> -> memref<1x128x128xf32, #tpu.memory_space<vmem>>
      %dma_start3A_170 = tpu.memref_squeeze %dma_start3A_169 : memref<1x128x128xf32, #tpu.memory_space<vmem>> -> memref<128x128xf32, #tpu.memory_space<vmem>>
      %dma_start3A_171 = arith.constant 0 : i32
      %dma_start3A_172 = tpu.memref_slice %arg13[%add3A_76, %dma_start3A_171] : memref<5096x128xf32, #tpu.memory_space<vmem_shared>> -> memref<128x128xf32, #tpu.memory_space<vmem_shared>>
      %dma_start3A_173 = arith.constant 0 : i32
      %dma_start3A_174 = arith.constant 0 : i32
      %dma_start3A_175 = tpu.memref_slice %arg11[%run_scoped3A_77, %dma_start3A_173, %dma_start3A_174] : memref<2x128x128xf32, #tpu.memory_space<vmem>> -> memref<1x128x128xf32, #tpu.memory_space<vmem>>
      %dma_start3A_176 = tpu.memref_squeeze %dma_start3A_175 : memref<1x128x128xf32, #tpu.memory_space<vmem>> -> memref<128x128xf32, #tpu.memory_space<vmem>>
      %dma_start3A_177 = arith.constant 0 : i32
      %dma_start3A_178 = tpu.memref_slice %arg13[%add3A_76, %dma_start3A_177] : memref<5096x128xf32, #tpu.memory_space<vmem_shared>> -> memref<128x128xf32, #tpu.memory_space<vmem_shared>>
      tpu.enqueue_dma source(%dma_start3A_178 : memref<128x128xf32, #tpu.memory_space<vmem_shared>>) target(%dma_start3A_176 : memref<128x128xf32, #tpu.memory_space<vmem>>) target_semaphore(%run_scoped3A_166 : memref<!tpu.dma_semaphore, #tpu.memory_space<semaphore_mem>>)
      %dma_wait3A_179 = arith.constant 0 : i32
      %dma_wait3A_180 = arith.constant 0 : i32
      %dma_wait3A_181 = tpu.memref_slice %arg11[%run_scoped3A_77, %dma_wait3A_179, %dma_wait3A_180] : memref<2x128x128xf32, #tpu.memory_space<vmem>> -> memref<1x128x128xf32, #tpu.memory_space<vmem>>
      %dma_wait3A_182 = tpu.memref_squeeze %dma_wait3A_181 : memref<1x128x128xf32, #tpu.memory_space<vmem>> -> memref<128x128xf32, #tpu.memory_space<vmem>>
      %dma_wait3A_183 = arith.constant 0 : i32
      %dma_wait3A_184 = tpu.memref_slice %arg13[%add3A_76, %dma_wait3A_183] : memref<5096x128xf32, #tpu.memory_space<vmem_shared>> -> memref<128x128xf32, #tpu.memory_space<vmem_shared>>
      %dma_wait3A_185 = arith.constant 0 : i32
      %dma_wait3A_186 = arith.constant 0 : i32
      %dma_wait3A_187 = tpu.memref_slice %arg11[%run_scoped3A_77, %dma_wait3A_185, %dma_wait3A_186] : memref<2x128x128xf32, #tpu.memory_space<vmem>> -> memref<1x128x128xf32, #tpu.memory_space<vmem>>
      %dma_wait3A_188 = tpu.memref_squeeze %dma_wait3A_187 : memref<1x128x128xf32, #tpu.memory_space<vmem>> -> memref<128x128xf32, #tpu.memory_space<vmem>>
      %dma_wait3A_189 = arith.constant 0 : i32
      %dma_wait3A_190 = tpu.memref_slice %arg13[%add3A_76, %dma_wait3A_189] : memref<5096x128xf32, #tpu.memory_space<vmem_shared>> -> memref<128x128xf32, #tpu.memory_space<vmem_shared>>
      tpu.wait_dma2 semaphore(%run_scoped3A_166 : memref<!tpu.dma_semaphore, #tpu.memory_space<semaphore_mem>>) src(%dma_wait3A_190 : memref<128x128xf32, #tpu.memory_space<vmem_shared>>) dst(%dma_wait3A_188 : memref<128x128xf32, #tpu.memory_space<vmem>>)
      tpu.yield
    }) : () -> ()
    %add3A_78 = arith.constant 128 : i32
    %add3A_79 = arith.addi %add3A_58, %add3A_78 : i32
    %dma_start3A_80 = arith.constant 1 : i32
    %dma_start3A_81 = arith.constant 0 : i32
    %dma_start3A_82 = arith.constant 0 : i32
    %dma_start3A_83 = tpu.memref_slice %arg11[%dma_start3A_80, %dma_start3A_81, %dma_start3A_82] : memref<2x128x128xf32, #tpu.memory_space<vmem>> -> memref<1x128x128xf32, #tpu.memory_space<vmem>>
    %dma_start3A_84 = tpu.memref_squeeze %dma_start3A_83 : memref<1x128x128xf32, #tpu.memory_space<vmem>> -> memref<128x128xf32, #tpu.memory_space<vmem>>
    %dma_start3A_85 = arith.constant 0 : i32
    %dma_start3A_86 = tpu.memref_slice %arg7[%add3A_79, %dma_start3A_85] : memref<10192x128xf32, #tpu.memory_space<hbm>> -> memref<128x128xf32, #tpu.memory_space<hbm>>
    %dma_start3A_87 = arith.constant 0 : i32
    %dma_start3A_88 = tpu.memref_slice %arg7[%add3A_79, %dma_start3A_87] : memref<10192x128xf32, #tpu.memory_space<hbm>> -> memref<128x128xf32, #tpu.memory_space<hbm>>
    %dma_start3A_89 = arith.constant 0 : i32
    %dma_start3A_90 = arith.constant 0 : i32
    %dma_start3A_91 = tpu.memref_slice %arg11[%dma_start3A_80, %dma_start3A_89, %dma_start3A_90] : memref<2x128x128xf32, #tpu.memory_space<vmem>> -> memref<1x128x128xf32, #tpu.memory_space<vmem>>
    %dma_start3A_92 = tpu.memref_squeeze %dma_start3A_91 : memref<1x128x128xf32, #tpu.memory_space<vmem>> -> memref<128x128xf32, #tpu.memory_space<vmem>>
    tpu.enqueue_dma source(%dma_start3A_92 : memref<128x128xf32, #tpu.memory_space<vmem>>) target(%dma_start3A_88 : memref<128x128xf32, #tpu.memory_space<hbm>>) target_semaphore(%arg14 : memref<!tpu.dma_semaphore, #tpu.memory_space<semaphore_mem>>)
    %dma_wait3A = arith.constant 0 : i32
    %dma_wait3A_93 = arith.constant 0 : i32
    %dma_wait3A_94 = arith.constant 0 : i32
    %dma_wait3A_95 = tpu.memref_slice %arg11[%dma_wait3A, %dma_wait3A_93, %dma_wait3A_94] : memref<2x128x128xf32, #tpu.memory_space<vmem>> -> memref<1x128x128xf32, #tpu.memory_space<vmem>>
    %dma_wait3A_96 = tpu.memref_squeeze %dma_wait3A_95 : memref<1x128x128xf32, #tpu.memory_space<vmem>> -> memref<128x128xf32, #tpu.memory_space<vmem>>
    %dma_wait3A_97 = arith.constant 0 : i32
    %dma_wait3A_98 = tpu.memref_slice %arg7[%add3A_62, %dma_wait3A_97] : memref<10192x128xf32, #tpu.memory_space<hbm>> -> memref<128x128xf32, #tpu.memory_space<hbm>>
    %dma_wait3A_99 = arith.constant 0 : i32
    %dma_wait3A_100 = tpu.memref_slice %arg7[%add3A_62, %dma_wait3A_99] : memref<10192x128xf32, #tpu.memory_space<hbm>> -> memref<128x128xf32, #tpu.memory_space<hbm>>
    %dma_wait3A_101 = arith.constant 0 : i32
    %dma_wait3A_102 = arith.constant 0 : i32
    %dma_wait3A_103 = tpu.memref_slice %arg11[%dma_wait3A, %dma_wait3A_101, %dma_wait3A_102] : memref<2x128x128xf32, #tpu.memory_space<vmem>> -> memref<1x128x128xf32, #tpu.memory_space<vmem>>
    %dma_wait3A_104 = tpu.memref_squeeze %dma_wait3A_103 : memref<1x128x128xf32, #tpu.memory_space<vmem>> -> memref<128x128xf32, #tpu.memory_space<vmem>>
    tpu.wait_dma2 semaphore(%arg14 : memref<!tpu.dma_semaphore, #tpu.memory_space<semaphore_mem>>) src(%dma_wait3A_104 : memref<128x128xf32, #tpu.memory_space<vmem>>) dst(%dma_wait3A_100 : memref<128x128xf32, #tpu.memory_space<hbm>>)
    %add3A_105 = arith.constant 256 : i32
    %add3A_106 = arith.addi %mul3A_32, %add3A_105 : i32
    %run_scoped3A_107 = arith.constant 0 : i32
    "tpu.region"() ({
      %run_scoped3A_166 = tpu.sem_alloc : memref<!tpu.dma_semaphore, #tpu.memory_space<semaphore_mem>>
      %dma_start3A_167 = arith.constant 0 : i32
      %dma_start3A_168 = arith.constant 0 : i32
      %dma_start3A_169 = tpu.memref_slice %arg11[%run_scoped3A_107, %dma_start3A_167, %dma_start3A_168] : memref<2x128x128xf32, #tpu.memory_space<vmem>> -> memref<1x128x128xf32, #tpu.memory_space<vmem>>
      %dma_start3A_170 = tpu.memref_squeeze %dma_start3A_169 : memref<1x128x128xf32, #tpu.memory_space<vmem>> -> memref<128x128xf32, #tpu.memory_space<vmem>>
      %dma_start3A_171 = arith.constant 0 : i32
      %dma_start3A_172 = arith.constant 0 : i32
      %dma_start3A_173 = tpu.memref_slice %dma_start3A_170[%dma_start3A_171, %dma_start3A_172] : memref<128x128xf32, #tpu.memory_space<vmem>> -> memref<56x128xf32, #tpu.memory_space<vmem>>
      %dma_start3A_174 = arith.constant 0 : i32
      %dma_start3A_175 = tpu.memref_slice %arg13[%add3A_106, %dma_start3A_174] : memref<5096x128xf32, #tpu.memory_space<vmem_shared>> -> memref<56x128xf32, #tpu.memory_space<vmem_shared>>
      %dma_start3A_176 = arith.constant 0 : i32
      %dma_start3A_177 = arith.constant 0 : i32
      %dma_start3A_178 = tpu.memref_slice %arg11[%run_scoped3A_107, %dma_start3A_176, %dma_start3A_177] : memref<2x128x128xf32, #tpu.memory_space<vmem>> -> memref<1x128x128xf32, #tpu.memory_space<vmem>>
      %dma_start3A_179 = tpu.memref_squeeze %dma_start3A_178 : memref<1x128x128xf32, #tpu.memory_space<vmem>> -> memref<128x128xf32, #tpu.memory_space<vmem>>
      %dma_start3A_180 = arith.constant 0 : i32
      %dma_start3A_181 = arith.constant 0 : i32
      %dma_start3A_182 = tpu.memref_slice %dma_start3A_179[%dma_start3A_180, %dma_start3A_181] : memref<128x128xf32, #tpu.memory_space<vmem>> -> memref<56x128xf32, #tpu.memory_space<vmem>>
      %dma_start3A_183 = arith.constant 0 : i32
      %dma_start3A_184 = tpu.memref_slice %arg13[%add3A_106, %dma_start3A_183] : memref<5096x128xf32, #tpu.memory_space<vmem_shared>> -> memref<56x128xf32, #tpu.memory_space<vmem_shared>>
      tpu.enqueue_dma source(%dma_start3A_184 : memref<56x128xf32, #tpu.memory_space<vmem_shared>>) target(%dma_start3A_182 : memref<56x128xf32, #tpu.memory_space<vmem>>) target_semaphore(%run_scoped3A_166 : memref<!tpu.dma_semaphore, #tpu.memory_space<semaphore_mem>>)
      %dma_wait3A_185 = arith.constant 0 : i32
      %dma_wait3A_186 = arith.constant 0 : i32
      %dma_wait3A_187 = tpu.memref_slice %arg11[%run_scoped3A_107, %dma_wait3A_185, %dma_wait3A_186] : memref<2x128x128xf32, #tpu.memory_space<vmem>> -> memref<1x128x128xf32, #tpu.memory_space<vmem>>
      %dma_wait3A_188 = tpu.memref_squeeze %dma_wait3A_187 : memref<1x128x128xf32, #tpu.memory_space<vmem>> -> memref<128x128xf32, #tpu.memory_space<vmem>>
      %dma_wait3A_189 = arith.constant 0 : i32
      %dma_wait3A_190 = arith.constant 0 : i32
      %dma_wait3A_191 = tpu.memref_slice %dma_wait3A_188[%dma_wait3A_189, %dma_wait3A_190] : memref<128x128xf32, #tpu.memory_space<vmem>> -> memref<56x128xf32, #tpu.memory_space<vmem>>
      %dma_wait3A_192 = arith.constant 0 : i32
      %dma_wait3A_193 = tpu.memref_slice %arg13[%add3A_106, %dma_wait3A_192] : memref<5096x128xf32, #tpu.memory_space<vmem_shared>> -> memref<56x128xf32, #tpu.memory_space<vmem_shared>>
      %dma_wait3A_194 = arith.constant 0 : i32
      %dma_wait3A_195 = arith.constant 0 : i32
      %dma_wait3A_196 = tpu.memref_slice %arg11[%run_scoped3A_107, %dma_wait3A_194, %dma_wait3A_195] : memref<2x128x128xf32, #tpu.memory_space<vmem>> -> memref<1x128x128xf32, #tpu.memory_space<vmem>>
      %dma_wait3A_197 = tpu.memref_squeeze %dma_wait3A_196 : memref<1x128x128xf32, #tpu.memory_space<vmem>> -> memref<128x128xf32, #tpu.memory_space<vmem>>
      %dma_wait3A_198 = arith.constant 0 : i32
      %dma_wait3A_199 = arith.constant 0 : i32
      %dma_wait3A_200 = tpu.memref_slice %dma_wait3A_197[%dma_wait3A_198, %dma_wait3A_199] : memref<128x128xf32, #tpu.memory_space<vmem>> -> memref<56x128xf32, #tpu.memory_space<vmem>>
      %dma_wait3A_201 = arith.constant 0 : i32
      %dma_wait3A_202 = tpu.memref_slice %arg13[%add3A_106, %dma_wait3A_201] : memref<5096x128xf32, #tpu.memory_space<vmem_shared>> -> memref<56x128xf32, #tpu.memory_space<vmem_shared>>
      tpu.wait_dma2 semaphore(%run_scoped3A_166 : memref<!tpu.dma_semaphore, #tpu.memory_space<semaphore_mem>>) src(%dma_wait3A_202 : memref<56x128xf32, #tpu.memory_space<vmem_shared>>) dst(%dma_wait3A_200 : memref<56x128xf32, #tpu.memory_space<vmem>>)
      tpu.yield
    }) : () -> ()
    %add3A_108 = arith.constant 256 : i32
    %add3A_109 = arith.addi %add3A_58, %add3A_108 : i32
    %dma_start3A_110 = arith.constant 0 : i32
    %dma_start3A_111 = arith.constant 0 : i32
    %dma_start3A_112 = arith.constant 0 : i32
    %dma_start3A_113 = tpu.memref_slice %arg11[%dma_start3A_110, %dma_start3A_111, %dma_start3A_112] : memref<2x128x128xf32, #tpu.memory_space<vmem>> -> memref<1x128x128xf32, #tpu.memory_space<vmem>>
    %dma_start3A_114 = tpu.memref_squeeze %dma_start3A_113 : memref<1x128x128xf32, #tpu.memory_space<vmem>> -> memref<128x128xf32, #tpu.memory_space<vmem>>
    %dma_start3A_115 = arith.constant 0 : i32
    %dma_start3A_116 = arith.constant 0 : i32
    %dma_start3A_117 = tpu.memref_slice %dma_start3A_114[%dma_start3A_115, %dma_start3A_116] : memref<128x128xf32, #tpu.memory_space<vmem>> -> memref<56x128xf32, #tpu.memory_space<vmem>>
    %dma_start3A_118 = arith.constant 0 : i32
    %dma_start3A_119 = tpu.memref_slice %arg7[%add3A_109, %dma_start3A_118] : memref<10192x128xf32, #tpu.memory_space<hbm>> -> memref<56x128xf32, #tpu.memory_space<hbm>>
    %dma_start3A_120 = arith.constant 0 : i32
    %dma_start3A_121 = tpu.memref_slice %arg7[%add3A_109, %dma_start3A_120] : memref<10192x128xf32, #tpu.memory_space<hbm>> -> memref<56x128xf32, #tpu.memory_space<hbm>>
    %dma_start3A_122 = arith.constant 0 : i32
    %dma_start3A_123 = arith.constant 0 : i32
    %dma_start3A_124 = tpu.memref_slice %arg11[%dma_start3A_110, %dma_start3A_122, %dma_start3A_123] : memref<2x128x128xf32, #tpu.memory_space<vmem>> -> memref<1x128x128xf32, #tpu.memory_space<vmem>>
    %dma_start3A_125 = tpu.memref_squeeze %dma_start3A_124 : memref<1x128x128xf32, #tpu.memory_space<vmem>> -> memref<128x128xf32, #tpu.memory_space<vmem>>
    %dma_start3A_126 = arith.constant 0 : i32
    %dma_start3A_127 = arith.constant 0 : i32
    %dma_start3A_128 = tpu.memref_slice %dma_start3A_125[%dma_start3A_126, %dma_start3A_127] : memref<128x128xf32, #tpu.memory_space<vmem>> -> memref<56x128xf32, #tpu.memory_space<vmem>>
    tpu.enqueue_dma source(%dma_start3A_128 : memref<56x128xf32, #tpu.memory_space<vmem>>) target(%dma_start3A_121 : memref<56x128xf32, #tpu.memory_space<hbm>>) target_semaphore(%arg14 : memref<!tpu.dma_semaphore, #tpu.memory_space<semaphore_mem>>)
    %dma_wait3A_129 = arith.constant 1 : i32
    %dma_wait3A_130 = arith.constant 0 : i32
    %dma_wait3A_131 = arith.constant 0 : i32
    %dma_wait3A_132 = tpu.memref_slice %arg11[%dma_wait3A_129, %dma_wait3A_130, %dma_wait3A_131] : memref<2x128x128xf32, #tpu.memory_space<vmem>> -> memref<1x128x128xf32, #tpu.memory_space<vmem>>
    %dma_wait3A_133 = tpu.memref_squeeze %dma_wait3A_132 : memref<1x128x128xf32, #tpu.memory_space<vmem>> -> memref<128x128xf32, #tpu.memory_space<vmem>>
    %dma_wait3A_134 = arith.constant 0 : i32
    %dma_wait3A_135 = tpu.memref_slice %arg7[%add3A_79, %dma_wait3A_134] : memref<10192x128xf32, #tpu.memory_space<hbm>> -> memref<128x128xf32, #tpu.memory_space<hbm>>
    %dma_wait3A_136 = arith.constant 0 : i32
    %dma_wait3A_137 = tpu.memref_slice %arg7[%add3A_79, %dma_wait3A_136] : memref<10192x128xf32, #tpu.memory_space<hbm>> -> memref<128x128xf32, #tpu.memory_space<hbm>>
    %dma_wait3A_138 = arith.constant 0 : i32
    %dma_wait3A_139 = arith.constant 0 : i32
    %dma_wait3A_140 = tpu.memref_slice %arg11[%dma_wait3A_129, %dma_wait3A_138, %dma_wait3A_139] : memref<2x128x128xf32, #tpu.memory_space<vmem>> -> memref<1x128x128xf32, #tpu.memory_space<vmem>>
    %dma_wait3A_141 = tpu.memref_squeeze %dma_wait3A_140 : memref<1x128x128xf32, #tpu.memory_space<vmem>> -> memref<128x128xf32, #tpu.memory_space<vmem>>
    tpu.wait_dma2 semaphore(%arg14 : memref<!tpu.dma_semaphore, #tpu.memory_space<semaphore_mem>>) src(%dma_wait3A_141 : memref<128x128xf32, #tpu.memory_space<vmem>>) dst(%dma_wait3A_137 : memref<128x128xf32, #tpu.memory_space<hbm>>)
    %dma_wait3A_142 = arith.constant 0 : i32
    %dma_wait3A_143 = arith.constant 0 : i32
    %dma_wait3A_144 = arith.constant 0 : i32
    %dma_wait3A_145 = tpu.memref_slice %arg11[%dma_wait3A_142, %dma_wait3A_143, %dma_wait3A_144] : memref<2x128x128xf32, #tpu.memory_space<vmem>> -> memref<1x128x128xf32, #tpu.memory_space<vmem>>
    %dma_wait3A_146 = tpu.memref_squeeze %dma_wait3A_145 : memref<1x128x128xf32, #tpu.memory_space<vmem>> -> memref<128x128xf32, #tpu.memory_space<vmem>>
    %dma_wait3A_147 = arith.constant 0 : i32
    %dma_wait3A_148 = arith.constant 0 : i32
    %dma_wait3A_149 = tpu.memref_slice %dma_wait3A_146[%dma_wait3A_147, %dma_wait3A_148] : memref<128x128xf32, #tpu.memory_space<vmem>> -> memref<56x128xf32, #tpu.memory_space<vmem>>
    %dma_wait3A_150 = arith.constant 0 : i32
    %dma_wait3A_151 = tpu.memref_slice %arg7[%add3A_109, %dma_wait3A_150] : memref<10192x128xf32, #tpu.memory_space<hbm>> -> memref<56x128xf32, #tpu.memory_space<hbm>>
    %dma_wait3A_152 = arith.constant 0 : i32
    %dma_wait3A_153 = tpu.memref_slice %arg7[%add3A_109, %dma_wait3A_152] : memref<10192x128xf32, #tpu.memory_space<hbm>> -> memref<56x128xf32, #tpu.memory_space<hbm>>
    %dma_wait3A_154 = arith.constant 0 : i32
    %dma_wait3A_155 = arith.constant 0 : i32
    %dma_wait3A_156 = tpu.memref_slice %arg11[%dma_wait3A_142, %dma_wait3A_154, %dma_wait3A_155] : memref<2x128x128xf32, #tpu.memory_space<vmem>> -> memref<1x128x128xf32, #tpu.memory_space<vmem>>
    %dma_wait3A_157 = tpu.memref_squeeze %dma_wait3A_156 : memref<1x128x128xf32, #tpu.memory_space<vmem>> -> memref<128x128xf32, #tpu.memory_space<vmem>>
    %dma_wait3A_158 = arith.constant 0 : i32
    %dma_wait3A_159 = arith.constant 0 : i32
    %dma_wait3A_160 = tpu.memref_slice %dma_wait3A_157[%dma_wait3A_158, %dma_wait3A_159] : memref<128x128xf32, #tpu.memory_space<vmem>> -> memref<56x128xf32, #tpu.memory_space<vmem>>
    tpu.wait_dma2 semaphore(%arg14 : memref<!tpu.dma_semaphore, #tpu.memory_space<semaphore_mem>>) src(%dma_wait3A_160 : memref<56x128xf32, #tpu.memory_space<vmem>>) dst(%dma_wait3A_153 : memref<56x128xf32, #tpu.memory_space<hbm>>)
    %eq3A_161 = arith.constant 0 : i32
    %eq3A_162 = arith.cmpi eq, %arg1, %eq3A_161 : i32
    %convert_element_type3A_163 = arith.extui %eq3A_162 : i1 to i32
    %cond3A_164 = arith.constant 0 : i32
    %cond3A_165 = arith.cmpi ne, %convert_element_type3A_163, %cond3A_164 : i32
    scf.if %cond3A_165 {
      %run_scoped3A_166 = arith.constant 0 : i32
      "tpu.region"() ({
        %run_scoped3A_172 = tpu.sem_alloc : memref<!tpu.dma_semaphore, #tpu.memory_space<semaphore_mem>>
        %dma_start3A_173 = arith.constant 0 : i32
        %dma_start3A_174 = arith.constant 0 : i32
        %dma_start3A_175 = tpu.memref_slice %arg11[%run_scoped3A_166, %dma_start3A_173, %dma_start3A_174] : memref<2x128x128xf32, #tpu.memory_space<vmem>> -> memref<1x128x128xf32, #tpu.memory_space<vmem>>
        %dma_start3A_176 = tpu.memref_squeeze %dma_start3A_175 : memref<1x128x128xf32, #tpu.memory_space<vmem>> -> memref<128x128xf32, #tpu.memory_space<vmem>>
        %dma_start3A_177 = arith.constant 0 : i32
        %dma_start3A_178 = arith.constant 0 : i32
        %dma_start3A_179 = tpu.memref_slice %dma_start3A_176[%dma_start3A_177, %dma_start3A_178] : memref<128x128xf32, #tpu.memory_space<vmem>> -> memref<104x128xf32, #tpu.memory_space<vmem>>
        %dma_start3A_180 = arith.constant 4992 : i32
        %dma_start3A_181 = arith.constant 0 : i32
        %dma_start3A_182 = tpu.memref_slice %arg13[%dma_start3A_180, %dma_start3A_181] : memref<5096x128xf32, #tpu.memory_space<vmem_shared>> -> memref<104x128xf32, #tpu.memory_space<vmem_shared>>
        %dma_start3A_183 = arith.constant 0 : i32
        %dma_start3A_184 = arith.constant 0 : i32
        %dma_start3A_185 = tpu.memref_slice %arg11[%run_scoped3A_166, %dma_start3A_183, %dma_start3A_184] : memref<2x128x128xf32, #tpu.memory_space<vmem>> -> memref<1x128x128xf32, #tpu.memory_space<vmem>>
        %dma_start3A_186 = tpu.memref_squeeze %dma_start3A_185 : memref<1x128x128xf32, #tpu.memory_space<vmem>> -> memref<128x128xf32, #tpu.memory_space<vmem>>
        %dma_start3A_187 = arith.constant 0 : i32
        %dma_start3A_188 = arith.constant 0 : i32
        %dma_start3A_189 = tpu.memref_slice %dma_start3A_186[%dma_start3A_187, %dma_start3A_188] : memref<128x128xf32, #tpu.memory_space<vmem>> -> memref<104x128xf32, #tpu.memory_space<vmem>>
        %dma_start3A_190 = arith.constant 4992 : i32
        %dma_start3A_191 = arith.constant 0 : i32
        %dma_start3A_192 = tpu.memref_slice %arg13[%dma_start3A_190, %dma_start3A_191] : memref<5096x128xf32, #tpu.memory_space<vmem_shared>> -> memref<104x128xf32, #tpu.memory_space<vmem_shared>>
        tpu.enqueue_dma source(%dma_start3A_192 : memref<104x128xf32, #tpu.memory_space<vmem_shared>>) target(%dma_start3A_189 : memref<104x128xf32, #tpu.memory_space<vmem>>) target_semaphore(%run_scoped3A_172 : memref<!tpu.dma_semaphore, #tpu.memory_space<semaphore_mem>>)
        %dma_wait3A_193 = arith.constant 0 : i32
        %dma_wait3A_194 = arith.constant 0 : i32
        %dma_wait3A_195 = tpu.memref_slice %arg11[%run_scoped3A_166, %dma_wait3A_193, %dma_wait3A_194] : memref<2x128x128xf32, #tpu.memory_space<vmem>> -> memref<1x128x128xf32, #tpu.memory_space<vmem>>
        %dma_wait3A_196 = tpu.memref_squeeze %dma_wait3A_195 : memref<1x128x128xf32, #tpu.memory_space<vmem>> -> memref<128x128xf32, #tpu.memory_space<vmem>>
        %dma_wait3A_197 = arith.constant 0 : i32
        %dma_wait3A_198 = arith.constant 0 : i32
        %dma_wait3A_199 = tpu.memref_slice %dma_wait3A_196[%dma_wait3A_197, %dma_wait3A_198] : memref<128x128xf32, #tpu.memory_space<vmem>> -> memref<104x128xf32, #tpu.memory_space<vmem>>
        %dma_wait3A_200 = arith.constant 4992 : i32
        %dma_wait3A_201 = arith.constant 0 : i32
        %dma_wait3A_202 = tpu.memref_slice %arg13[%dma_wait3A_200, %dma_wait3A_201] : memref<5096x128xf32, #tpu.memory_space<vmem_shared>> -> memref<104x128xf32, #tpu.memory_space<vmem_shared>>
        %dma_wait3A_203 = arith.constant 0 : i32
        %dma_wait3A_204 = arith.constant 0 : i32
        %dma_wait3A_205 = tpu.memref_slice %arg11[%run_scoped3A_166, %dma_wait3A_203, %dma_wait3A_204] : memref<2x128x128xf32, #tpu.memory_space<vmem>> -> memref<1x128x128xf32, #tpu.memory_space<vmem>>
        %dma_wait3A_206 = tpu.memref_squeeze %dma_wait3A_205 : memref<1x128x128xf32, #tpu.memory_space<vmem>> -> memref<128x128xf32, #tpu.memory_space<vmem>>
        %dma_wait3A_207 = arith.constant 0 : i32
        %dma_wait3A_208 = arith.constant 0 : i32
        %dma_wait3A_209 = tpu.memref_slice %dma_wait3A_206[%dma_wait3A_207, %dma_wait3A_208] : memref<128x128xf32, #tpu.memory_space<vmem>> -> memref<104x128xf32, #tpu.memory_space<vmem>>
        %dma_wait3A_210 = arith.constant 4992 : i32
        %dma_wait3A_211 = arith.constant 0 : i32
        %dma_wait3A_212 = tpu.memref_slice %arg13[%dma_wait3A_210, %dma_wait3A_211] : memref<5096x128xf32, #tpu.memory_space<vmem_shared>> -> memref<104x128xf32, #tpu.memory_space<vmem_shared>>
        tpu.wait_dma2 semaphore(%run_scoped3A_172 : memref<!tpu.dma_semaphore, #tpu.memory_space<semaphore_mem>>) src(%dma_wait3A_212 : memref<104x128xf32, #tpu.memory_space<vmem_shared>>) dst(%dma_wait3A_209 : memref<104x128xf32, #tpu.memory_space<vmem>>)
        tpu.yield
      }) : () -> ()
      %mul3A_167 = arith.constant 5096 : i32
      %mul3A_168 = arith.muli %arg0, %mul3A_167 : i32
      %add3A_169 = arith.constant 4992 : i32
      %add3A_170 = arith.addi %mul3A_168, %add3A_169 : i32
      %run_scoped3A_171 = arith.constant 0 : i32
      "tpu.region"() ({
        %run_scoped3A_172 = tpu.sem_alloc : memref<!tpu.dma_semaphore, #tpu.memory_space<semaphore_mem>>
        %dma_start3A_173 = arith.constant 0 : i32
        %dma_start3A_174 = arith.constant 0 : i32
        %dma_start3A_175 = tpu.memref_slice %arg11[%run_scoped3A_171, %dma_start3A_173, %dma_start3A_174] : memref<2x128x128xf32, #tpu.memory_space<vmem>> -> memref<1x128x128xf32, #tpu.memory_space<vmem>>
        %dma_start3A_176 = tpu.memref_squeeze %dma_start3A_175 : memref<1x128x128xf32, #tpu.memory_space<vmem>> -> memref<128x128xf32, #tpu.memory_space<vmem>>
        %dma_start3A_177 = arith.constant 0 : i32
        %dma_start3A_178 = arith.constant 0 : i32
        %dma_start3A_179 = tpu.memref_slice %dma_start3A_176[%dma_start3A_177, %dma_start3A_178] : memref<128x128xf32, #tpu.memory_space<vmem>> -> memref<104x128xf32, #tpu.memory_space<vmem>>
        %dma_start3A_180 = arith.constant 0 : i32
        %dma_start3A_181 = tpu.memref_slice %arg7[%add3A_170, %dma_start3A_180] : memref<10192x128xf32, #tpu.memory_space<hbm>> -> memref<104x128xf32, #tpu.memory_space<hbm>>
        %dma_start3A_182 = arith.constant 0 : i32
        %dma_start3A_183 = tpu.memref_slice %arg7[%add3A_170, %dma_start3A_182] : memref<10192x128xf32, #tpu.memory_space<hbm>> -> memref<104x128xf32, #tpu.memory_space<hbm>>
        %dma_start3A_184 = arith.constant 0 : i32
        %dma_start3A_185 = arith.constant 0 : i32
        %dma_start3A_186 = tpu.memref_slice %arg11[%run_scoped3A_171, %dma_start3A_184, %dma_start3A_185] : memref<2x128x128xf32, #tpu.memory_space<vmem>> -> memref<1x128x128xf32, #tpu.memory_space<vmem>>
        %dma_start3A_187 = tpu.memref_squeeze %dma_start3A_186 : memref<1x128x128xf32, #tpu.memory_space<vmem>> -> memref<128x128xf32, #tpu.memory_space<vmem>>
        %dma_start3A_188 = arith.constant 0 : i32
        %dma_start3A_189 = arith.constant 0 : i32
        %dma_start3A_190 = tpu.memref_slice %dma_start3A_187[%dma_start3A_188, %dma_start3A_189] : memref<128x128xf32, #tpu.memory_space<vmem>> -> memref<104x128xf32, #tpu.memory_space<vmem>>
        tpu.enqueue_dma source(%dma_start3A_190 : memref<104x128xf32, #tpu.memory_space<vmem>>) target(%dma_start3A_183 : memref<104x128xf32, #tpu.memory_space<hbm>>) target_semaphore(%run_scoped3A_172 : memref<!tpu.dma_semaphore, #tpu.memory_space<semaphore_mem>>)
        %dma_wait3A_191 = arith.constant 0 : i32
        %dma_wait3A_192 = arith.constant 0 : i32
        %dma_wait3A_193 = tpu.memref_slice %arg11[%run_scoped3A_171, %dma_wait3A_191, %dma_wait3A_192] : memref<2x128x128xf32, #tpu.memory_space<vmem>> -> memref<1x128x128xf32, #tpu.memory_space<vmem>>
        %dma_wait3A_194 = tpu.memref_squeeze %dma_wait3A_193 : memref<1x128x128xf32, #tpu.memory_space<vmem>> -> memref<128x128xf32, #tpu.memory_space<vmem>>
        %dma_wait3A_195 = arith.constant 0 : i32
        %dma_wait3A_196 = arith.constant 0 : i32
        %dma_wait3A_197 = tpu.memref_slice %dma_wait3A_194[%dma_wait3A_195, %dma_wait3A_196] : memref<128x128xf32, #tpu.memory_space<vmem>> -> memref<104x128xf32, #tpu.memory_space<vmem>>
        %dma_wait3A_198 = arith.constant 0 : i32
        %dma_wait3A_199 = tpu.memref_slice %arg7[%add3A_170, %dma_wait3A_198] : memref<10192x128xf32, #tpu.memory_space<hbm>> -> memref<104x128xf32, #tpu.memory_space<hbm>>
        %dma_wait3A_200 = arith.constant 0 : i32
        %dma_wait3A_201 = tpu.memref_slice %arg7[%add3A_170, %dma_wait3A_200] : memref<10192x128xf32, #tpu.memory_space<hbm>> -> memref<104x128xf32, #tpu.memory_space<hbm>>
        %dma_wait3A_202 = arith.constant 0 : i32
        %dma_wait3A_203 = arith.constant 0 : i32
        %dma_wait3A_204 = tpu.memref_slice %arg11[%run_scoped3A_171, %dma_wait3A_202, %dma_wait3A_203] : memref<2x128x128xf32, #tpu.memory_space<vmem>> -> memref<1x128x128xf32, #tpu.memory_space<vmem>>
        %dma_wait3A_205 = tpu.memref_squeeze %dma_wait3A_204 : memref<1x128x128xf32, #tpu.memory_space<vmem>> -> memref<128x128xf32, #tpu.memory_space<vmem>>
        %dma_wait3A_206 = arith.constant 0 : i32
        %dma_wait3A_207 = arith.constant 0 : i32
        %dma_wait3A_208 = tpu.memref_slice %dma_wait3A_205[%dma_wait3A_206, %dma_wait3A_207] : memref<128x128xf32, #tpu.memory_space<vmem>> -> memref<104x128xf32, #tpu.memory_space<vmem>>
        tpu.wait_dma2 semaphore(%run_scoped3A_172 : memref<!tpu.dma_semaphore, #tpu.memory_space<semaphore_mem>>) src(%dma_wait3A_208 : memref<104x128xf32, #tpu.memory_space<vmem>>) dst(%dma_wait3A_201 : memref<104x128xf32, #tpu.memory_space<hbm>>)
        tpu.yield
      }) : () -> ()
    } else {
    }
    return
  }
}

#map = affine_map<(d0, d1) -> (0, 0)>
#map1 = affine_map<(d0, d1) -> (0, 0, 0)>
module attributes {stable_mosaic.version = 14 : i64} {
  func.func @_sc_scatter(%arg0: i32, %arg1: i32, %arg2: memref<10000x128xf32, #tpu.memory_space<hbm>>, %arg3: memref<32x158x128xi32, #tpu.memory_space<hbm>>, %arg4: memref<32x158x128xi32, #tpu.memory_space<hbm>>, %arg5: memref<32x16xi32, #tpu.memory_space<hbm>>, %arg6: memref<128x128xf32, #tpu.memory_space<hbm>>, %arg7: memref<10192x128xf32, #tpu.memory_space<hbm>>, %arg8: memref<158x128xi32, #tpu.memory_space<vmem>>, %arg9: memref<158x128xi32, #tpu.memory_space<vmem>>, %arg10: memref<16xi32, #tpu.memory_space<vmem>>, %arg11: memref<2x128x128xf32, #tpu.memory_space<vmem>>, %arg12: memref<128x128xf32, #tpu.memory_space<vmem>>, %arg13: memref<5096x128xf32, #tpu.memory_space<vmem_shared>>, %arg14: memref<!tpu.dma_semaphore, #tpu.memory_space<semaphore_mem>>, %arg15: memref<!tpu.dma_semaphore, #tpu.memory_space<semaphore_mem>>) attributes {dimension_semantics = [#tpu.dimension_semantics<core_parallel>, #tpu.dimension_semantics<subcore_parallel>], iteration_bounds = array<i64: 2, 16>, scalar_prefetch = 0 : i64, scratch_operands = 8 : i64, tpu.core_type = #tpu.core_type<sc_vector_subcore>, window_params = [{transform_indices = #map}, {transform_indices = #map1}, {transform_indices = #map1}, {transform_indices = #map}, {transform_indices = #map}, {transform_indices = #map}]} {
    %mul3A = arith.constant 16 : i32
    %mul3A_0 = arith.muli %arg0, %mul3A : i32
    %add3A = arith.addi %mul3A_0, %arg1 : i32
    "tpu.region"() ({
      %run_scoped3A_166 = tpu.sem_alloc : memref<!tpu.dma_semaphore, #tpu.memory_space<semaphore_mem>>
      %dma_start3A_167 = arith.constant 0 : i32
      %dma_start3A_168 = arith.constant 0 : i32
      %dma_start3A_169 = tpu.memref_slice %arg3[%add3A, %dma_start3A_167, %dma_start3A_168] : memref<32x158x128xi32, #tpu.memory_space<hbm>> -> memref<1x158x128xi32, #tpu.memory_space<hbm>>
      %dma_start3A_170 = tpu.memref_squeeze %dma_start3A_169 : memref<1x158x128xi32, #tpu.memory_space<hbm>> -> memref<158x128xi32, #tpu.memory_space<hbm>>
      %dma_start3A_171 = arith.constant 0 : i32
      %dma_start3A_172 = arith.constant 0 : i32
      %dma_start3A_173 = tpu.memref_slice %arg3[%add3A, %dma_start3A_171, %dma_start3A_172] : memref<32x158x128xi32, #tpu.memory_space<hbm>> -> memref<1x158x128xi32, #tpu.memory_space<hbm>>
      %dma_start3A_174 = tpu.memref_squeeze %dma_start3A_173 : memref<1x158x128xi32, #tpu.memory_space<hbm>> -> memref<158x128xi32, #tpu.memory_space<hbm>>
      tpu.enqueue_dma source(%dma_start3A_174 : memref<158x128xi32, #tpu.memory_space<hbm>>) target(%arg8 : memref<158x128xi32, #tpu.memory_space<vmem>>) target_semaphore(%run_scoped3A_166 : memref<!tpu.dma_semaphore, #tpu.memory_space<semaphore_mem>>)
      %dma_wait3A_175 = arith.constant 0 : i32
      %dma_wait3A_176 = arith.constant 0 : i32
      %dma_wait3A_177 = tpu.memref_slice %arg3[%add3A, %dma_wait3A_175, %dma_wait3A_176] : memref<32x158x128xi32, #tpu.memory_space<hbm>> -> memref<1x158x128xi32, #tpu.memory_space<hbm>>
      %dma_wait3A_178 = tpu.memref_squeeze %dma_wait3A_177 : memref<1x158x128xi32, #tpu.memory_space<hbm>> -> memref<158x128xi32, #tpu.memory_space<hbm>>
      %dma_wait3A_179 = arith.constant 0 : i32
      %dma_wait3A_180 = arith.constant 0 : i32
      %dma_wait3A_181 = tpu.memref_slice %arg3[%add3A, %dma_wait3A_179, %dma_wait3A_180] : memref<32x158x128xi32, #tpu.memory_space<hbm>> -> memref<1x158x128xi32, #tpu.memory_space<hbm>>
      %dma_wait3A_182 = tpu.memref_squeeze %dma_wait3A_181 : memref<1x158x128xi32, #tpu.memory_space<hbm>> -> memref<158x128xi32, #tpu.memory_space<hbm>>
      tpu.wait_dma2 semaphore(%run_scoped3A_166 : memref<!tpu.dma_semaphore, #tpu.memory_space<semaphore_mem>>) src(%dma_wait3A_182 : memref<158x128xi32, #tpu.memory_space<hbm>>) dst(%arg8 : memref<158x128xi32, #tpu.memory_space<vmem>>)
      tpu.yield
    }) : () -> ()
    "tpu.region"() ({
      %run_scoped3A_166 = tpu.sem_alloc : memref<!tpu.dma_semaphore, #tpu.memory_space<semaphore_mem>>
      %dma_start3A_167 = arith.constant 0 : i32
      %dma_start3A_168 = arith.constant 0 : i32
      %dma_start3A_169 = tpu.memref_slice %arg4[%add3A, %dma_start3A_167, %dma_start3A_168] : memref<32x158x128xi32, #tpu.memory_space<hbm>> -> memref<1x158x128xi32, #tpu.memory_space<hbm>>
      %dma_start3A_170 = tpu.memref_squeeze %dma_start3A_169 : memref<1x158x128xi32, #tpu.memory_space<hbm>> -> memref<158x128xi32, #tpu.memory_space<hbm>>
      %dma_start3A_171 = arith.constant 0 : i32
      %dma_start3A_172 = arith.constant 0 : i32
      %dma_start3A_173 = tpu.memref_slice %arg4[%add3A, %dma_start3A_171, %dma_start3A_172] : memref<32x158x128xi32, #tpu.memory_space<hbm>> -> memref<1x158x128xi32, #tpu.memory_space<hbm>>
      %dma_start3A_174 = tpu.memref_squeeze %dma_start3A_173 : memref<1x158x128xi32, #tpu.memory_space<hbm>> -> memref<158x128xi32, #tpu.memory_space<hbm>>
      tpu.enqueue_dma source(%dma_start3A_174 : memref<158x128xi32, #tpu.memory_space<hbm>>) target(%arg9 : memref<158x128xi32, #tpu.memory_space<vmem>>) target_semaphore(%run_scoped3A_166 : memref<!tpu.dma_semaphore, #tpu.memory_space<semaphore_mem>>)
      %dma_wait3A_175 = arith.constant 0 : i32
      %dma_wait3A_176 = arith.constant 0 : i32
      %dma_wait3A_177 = tpu.memref_slice %arg4[%add3A, %dma_wait3A_175, %dma_wait3A_176] : memref<32x158x128xi32, #tpu.memory_space<hbm>> -> memref<1x158x128xi32, #tpu.memory_space<hbm>>
      %dma_wait3A_178 = tpu.memref_squeeze %dma_wait3A_177 : memref<1x158x128xi32, #tpu.memory_space<hbm>> -> memref<158x128xi32, #tpu.memory_space<hbm>>
      %dma_wait3A_179 = arith.constant 0 : i32
      %dma_wait3A_180 = arith.constant 0 : i32
      %dma_wait3A_181 = tpu.memref_slice %arg4[%add3A, %dma_wait3A_179, %dma_wait3A_180] : memref<32x158x128xi32, #tpu.memory_space<hbm>> -> memref<1x158x128xi32, #tpu.memory_space<hbm>>
      %dma_wait3A_182 = tpu.memref_squeeze %dma_wait3A_181 : memref<1x158x128xi32, #tpu.memory_space<hbm>> -> memref<158x128xi32, #tpu.memory_space<hbm>>
      tpu.wait_dma2 semaphore(%run_scoped3A_166 : memref<!tpu.dma_semaphore, #tpu.memory_space<semaphore_mem>>) src(%dma_wait3A_182 : memref<158x128xi32, #tpu.memory_space<hbm>>) dst(%arg9 : memref<158x128xi32, #tpu.memory_space<vmem>>)
      tpu.yield
    }) : () -> ()
    "tpu.region"() ({
      %run_scoped3A_166 = tpu.sem_alloc : memref<!tpu.dma_semaphore, #tpu.memory_space<semaphore_mem>>
      %dma_start3A_167 = arith.constant 0 : i32
      %dma_start3A_168 = tpu.memref_slice %arg5[%add3A, %dma_start3A_167] : memref<32x16xi32, #tpu.memory_space<hbm>> -> memref<1x16xi32, #tpu.memory_space<hbm>>
      %dma_start3A_169 = tpu.memref_squeeze %dma_start3A_168 : memref<1x16xi32, #tpu.memory_space<hbm>> -> memref<16xi32, #tpu.memory_space<hbm>>
      %dma_start3A_170 = arith.constant 0 : i32
      %dma_start3A_171 = tpu.memref_slice %arg5[%add3A, %dma_start3A_170] : memref<32x16xi32, #tpu.memory_space<hbm>> -> memref<1x16xi32, #tpu.memory_space<hbm>>
      %dma_start3A_172 = tpu.memref_squeeze %dma_start3A_171 : memref<1x16xi32, #tpu.memory_space<hbm>> -> memref<16xi32, #tpu.memory_space<hbm>>
      tpu.enqueue_dma source(%dma_start3A_172 : memref<16xi32, #tpu.memory_space<hbm>>) target(%arg10 : memref<16xi32, #tpu.memory_space<vmem>>) target_semaphore(%run_scoped3A_166 : memref<!tpu.dma_semaphore, #tpu.memory_space<semaphore_mem>>)
      %dma_wait3A_173 = arith.constant 0 : i32
      %dma_wait3A_174 = tpu.memref_slice %arg5[%add3A, %dma_wait3A_173] : memref<32x16xi32, #tpu.memory_space<hbm>> -> memref<1x16xi32, #tpu.memory_space<hbm>>
      %dma_wait3A_175 = tpu.memref_squeeze %dma_wait3A_174 : memref<1x16xi32, #tpu.memory_space<hbm>> -> memref<16xi32, #tpu.memory_space<hbm>>
      %dma_wait3A_176 = arith.constant 0 : i32
      %dma_wait3A_177 = tpu.memref_slice %arg5[%add3A, %dma_wait3A_176] : memref<32x16xi32, #tpu.memory_space<hbm>> -> memref<1x16xi32, #tpu.memory_space<hbm>>
      %dma_wait3A_178 = tpu.memref_squeeze %dma_wait3A_177 : memref<1x16xi32, #tpu.memory_space<hbm>> -> memref<16xi32, #tpu.memory_space<hbm>>
      tpu.wait_dma2 semaphore(%run_scoped3A_166 : memref<!tpu.dma_semaphore, #tpu.memory_space<semaphore_mem>>) src(%dma_wait3A_178 : memref<16xi32, #tpu.memory_space<hbm>>) dst(%arg10 : memref<16xi32, #tpu.memory_space<vmem>>)
      tpu.yield
    }) : () -> ()
    %get3A = arith.constant 0 : index
    %get3A_1 = tpu.vector_load %arg10[%get3A] {strides = array<i32>} : memref<16xi32, #tpu.memory_space<vmem>>, vector<16xi32>,
    %reduce_max3A = arith.constant true
    %reduce_max3A_2 = vector.broadcast %reduce_max3A : i1 to vector<16xi1>
    %reduce_max3A_3 = arith.constant -2147483648 : i32
    %reduce_max3A_4 = vector.broadcast %reduce_max3A_3 : i32 to vector<16xi32>
    %reduce_max3A_5 = arith.xori %get3A_1, %reduce_max3A_4 : vector<16xi32>
    %reduce_max3A_6 = tpu.scan <max>, %reduce_max3A_5 masked %reduce_max3A_2 : vector<16xi32>, vector<16xi1> -> vector<16xi32>
    %reduce_max3A_7 = arith.xori %reduce_max3A_6, %reduce_max3A_4 : vector<16xi32>
    %reduce_max3A_8 = vector.extract %reduce_max3A_7[15] : i32 from vector<16xi32>
    %add3A_9 = arith.constant 128 : i32
    %add3A_10 = arith.addi %reduce_max3A_8, %add3A_9 : i32
    %sub3A = arith.constant 1 : i32
    %sub3A_11 = arith.subi %add3A_10, %sub3A : i32
    %jit3A = arith.constant 128 : i32
    %div3A = arith.divsi %sub3A_11, %jit3A : i32
    %sign3A = arith.constant 0 : i32
    %sign3A_12 = arith.cmpi sgt, %sub3A_11, %sign3A : i32
    %sign3A_13 = arith.extui %sign3A_12 : i1 to i32
    %sign3A_14 = arith.constant 0 : i32
    %sign3A_15 = arith.cmpi slt, %sub3A_11, %sign3A_14 : i32
    %sign3A_16 = arith.extui %sign3A_15 : i1 to i32
    %sign3A_17 = arith.subi %sign3A_13, %sign3A_16 : i32
    %sign3A_18 = arith.constant 0 : i32
    %sign3A_19 = arith.cmpi sgt, %jit3A, %sign3A_18 : i32
    %sign3A_20 = arith.extui %sign3A_19 : i1 to i32
    %sign3A_21 = arith.constant 0 : i32
    %sign3A_22 = arith.cmpi slt, %jit3A, %sign3A_21 : i32
    %sign3A_23 = arith.extui %sign3A_22 : i1 to i32
    %sign3A_24 = arith.subi %sign3A_20, %sign3A_23 : i32
    %ne3A = arith.cmpi ne, %sign3A_17, %sign3A_24 : i32
    %rem3A = arith.remsi %sub3A_11, %jit3A : i32
    %ne3A_25 = arith.constant 0 : i32
    %ne3A_26 = arith.cmpi ne, %rem3A, %ne3A_25 : i32
    %and3A = arith.andi %ne3A, %ne3A_26 : i1
    %sub3A_27 = arith.constant 1 : i32
    %sub3A_28 = arith.subi %div3A, %sub3A_27 : i32
    %select_n3A = arith.select %and3A, %sub3A_28, %div3A : i32
    %gt3A = arith.constant 0 : i32
    %gt3A_29 = arith.cmpi sgt, %select_n3A, %gt3A : i32
    %convert_element_type3A = arith.extui %gt3A_29 : i1 to i32
    %cond3A = arith.constant 0 : i32
    %cond3A_30 = arith.cmpi ne, %convert_element_type3A, %cond3A : i32
    scf.if %cond3A_30 {
      %dma_start3A_166 = arith.constant 0 : i32
      %dma_start3A_167 = arith.constant 0 : i32
      %dma_start3A_168 = arith.constant 0 : i32
      %dma_start3A_169 = arith.constant 0 : i32
      %dma_start3A_170 = tpu.memref_slice %arg11[%dma_start3A_167, %dma_start3A_168, %dma_start3A_169] : memref<2x128x128xf32, #tpu.memory_space<vmem>> -> memref<1x128x128xf32, #tpu.memory_space<vmem>>
      %dma_start3A_171 = tpu.memref_squeeze %dma_start3A_170 : memref<1x128x128xf32, #tpu.memory_space<vmem>> -> memref<128x128xf32, #tpu.memory_space<vmem>>
      %dma_start3A_172 = arith.constant 0 : i32
      %dma_start3A_173 = tpu.memref_slice %arg8[%dma_start3A_166, %dma_start3A_172] : memref<158x128xi32, #tpu.memory_space<vmem>> -> memref<1x128xi32, #tpu.memory_space<vmem>>
      %dma_start3A_174 = tpu.memref_squeeze %dma_start3A_173 : memref<1x128xi32, #tpu.memory_space<vmem>> -> memref<128xi32, #tpu.memory_space<vmem>>
      %dma_start3A_175 = arith.constant 0 : i32
      %dma_start3A_176 = arith.constant 0 : i32
      %dma_start3A_177 = tpu.memref_slice %arg2[%dma_start3A_175, %dma_start3A_176] : memref<10000x128xf32, #tpu.memory_space<hbm>> -> memref<10000x128xf32, #tpu.memory_space<hbm>>
      tpu.enqueue_indirect_dma source(%dma_start3A_177 : memref<10000x128xf32, #tpu.memory_space<hbm>>) target(%dma_start3A_171 : memref<128x128xf32, #tpu.memory_space<vmem>>) offsets(%dma_start3A_174 : memref<128xi32, #tpu.memory_space<vmem>>) semaphore(%arg14 : memref<!tpu.dma_semaphore, #tpu.memory_space<semaphore_mem>>)
    } else {
    }
    "tpu.region"() ({
      %run_scoped3A_166 = tpu.sem_alloc : memref<!tpu.dma_semaphore, #tpu.memory_space<semaphore_mem>>
      tpu.enqueue_dma source(%arg6 : memref<128x128xf32, #tpu.memory_space<hbm>>) target(%arg12 : memref<128x128xf32, #tpu.memory_space<vmem>>) target_semaphore(%run_scoped3A_166 : memref<!tpu.dma_semaphore, #tpu.memory_space<semaphore_mem>>)
      tpu.wait_dma2 semaphore(%run_scoped3A_166 : memref<!tpu.dma_semaphore, #tpu.memory_space<semaphore_mem>>) src(%arg6 : memref<128x128xf32, #tpu.memory_space<hbm>>) dst(%arg12 : memref<128x128xf32, #tpu.memory_space<vmem>>)
      tpu.yield
    }) : () -> ()
    %mul3A_31 = arith.constant 312 : i32
    %mul3A_32 = arith.muli %arg1, %mul3A_31 : i32
    "tpu.region"() ({
      %run_scoped3A_166 = tpu.sem_alloc : memref<!tpu.dma_semaphore, #tpu.memory_space<semaphore_mem>>
      %dma_start3A_167 = arith.constant 0 : i32
      %dma_start3A_168 = tpu.memref_slice %arg13[%mul3A_32, %dma_start3A_167] : memref<5096x128xf32, #tpu.memory_space<vmem_shared>> -> memref<128x128xf32, #tpu.memory_space<vmem_shared>>
      %dma_start3A_169 = arith.constant 0 : i32
      %dma_start3A_170 = tpu.memref_slice %arg13[%mul3A_32, %dma_start3A_169] : memref<5096x128xf32, #tpu.memory_space<vmem_shared>> -> memref<128x128xf32, #tpu.memory_space<vmem_shared>>
      tpu.enqueue_dma source(%arg12 : memref<128x128xf32, #tpu.memory_space<vmem>>) target(%dma_start3A_170 : memref<128x128xf32, #tpu.memory_space<vmem_shared>>) target_semaphore(%run_scoped3A_166 : memref<!tpu.dma_semaphore, #tpu.memory_space<semaphore_mem>>)
      %dma_wait3A_171 = arith.constant 0 : i32
      %dma_wait3A_172 = tpu.memref_slice %arg13[%mul3A_32, %dma_wait3A_171] : memref<5096x128xf32, #tpu.memory_space<vmem_shared>> -> memref<128x128xf32, #tpu.memory_space<vmem_shared>>
      %dma_wait3A_173 = arith.constant 0 : i32
      %dma_wait3A_174 = tpu.memref_slice %arg13[%mul3A_32, %dma_wait3A_173] : memref<5096x128xf32, #tpu.memory_space<vmem_shared>> -> memref<128x128xf32, #tpu.memory_space<vmem_shared>>
      tpu.wait_dma2 semaphore(%run_scoped3A_166 : memref<!tpu.dma_semaphore, #tpu.memory_space<semaphore_mem>>) src(%arg12 : memref<128x128xf32, #tpu.memory_space<vmem>>) dst(%dma_wait3A_174 : memref<128x128xf32, #tpu.memory_space<vmem_shared>>)
      tpu.yield
    }) : () -> ()
    %add3A_33 = arith.constant 128 : i32
    %add3A_34 = arith.addi %mul3A_32, %add3A_33 : i32
    "tpu.region"() ({
      %run_scoped3A_166 = tpu.sem_alloc : memref<!tpu.dma_semaphore, #tpu.memory_space<semaphore_mem>>
      %dma_start3A_167 = arith.constant 0 : i32
      %dma_start3A_168 = tpu.memref_slice %arg13[%add3A_34, %dma_start3A_167] : memref<5096x128xf32, #tpu.memory_space<vmem_shared>> -> memref<128x128xf32, #tpu.memory_space<vmem_shared>>
      %dma_start3A_169 = arith.constant 0 : i32
      %dma_start3A_170 = tpu.memref_slice %arg13[%add3A_34, %dma_start3A_169] : memref<5096x128xf32, #tpu.memory_space<vmem_shared>> -> memref<128x128xf32, #tpu.memory_space<vmem_shared>>
      tpu.enqueue_dma source(%arg12 : memref<128x128xf32, #tpu.memory_space<vmem>>) target(%dma_start3A_170 : memref<128x128xf32, #tpu.memory_space<vmem_shared>>) target_semaphore(%run_scoped3A_166 : memref<!tpu.dma_semaphore, #tpu.memory_space<semaphore_mem>>)
      %dma_wait3A_171 = arith.constant 0 : i32
      %dma_wait3A_172 = tpu.memref_slice %arg13[%add3A_34, %dma_wait3A_171] : memref<5096x128xf32, #tpu.memory_space<vmem_shared>> -> memref<128x128xf32, #tpu.memory_space<vmem_shared>>
      %dma_wait3A_173 = arith.constant 0 : i32
      %dma_wait3A_174 = tpu.memref_slice %arg13[%add3A_34, %dma_wait3A_173] : memref<5096x128xf32, #tpu.memory_space<vmem_shared>> -> memref<128x128xf32, #tpu.memory_space<vmem_shared>>
      tpu.wait_dma2 semaphore(%run_scoped3A_166 : memref<!tpu.dma_semaphore, #tpu.memory_space<semaphore_mem>>) src(%arg12 : memref<128x128xf32, #tpu.memory_space<vmem>>) dst(%dma_wait3A_174 : memref<128x128xf32, #tpu.memory_space<vmem_shared>>)
      tpu.yield
    }) : () -> ()
    %add3A_35 = arith.constant 256 : i32
    %add3A_36 = arith.addi %mul3A_32, %add3A_35 : i32
    "tpu.region"() ({
      %run_scoped3A_166 = tpu.sem_alloc : memref<!tpu.dma_semaphore, #tpu.memory_space<semaphore_mem>>
      %dma_start3A_167 = arith.constant 0 : i32
      %dma_start3A_168 = arith.constant 0 : i32
      %dma_start3A_169 = tpu.memref_slice %arg12[%dma_start3A_167, %dma_start3A_168] : memref<128x128xf32, #tpu.memory_space<vmem>> -> memref<56x128xf32, #tpu.memory_space<vmem>>
      %dma_start3A_170 = arith.constant 0 : i32
      %dma_start3A_171 = tpu.memref_slice %arg13[%add3A_36, %dma_start3A_170] : memref<5096x128xf32, #tpu.memory_space<vmem_shared>> -> memref<56x128xf32, #tpu.memory_space<vmem_shared>>
      %dma_start3A_172 = arith.constant 0 : i32
      %dma_start3A_173 = tpu.memref_slice %arg13[%add3A_36, %dma_start3A_172] : memref<5096x128xf32, #tpu.memory_space<vmem_shared>> -> memref<56x128xf32, #tpu.memory_space<vmem_shared>>
      %dma_start3A_174 = arith.constant 0 : i32
      %dma_start3A_175 = arith.constant 0 : i32
      %dma_start3A_176 = tpu.memref_slice %arg12[%dma_start3A_174, %dma_start3A_175] : memref<128x128xf32, #tpu.memory_space<vmem>> -> memref<56x128xf32, #tpu.memory_space<vmem>>
      tpu.enqueue_dma source(%dma_start3A_176 : memref<56x128xf32, #tpu.memory_space<vmem>>) target(%dma_start3A_173 : memref<56x128xf32, #tpu.memory_space<vmem_shared>>) target_semaphore(%run_scoped3A_166 : memref<!tpu.dma_semaphore, #tpu.memory_space<semaphore_mem>>)
      %dma_wait3A_177 = arith.constant 0 : i32
      %dma_wait3A_178 = arith.constant 0 : i32
      %dma_wait3A_179 = tpu.memref_slice %arg12[%dma_wait3A_177, %dma_wait3A_178] : memref<128x128xf32, #tpu.memory_space<vmem>> -> memref<56x128xf32, #tpu.memory_space<vmem>>
      %dma_wait3A_180 = arith.constant 0 : i32
      %dma_wait3A_181 = tpu.memref_slice %arg13[%add3A_36, %dma_wait3A_180] : memref<5096x128xf32, #tpu.memory_space<vmem_shared>> -> memref<56x128xf32, #tpu.memory_space<vmem_shared>>
      %dma_wait3A_182 = arith.constant 0 : i32
      %dma_wait3A_183 = tpu.memref_slice %arg13[%add3A_36, %dma_wait3A_182] : memref<5096x128xf32, #tpu.memory_space<vmem_shared>> -> memref<56x128xf32, #tpu.memory_space<vmem_shared>>
      %dma_wait3A_184 = arith.constant 0 : i32
      %dma_wait3A_185 = arith.constant 0 : i32
      %dma_wait3A_186 = tpu.memref_slice %arg12[%dma_wait3A_184, %dma_wait3A_185] : memref<128x128xf32, #tpu.memory_space<vmem>> -> memref<56x128xf32, #tpu.memory_space<vmem>>
      tpu.wait_dma2 semaphore(%run_scoped3A_166 : memref<!tpu.dma_semaphore, #tpu.memory_space<semaphore_mem>>) src(%dma_wait3A_186 : memref<56x128xf32, #tpu.memory_space<vmem>>) dst(%dma_wait3A_183 : memref<56x128xf32, #tpu.memory_space<vmem_shared>>)
      tpu.yield
    }) : () -> ()
    %eq3A = arith.constant 0 : i32
    %eq3A_37 = arith.cmpi eq, %arg1, %eq3A : i32
    %convert_element_type3A_38 = arith.extui %eq3A_37 : i1 to i32
    %cond3A_39 = arith.constant 0 : i32
    %cond3A_40 = arith.cmpi ne, %convert_element_type3A_38, %cond3A_39 : i32
    scf.if %cond3A_40 {
      "tpu.region"() ({
        %run_scoped3A_166 = tpu.sem_alloc : memref<!tpu.dma_semaphore, #tpu.memory_space<semaphore_mem>>
        %dma_start3A_167 = arith.constant 0 : i32
        %dma_start3A_168 = arith.constant 0 : i32
        %dma_start3A_169 = tpu.memref_slice %arg12[%dma_start3A_167, %dma_start3A_168] : memref<128x128xf32, #tpu.memory_space<vmem>> -> memref<104x128xf32, #tpu.memory_space<vmem>>
        %dma_start3A_170 = arith.constant 4992 : i32
        %dma_start3A_171 = arith.constant 0 : i32
        %dma_start3A_172 = tpu.memref_slice %arg13[%dma_start3A_170, %dma_start3A_171] : memref<5096x128xf32, #tpu.memory_space<vmem_shared>> -> memref<104x128xf32, #tpu.memory_space<vmem_shared>>
        %dma_start3A_173 = arith.constant 4992 : i32
        %dma_start3A_174 = arith.constant 0 : i32
        %dma_start3A_175 = tpu.memref_slice %arg13[%dma_start3A_173, %dma_start3A_174] : memref<5096x128xf32, #tpu.memory_space<vmem_shared>> -> memref<104x128xf32, #tpu.memory_space<vmem_shared>>
        %dma_start3A_176 = arith.constant 0 : i32
        %dma_start3A_177 = arith.constant 0 : i32
        %dma_start3A_178 = tpu.memref_slice %arg12[%dma_start3A_176, %dma_start3A_177] : memref<128x128xf32, #tpu.memory_space<vmem>> -> memref<104x128xf32, #tpu.memory_space<vmem>>
        tpu.enqueue_dma source(%dma_start3A_178 : memref<104x128xf32, #tpu.memory_space<vmem>>) target(%dma_start3A_175 : memref<104x128xf32, #tpu.memory_space<vmem_shared>>) target_semaphore(%run_scoped3A_166 : memref<!tpu.dma_semaphore, #tpu.memory_space<semaphore_mem>>)
        %dma_wait3A_179 = arith.constant 0 : i32
        %dma_wait3A_180 = arith.constant 0 : i32
        %dma_wait3A_181 = tpu.memref_slice %arg12[%dma_wait3A_179, %dma_wait3A_180] : memref<128x128xf32, #tpu.memory_space<vmem>> -> memref<104x128xf32, #tpu.memory_space<vmem>>
        %dma_wait3A_182 = arith.constant 4992 : i32
        %dma_wait3A_183 = arith.constant 0 : i32
        %dma_wait3A_184 = tpu.memref_slice %arg13[%dma_wait3A_182, %dma_wait3A_183] : memref<5096x128xf32, #tpu.memory_space<vmem_shared>> -> memref<104x128xf32, #tpu.memory_space<vmem_shared>>
        %dma_wait3A_185 = arith.constant 4992 : i32
        %dma_wait3A_186 = arith.constant 0 : i32
        %dma_wait3A_187 = tpu.memref_slice %arg13[%dma_wait3A_185, %dma_wait3A_186] : memref<5096x128xf32, #tpu.memory_space<vmem_shared>> -> memref<104x128xf32, #tpu.memory_space<vmem_shared>>
        %dma_wait3A_188 = arith.constant 0 : i32
        %dma_wait3A_189 = arith.constant 0 : i32
        %dma_wait3A_190 = tpu.memref_slice %arg12[%dma_wait3A_188, %dma_wait3A_189] : memref<128x128xf32, #tpu.memory_space<vmem>> -> memref<104x128xf32, #tpu.memory_space<vmem>>
        tpu.wait_dma2 semaphore(%run_scoped3A_166 : memref<!tpu.dma_semaphore, #tpu.memory_space<semaphore_mem>>) src(%dma_wait3A_190 : memref<104x128xf32, #tpu.memory_space<vmem>>) dst(%dma_wait3A_187 : memref<104x128xf32, #tpu.memory_space<vmem_shared>>)
        tpu.yield
      }) : () -> ()
    } else {
    }
    %barrier3A = arith.constant 0 : index
    tpu.barrier barrier_id(%barrier3A)
    %while3A = arith.constant 0 : i32
    %while3A_41 = arith.constant 0 : i32
    %while3A_42 = arith.subi %select_n3A, %while3A_41 : i32
    %while3A_43 = arith.addi %while3A_41, %while3A_42 : i32
    %while3A_44 = arith.constant 1 : i32
    %while3A_45 = arith.divsi %while3A_42, %while3A_44 : i32
    %while3A_46 = arith.muli %while3A_45, %while3A_44 : i32
    %while3A_47 = arith.addi %while3A_41, %while3A_46 : i32
    %while3A_48 = arith.constant 1 : i32
    scf.for %while3A_166 = %while3A_41 to %while3A_47 step %while3A_48  : i32 {
      %ge3A = arith.constant 1 : i32
      %ge3A_167 = arith.cmpi sge, %while3A_166, %ge3A : i32
      %convert_element_type3A_168 = arith.extui %ge3A_167 : i1 to i32
      %cond3A_169 = arith.constant 0 : i32
      %cond3A_170 = arith.cmpi ne, %convert_element_type3A_168, %cond3A_169 : i32
      scf.if %cond3A_170 {
        %sub3A_228 = arith.constant 1 : i32
        %sub3A_229 = arith.subi %while3A_166, %sub3A_228 : i32
        %jit3A_230 = arith.constant 2 : i32
        %eq3A_231 = arith.constant 0 : i32
        %eq3A_232 = arith.cmpi eq, %jit3A_230, %eq3A_231 : i32
        %jit3A_233 = arith.constant 1 : i32
        %select_n3A_234 = arith.select %eq3A_232, %jit3A_233, %jit3A_230 : i32
        %rem3A_235 = arith.remsi %sub3A_229, %select_n3A_234 : i32
        %ne3A_236 = arith.constant 0 : i32
        %ne3A_237 = arith.cmpi ne, %rem3A_235, %ne3A_236 : i32
        %lt3A_238 = arith.constant 0 : i32
        %lt3A_239 = arith.cmpi slt, %rem3A_235, %lt3A_238 : i32
        %lt3A_240 = arith.constant 0 : i32
        %lt3A_241 = arith.cmpi slt, %select_n3A_234, %lt3A_240 : i32
        %ne3A_242 = arith.xori %lt3A_239, %lt3A_241 : i1
        %and3A_243 = arith.andi %ne3A_242, %ne3A_237 : i1
        %add3A_244 = arith.addi %rem3A_235, %select_n3A_234 : i32
        %select_n3A_245 = arith.select %and3A_243, %add3A_244, %rem3A_235 : i32
        %sub3A_246 = arith.constant 1 : i32
        %sub3A_247 = arith.subi %while3A_166, %sub3A_246 : i32
        %dma_wait3A_248 = arith.constant 0 : i32
        %dma_wait3A_249 = arith.constant 0 : i32
        %dma_wait3A_250 = tpu.memref_slice %arg11[%select_n3A_245, %dma_wait3A_248, %dma_wait3A_249] : memref<2x128x128xf32, #tpu.memory_space<vmem>> -> memref<1x128x128xf32, #tpu.memory_space<vmem>>
        %dma_wait3A_251 = tpu.memref_squeeze %dma_wait3A_250 : memref<1x128x128xf32, #tpu.memory_space<vmem>> -> memref<128x128xf32, #tpu.memory_space<vmem>>
        %dma_wait3A_252 = arith.constant 0 : i32
        %dma_wait3A_253 = tpu.memref_slice %arg9[%sub3A_247, %dma_wait3A_252] : memref<158x128xi32, #tpu.memory_space<vmem>> -> memref<1x128xi32, #tpu.memory_space<vmem>>
        %dma_wait3A_254 = tpu.memref_squeeze %dma_wait3A_253 : memref<1x128xi32, #tpu.memory_space<vmem>> -> memref<128xi32, #tpu.memory_space<vmem>>
        %dma_wait3A_255 = arith.constant 0 : i32
        %dma_wait3A_256 = arith.constant 0 : i32
        %dma_wait3A_257 = tpu.memref_slice %arg13[%dma_wait3A_255, %dma_wait3A_256] : memref<5096x128xf32, #tpu.memory_space<vmem_shared>> -> memref<5096x128xf32, #tpu.memory_space<vmem_shared>>
        tpu.wait_indirect_dma semaphore(%arg15 : memref<!tpu.dma_semaphore, #tpu.memory_space<semaphore_mem>>) src(%dma_wait3A_251 : memref<128x128xf32, #tpu.memory_space<vmem>>) dst(%dma_wait3A_257 : memref<5096x128xf32, #tpu.memory_space<vmem_shared>>)
      } else {
      }
      %add3A_171 = arith.constant 1 : i32
      %add3A_172 = arith.addi %while3A_166, %add3A_171 : i32
      %lt3A = arith.cmpi slt, %add3A_172, %select_n3A : i32
      %convert_element_type3A_173 = arith.extui %lt3A : i1 to i32
      %cond3A_174 = arith.constant 0 : i32
      %cond3A_175 = arith.cmpi ne, %convert_element_type3A_173, %cond3A_174 : i32
      scf.if %cond3A_175 {
        %add3A_228 = arith.constant 1 : i32
        %add3A_229 = arith.addi %while3A_166, %add3A_228 : i32
        %add3A_230 = arith.constant 1 : i32
        %add3A_231 = arith.addi %while3A_166, %add3A_230 : i32
        %jit3A_232 = arith.constant 2 : i32
        %eq3A_233 = arith.constant 0 : i32
        %eq3A_234 = arith.cmpi eq, %jit3A_232, %eq3A_233 : i32
        %jit3A_235 = arith.constant 1 : i32
        %select_n3A_236 = arith.select %eq3A_234, %jit3A_235, %jit3A_232 : i32
        %rem3A_237 = arith.remsi %add3A_231, %select_n3A_236 : i32
        %ne3A_238 = arith.constant 0 : i32
        %ne3A_239 = arith.cmpi ne, %rem3A_237, %ne3A_238 : i32
        %lt3A_240 = arith.constant 0 : i32
        %lt3A_241 = arith.cmpi slt, %rem3A_237, %lt3A_240 : i32
        %lt3A_242 = arith.constant 0 : i32
        %lt3A_243 = arith.cmpi slt, %select_n3A_236, %lt3A_242 : i32
        %ne3A_244 = arith.xori %lt3A_241, %lt3A_243 : i1
        %and3A_245 = arith.andi %ne3A_244, %ne3A_239 : i1
        %add3A_246 = arith.addi %rem3A_237, %select_n3A_236 : i32
        %select_n3A_247 = arith.select %and3A_245, %add3A_246, %rem3A_237 : i32
        %dma_start3A_248 = arith.constant 0 : i32
        %dma_start3A_249 = arith.constant 0 : i32
        %dma_start3A_250 = tpu.memref_slice %arg11[%select_n3A_247, %dma_start3A_248, %dma_start3A_249] : memref<2x128x128xf32, #tpu.memory_space<vmem>> -> memref<1x128x128xf32, #tpu.memory_space<vmem>>
        %dma_start3A_251 = tpu.memref_squeeze %dma_start3A_250 : memref<1x128x128xf32, #tpu.memory_space<vmem>> -> memref<128x128xf32, #tpu.memory_space<vmem>>
        %dma_start3A_252 = arith.constant 0 : i32
        %dma_start3A_253 = tpu.memref_slice %arg8[%add3A_229, %dma_start3A_252] : memref<158x128xi32, #tpu.memory_space<vmem>> -> memref<1x128xi32, #tpu.memory_space<vmem>>
        %dma_start3A_254 = tpu.memref_squeeze %dma_start3A_253 : memref<1x128xi32, #tpu.memory_space<vmem>> -> memref<128xi32, #tpu.memory_space<vmem>>
        %dma_start3A_255 = arith.constant 0 : i32
        %dma_start3A_256 = arith.constant 0 : i32
        %dma_start3A_257 = tpu.memref_slice %arg2[%dma_start3A_255, %dma_start3A_256] : memref<10000x128xf32, #tpu.memory_space<hbm>> -> memref<10000x128xf32, #tpu.memory_space<hbm>>
        tpu.enqueue_indirect_dma source(%dma_start3A_257 : memref<10000x128xf32, #tpu.memory_space<hbm>>) target(%dma_start3A_251 : memref<128x128xf32, #tpu.memory_space<vmem>>) offsets(%dma_start3A_254 : memref<128xi32, #tpu.memory_space<vmem>>) semaphore(%arg14 : memref<!tpu.dma_semaphore, #tpu.memory_space<semaphore_mem>>)
      } else {
      }
      %jit3A_176 = arith.constant 2 : i32
      %eq3A_177 = arith.constant 0 : i32
      %eq3A_178 = arith.cmpi eq, %jit3A_176, %eq3A_177 : i32
      %jit3A_179 = arith.constant 1 : i32
      %select_n3A_180 = arith.select %eq3A_178, %jit3A_179, %jit3A_176 : i32
      %rem3A_181 = arith.remsi %while3A_166, %select_n3A_180 : i32
      %ne3A_182 = arith.constant 0 : i32
      %ne3A_183 = arith.cmpi ne, %rem3A_181, %ne3A_182 : i32
      %lt3A_184 = arith.constant 0 : i32
      %lt3A_185 = arith.cmpi slt, %rem3A_181, %lt3A_184 : i32
      %lt3A_186 = arith.constant 0 : i32
      %lt3A_187 = arith.cmpi slt, %select_n3A_180, %lt3A_186 : i32
      %ne3A_188 = arith.xori %lt3A_185, %lt3A_187 : i1
      %and3A_189 = arith.andi %ne3A_188, %ne3A_183 : i1
      %add3A_190 = arith.addi %rem3A_181, %select_n3A_180 : i32
      %select_n3A_191 = arith.select %and3A_189, %add3A_190, %rem3A_181 : i32
      %dma_wait3A_192 = arith.constant 0 : i32
      %dma_wait3A_193 = arith.constant 0 : i32
      %dma_wait3A_194 = tpu.memref_slice %arg11[%select_n3A_191, %dma_wait3A_192, %dma_wait3A_193] : memref<2x128x128xf32, #tpu.memory_space<vmem>> -> memref<1x128x128xf32, #tpu.memory_space<vmem>>
      %dma_wait3A_195 = tpu.memref_squeeze %dma_wait3A_194 : memref<1x128x128xf32, #tpu.memory_space<vmem>> -> memref<128x128xf32, #tpu.memory_space<vmem>>
      %dma_wait3A_196 = arith.constant 0 : i32
      %dma_wait3A_197 = tpu.memref_slice %arg8[%while3A_166, %dma_wait3A_196] : memref<158x128xi32, #tpu.memory_space<vmem>> -> memref<1x128xi32, #tpu.memory_space<vmem>>
      %dma_wait3A_198 = tpu.memref_squeeze %dma_wait3A_197 : memref<1x128xi32, #tpu.memory_space<vmem>> -> memref<128xi32, #tpu.memory_space<vmem>>
      %dma_wait3A_199 = arith.constant 0 : i32
      %dma_wait3A_200 = arith.constant 0 : i32
      %dma_wait3A_201 = tpu.memref_slice %arg2[%dma_wait3A_199, %dma_wait3A_200] : memref<10000x128xf32, #tpu.memory_space<hbm>> -> memref<10000x128xf32, #tpu.memory_space<hbm>>
      tpu.wait_indirect_dma semaphore(%arg14 : memref<!tpu.dma_semaphore, #tpu.memory_space<semaphore_mem>>) src(%dma_wait3A_201 : memref<10000x128xf32, #tpu.memory_space<hbm>>) dst(%dma_wait3A_195 : memref<128x128xf32, #tpu.memory_space<vmem>>)
      %jit3A_202 = arith.constant 2 : i32
      %eq3A_203 = arith.constant 0 : i32
      %eq3A_204 = arith.cmpi eq, %jit3A_202, %eq3A_203 : i32
      %jit3A_205 = arith.constant 1 : i32
      %select_n3A_206 = arith.select %eq3A_204, %jit3A_205, %jit3A_202 : i32
      %rem3A_207 = arith.remsi %while3A_166, %select_n3A_206 : i32
      %ne3A_208 = arith.constant 0 : i32
      %ne3A_209 = arith.cmpi ne, %rem3A_207, %ne3A_208 : i32
      %lt3A_210 = arith.constant 0 : i32
      %lt3A_211 = arith.cmpi slt, %rem3A_207, %lt3A_210 : i32
      %lt3A_212 = arith.constant 0 : i32
      %lt3A_213 = arith.cmpi slt, %select_n3A_206, %lt3A_212 : i32
      %ne3A_214 = arith.xori %lt3A_211, %lt3A_213 : i1
      %and3A_215 = arith.andi %ne3A_214, %ne3A_209 : i1
      %add3A_216 = arith.addi %rem3A_207, %select_n3A_206 : i32
      %select_n3A_217 = arith.select %and3A_215, %add3A_216, %rem3A_207 : i32
      %dma_start3A_218 = arith.constant 0 : i32
      %dma_start3A_219 = arith.constant 0 : i32
      %dma_start3A_220 = tpu.memref_slice %arg11[%select_n3A_217, %dma_start3A_218, %dma_start3A_219] : memref<2x128x128xf32, #tpu.memory_space<vmem>> -> memref<1x128x128xf32, #tpu.memory_space<vmem>>
      %dma_start3A_221 = tpu.memref_squeeze %dma_start3A_220 : memref<1x128x128xf32, #tpu.memory_space<vmem>> -> memref<128x128xf32, #tpu.memory_space<vmem>>
      %dma_start3A_222 = arith.constant 0 : i32
      %dma_start3A_223 = tpu.memref_slice %arg9[%while3A_166, %dma_start3A_222] : memref<158x128xi32, #tpu.memory_space<vmem>> -> memref<1x128xi32, #tpu.memory_space<vmem>>
      %dma_start3A_224 = tpu.memref_squeeze %dma_start3A_223 : memref<1x128xi32, #tpu.memory_space<vmem>> -> memref<128xi32, #tpu.memory_space<vmem>>
      %dma_start3A_225 = arith.constant 0 : i32
      %dma_start3A_226 = arith.constant 0 : i32
      %dma_start3A_227 = tpu.memref_slice %arg13[%dma_start3A_225, %dma_start3A_226] : memref<5096x128xf32, #tpu.memory_space<vmem_shared>> -> memref<5096x128xf32, #tpu.memory_space<vmem_shared>>
      tpu.enqueue_indirect_dma source(%dma_start3A_221 : memref<128x128xf32, #tpu.memory_space<vmem>>) target(%dma_start3A_227 : memref<5096x128xf32, #tpu.memory_space<vmem_shared>>) offsets(%dma_start3A_224 : memref<128xi32, #tpu.memory_space<vmem>>) semaphore(%arg15 : memref<!tpu.dma_semaphore, #tpu.memory_space<semaphore_mem>>) {add = true}
    }
    %while3A_49 = arith.constant 1 : i32
    scf.for %while3A_166 = %while3A_47 to %while3A_43 step %while3A_49  : i32 {
      %ge3A = arith.constant 1 : i32
      %ge3A_167 = arith.cmpi sge, %while3A_166, %ge3A : i32
      %convert_element_type3A_168 = arith.extui %ge3A_167 : i1 to i32
      %cond3A_169 = arith.constant 0 : i32
      %cond3A_170 = arith.cmpi ne, %convert_element_type3A_168, %cond3A_169 : i32
      scf.if %cond3A_170 {
        %sub3A_228 = arith.constant 1 : i32
        %sub3A_229 = arith.subi %while3A_166, %sub3A_228 : i32
        %jit3A_230 = arith.constant 2 : i32
        %eq3A_231 = arith.constant 0 : i32
        %eq3A_232 = arith.cmpi eq, %jit3A_230, %eq3A_231 : i32
        %jit3A_233 = arith.constant 1 : i32
        %select_n3A_234 = arith.select %eq3A_232, %jit3A_233, %jit3A_230 : i32
        %rem3A_235 = arith.remsi %sub3A_229, %select_n3A_234 : i32
        %ne3A_236 = arith.constant 0 : i32
        %ne3A_237 = arith.cmpi ne, %rem3A_235, %ne3A_236 : i32
        %lt3A_238 = arith.constant 0 : i32
        %lt3A_239 = arith.cmpi slt, %rem3A_235, %lt3A_238 : i32
        %lt3A_240 = arith.constant 0 : i32
        %lt3A_241 = arith.cmpi slt, %select_n3A_234, %lt3A_240 : i32
        %ne3A_242 = arith.xori %lt3A_239, %lt3A_241 : i1
        %and3A_243 = arith.andi %ne3A_242, %ne3A_237 : i1
        %add3A_244 = arith.addi %rem3A_235, %select_n3A_234 : i32
        %select_n3A_245 = arith.select %and3A_243, %add3A_244, %rem3A_235 : i32
        %sub3A_246 = arith.constant 1 : i32
        %sub3A_247 = arith.subi %while3A_166, %sub3A_246 : i32
        %dma_wait3A_248 = arith.constant 0 : i32
        %dma_wait3A_249 = arith.constant 0 : i32
        %dma_wait3A_250 = tpu.memref_slice %arg11[%select_n3A_245, %dma_wait3A_248, %dma_wait3A_249] : memref<2x128x128xf32, #tpu.memory_space<vmem>> -> memref<1x128x128xf32, #tpu.memory_space<vmem>>
        %dma_wait3A_251 = tpu.memref_squeeze %dma_wait3A_250 : memref<1x128x128xf32, #tpu.memory_space<vmem>> -> memref<128x128xf32, #tpu.memory_space<vmem>>
        %dma_wait3A_252 = arith.constant 0 : i32
        %dma_wait3A_253 = tpu.memref_slice %arg9[%sub3A_247, %dma_wait3A_252] : memref<158x128xi32, #tpu.memory_space<vmem>> -> memref<1x128xi32, #tpu.memory_space<vmem>>
        %dma_wait3A_254 = tpu.memref_squeeze %dma_wait3A_253 : memref<1x128xi32, #tpu.memory_space<vmem>> -> memref<128xi32, #tpu.memory_space<vmem>>
        %dma_wait3A_255 = arith.constant 0 : i32
        %dma_wait3A_256 = arith.constant 0 : i32
        %dma_wait3A_257 = tpu.memref_slice %arg13[%dma_wait3A_255, %dma_wait3A_256] : memref<5096x128xf32, #tpu.memory_space<vmem_shared>> -> memref<5096x128xf32, #tpu.memory_space<vmem_shared>>
        tpu.wait_indirect_dma semaphore(%arg15 : memref<!tpu.dma_semaphore, #tpu.memory_space<semaphore_mem>>) src(%dma_wait3A_251 : memref<128x128xf32, #tpu.memory_space<vmem>>) dst(%dma_wait3A_257 : memref<5096x128xf32, #tpu.memory_space<vmem_shared>>)
      } else {
      }
      %add3A_171 = arith.constant 1 : i32
      %add3A_172 = arith.addi %while3A_166, %add3A_171 : i32
      %lt3A = arith.cmpi slt, %add3A_172, %select_n3A : i32
      %convert_element_type3A_173 = arith.extui %lt3A : i1 to i32
      %cond3A_174 = arith.constant 0 : i32
      %cond3A_175 = arith.cmpi ne, %convert_element_type3A_173, %cond3A_174 : i32
      scf.if %cond3A_175 {
        %add3A_228 = arith.constant 1 : i32
        %add3A_229 = arith.addi %while3A_166, %add3A_228 : i32
        %add3A_230 = arith.constant 1 : i32
        %add3A_231 = arith.addi %while3A_166, %add3A_230 : i32
        %jit3A_232 = arith.constant 2 : i32
        %eq3A_233 = arith.constant 0 : i32
        %eq3A_234 = arith.cmpi eq, %jit3A_232, %eq3A_233 : i32
        %jit3A_235 = arith.constant 1 : i32
        %select_n3A_236 = arith.select %eq3A_234, %jit3A_235, %jit3A_232 : i32
        %rem3A_237 = arith.remsi %add3A_231, %select_n3A_236 : i32
        %ne3A_238 = arith.constant 0 : i32
        %ne3A_239 = arith.cmpi ne, %rem3A_237, %ne3A_238 : i32
        %lt3A_240 = arith.constant 0 : i32
        %lt3A_241 = arith.cmpi slt, %rem3A_237, %lt3A_240 : i32
        %lt3A_242 = arith.constant 0 : i32
        %lt3A_243 = arith.cmpi slt, %select_n3A_236, %lt3A_242 : i32
        %ne3A_244 = arith.xori %lt3A_241, %lt3A_243 : i1
        %and3A_245 = arith.andi %ne3A_244, %ne3A_239 : i1
        %add3A_246 = arith.addi %rem3A_237, %select_n3A_236 : i32
        %select_n3A_247 = arith.select %and3A_245, %add3A_246, %rem3A_237 : i32
        %dma_start3A_248 = arith.constant 0 : i32
        %dma_start3A_249 = arith.constant 0 : i32
        %dma_start3A_250 = tpu.memref_slice %arg11[%select_n3A_247, %dma_start3A_248, %dma_start3A_249] : memref<2x128x128xf32, #tpu.memory_space<vmem>> -> memref<1x128x128xf32, #tpu.memory_space<vmem>>
        %dma_start3A_251 = tpu.memref_squeeze %dma_start3A_250 : memref<1x128x128xf32, #tpu.memory_space<vmem>> -> memref<128x128xf32, #tpu.memory_space<vmem>>
        %dma_start3A_252 = arith.constant 0 : i32
        %dma_start3A_253 = tpu.memref_slice %arg8[%add3A_229, %dma_start3A_252] : memref<158x128xi32, #tpu.memory_space<vmem>> -> memref<1x128xi32, #tpu.memory_space<vmem>>
        %dma_start3A_254 = tpu.memref_squeeze %dma_start3A_253 : memref<1x128xi32, #tpu.memory_space<vmem>> -> memref<128xi32, #tpu.memory_space<vmem>>
        %dma_start3A_255 = arith.constant 0 : i32
        %dma_start3A_256 = arith.constant 0 : i32
        %dma_start3A_257 = tpu.memref_slice %arg2[%dma_start3A_255, %dma_start3A_256] : memref<10000x128xf32, #tpu.memory_space<hbm>> -> memref<10000x128xf32, #tpu.memory_space<hbm>>
        tpu.enqueue_indirect_dma source(%dma_start3A_257 : memref<10000x128xf32, #tpu.memory_space<hbm>>) target(%dma_start3A_251 : memref<128x128xf32, #tpu.memory_space<vmem>>) offsets(%dma_start3A_254 : memref<128xi32, #tpu.memory_space<vmem>>) semaphore(%arg14 : memref<!tpu.dma_semaphore, #tpu.memory_space<semaphore_mem>>)
      } else {
      }
      %jit3A_176 = arith.constant 2 : i32
      %eq3A_177 = arith.constant 0 : i32
      %eq3A_178 = arith.cmpi eq, %jit3A_176, %eq3A_177 : i32
      %jit3A_179 = arith.constant 1 : i32
      %select_n3A_180 = arith.select %eq3A_178, %jit3A_179, %jit3A_176 : i32
      %rem3A_181 = arith.remsi %while3A_166, %select_n3A_180 : i32
      %ne3A_182 = arith.constant 0 : i32
      %ne3A_183 = arith.cmpi ne, %rem3A_181, %ne3A_182 : i32
      %lt3A_184 = arith.constant 0 : i32
      %lt3A_185 = arith.cmpi slt, %rem3A_181, %lt3A_184 : i32
      %lt3A_186 = arith.constant 0 : i32
      %lt3A_187 = arith.cmpi slt, %select_n3A_180, %lt3A_186 : i32
      %ne3A_188 = arith.xori %lt3A_185, %lt3A_187 : i1
      %and3A_189 = arith.andi %ne3A_188, %ne3A_183 : i1
      %add3A_190 = arith.addi %rem3A_181, %select_n3A_180 : i32
      %select_n3A_191 = arith.select %and3A_189, %add3A_190, %rem3A_181 : i32
      %dma_wait3A_192 = arith.constant 0 : i32
      %dma_wait3A_193 = arith.constant 0 : i32
      %dma_wait3A_194 = tpu.memref_slice %arg11[%select_n3A_191, %dma_wait3A_192, %dma_wait3A_193] : memref<2x128x128xf32, #tpu.memory_space<vmem>> -> memref<1x128x128xf32, #tpu.memory_space<vmem>>
      %dma_wait3A_195 = tpu.memref_squeeze %dma_wait3A_194 : memref<1x128x128xf32, #tpu.memory_space<vmem>> -> memref<128x128xf32, #tpu.memory_space<vmem>>
      %dma_wait3A_196 = arith.constant 0 : i32
      %dma_wait3A_197 = tpu.memref_slice %arg8[%while3A_166, %dma_wait3A_196] : memref<158x128xi32, #tpu.memory_space<vmem>> -> memref<1x128xi32, #tpu.memory_space<vmem>>
      %dma_wait3A_198 = tpu.memref_squeeze %dma_wait3A_197 : memref<1x128xi32, #tpu.memory_space<vmem>> -> memref<128xi32, #tpu.memory_space<vmem>>
      %dma_wait3A_199 = arith.constant 0 : i32
      %dma_wait3A_200 = arith.constant 0 : i32
      %dma_wait3A_201 = tpu.memref_slice %arg2[%dma_wait3A_199, %dma_wait3A_200] : memref<10000x128xf32, #tpu.memory_space<hbm>> -> memref<10000x128xf32, #tpu.memory_space<hbm>>
      tpu.wait_indirect_dma semaphore(%arg14 : memref<!tpu.dma_semaphore, #tpu.memory_space<semaphore_mem>>) src(%dma_wait3A_201 : memref<10000x128xf32, #tpu.memory_space<hbm>>) dst(%dma_wait3A_195 : memref<128x128xf32, #tpu.memory_space<vmem>>)
      %jit3A_202 = arith.constant 2 : i32
      %eq3A_203 = arith.constant 0 : i32
      %eq3A_204 = arith.cmpi eq, %jit3A_202, %eq3A_203 : i32
      %jit3A_205 = arith.constant 1 : i32
      %select_n3A_206 = arith.select %eq3A_204, %jit3A_205, %jit3A_202 : i32
      %rem3A_207 = arith.remsi %while3A_166, %select_n3A_206 : i32
      %ne3A_208 = arith.constant 0 : i32
      %ne3A_209 = arith.cmpi ne, %rem3A_207, %ne3A_208 : i32
      %lt3A_210 = arith.constant 0 : i32
      %lt3A_211 = arith.cmpi slt, %rem3A_207, %lt3A_210 : i32
      %lt3A_212 = arith.constant 0 : i32
      %lt3A_213 = arith.cmpi slt, %select_n3A_206, %lt3A_212 : i32
      %ne3A_214 = arith.xori %lt3A_211, %lt3A_213 : i1
      %and3A_215 = arith.andi %ne3A_214, %ne3A_209 : i1
      %add3A_216 = arith.addi %rem3A_207, %select_n3A_206 : i32
      %select_n3A_217 = arith.select %and3A_215, %add3A_216, %rem3A_207 : i32
      %dma_start3A_218 = arith.constant 0 : i32
      %dma_start3A_219 = arith.constant 0 : i32
      %dma_start3A_220 = tpu.memref_slice %arg11[%select_n3A_217, %dma_start3A_218, %dma_start3A_219] : memref<2x128x128xf32, #tpu.memory_space<vmem>> -> memref<1x128x128xf32, #tpu.memory_space<vmem>>
      %dma_start3A_221 = tpu.memref_squeeze %dma_start3A_220 : memref<1x128x128xf32, #tpu.memory_space<vmem>> -> memref<128x128xf32, #tpu.memory_space<vmem>>
      %dma_start3A_222 = arith.constant 0 : i32
      %dma_start3A_223 = tpu.memref_slice %arg9[%while3A_166, %dma_start3A_222] : memref<158x128xi32, #tpu.memory_space<vmem>> -> memref<1x128xi32, #tpu.memory_space<vmem>>
      %dma_start3A_224 = tpu.memref_squeeze %dma_start3A_223 : memref<1x128xi32, #tpu.memory_space<vmem>> -> memref<128xi32, #tpu.memory_space<vmem>>
      %dma_start3A_225 = arith.constant 0 : i32
      %dma_start3A_226 = arith.constant 0 : i32
      %dma_start3A_227 = tpu.memref_slice %arg13[%dma_start3A_225, %dma_start3A_226] : memref<5096x128xf32, #tpu.memory_space<vmem_shared>> -> memref<5096x128xf32, #tpu.memory_space<vmem_shared>>
      tpu.enqueue_indirect_dma source(%dma_start3A_221 : memref<128x128xf32, #tpu.memory_space<vmem>>) target(%dma_start3A_227 : memref<5096x128xf32, #tpu.memory_space<vmem_shared>>) offsets(%dma_start3A_224 : memref<128xi32, #tpu.memory_space<vmem>>) semaphore(%arg15 : memref<!tpu.dma_semaphore, #tpu.memory_space<semaphore_mem>>) {add = true}
    }
    %gt3A_50 = arith.constant 0 : i32
    %gt3A_51 = arith.cmpi sgt, %select_n3A, %gt3A_50 : i32
    %convert_element_type3A_52 = arith.extui %gt3A_51 : i1 to i32
    %cond3A_53 = arith.constant 0 : i32
    %cond3A_54 = arith.cmpi ne, %convert_element_type3A_52, %cond3A_53 : i32
    scf.if %cond3A_54 {
      %sub3A_166 = arith.constant 1 : i32
      %sub3A_167 = arith.subi %select_n3A, %sub3A_166 : i32
      %jit3A_168 = arith.constant 2 : i32
      %eq3A_169 = arith.constant 0 : i32
      %eq3A_170 = arith.cmpi eq, %jit3A_168, %eq3A_169 : i32
      %jit3A_171 = arith.constant 1 : i32
      %select_n3A_172 = arith.select %eq3A_170, %jit3A_171, %jit3A_168 : i32
      %rem3A_173 = arith.remsi %sub3A_167, %select_n3A_172 : i32
      %ne3A_174 = arith.constant 0 : i32
      %ne3A_175 = arith.cmpi ne, %rem3A_173, %ne3A_174 : i32
      %lt3A = arith.constant 0 : i32
      %lt3A_176 = arith.cmpi slt, %rem3A_173, %lt3A : i32
      %lt3A_177 = arith.constant 0 : i32
      %lt3A_178 = arith.cmpi slt, %select_n3A_172, %lt3A_177 : i32
      %ne3A_179 = arith.xori %lt3A_176, %lt3A_178 : i1
      %and3A_180 = arith.andi %ne3A_179, %ne3A_175 : i1
      %add3A_181 = arith.addi %rem3A_173, %select_n3A_172 : i32
      %select_n3A_182 = arith.select %and3A_180, %add3A_181, %rem3A_173 : i32
      %sub3A_183 = arith.constant 1 : i32
      %sub3A_184 = arith.subi %select_n3A, %sub3A_183 : i32
      %dma_wait3A_185 = arith.constant 0 : i32
      %dma_wait3A_186 = arith.constant 0 : i32
      %dma_wait3A_187 = tpu.memref_slice %arg11[%select_n3A_182, %dma_wait3A_185, %dma_wait3A_186] : memref<2x128x128xf32, #tpu.memory_space<vmem>> -> memref<1x128x128xf32, #tpu.memory_space<vmem>>
      %dma_wait3A_188 = tpu.memref_squeeze %dma_wait3A_187 : memref<1x128x128xf32, #tpu.memory_space<vmem>> -> memref<128x128xf32, #tpu.memory_space<vmem>>
      %dma_wait3A_189 = arith.constant 0 : i32
      %dma_wait3A_190 = tpu.memref_slice %arg9[%sub3A_184, %dma_wait3A_189] : memref<158x128xi32, #tpu.memory_space<vmem>> -> memref<1x128xi32, #tpu.memory_space<vmem>>
      %dma_wait3A_191 = tpu.memref_squeeze %dma_wait3A_190 : memref<1x128xi32, #tpu.memory_space<vmem>> -> memref<128xi32, #tpu.memory_space<vmem>>
      %dma_wait3A_192 = arith.constant 0 : i32
      %dma_wait3A_193 = arith.constant 0 : i32
      %dma_wait3A_194 = tpu.memref_slice %arg13[%dma_wait3A_192, %dma_wait3A_193] : memref<5096x128xf32, #tpu.memory_space<vmem_shared>> -> memref<5096x128xf32, #tpu.memory_space<vmem_shared>>
      tpu.wait_indirect_dma semaphore(%arg15 : memref<!tpu.dma_semaphore, #tpu.memory_space<semaphore_mem>>) src(%dma_wait3A_188 : memref<128x128xf32, #tpu.memory_space<vmem>>) dst(%dma_wait3A_194 : memref<5096x128xf32, #tpu.memory_space<vmem_shared>>)
    } else {
    }
    %barrier3A_55 = arith.constant 0 : index
    tpu.barrier barrier_id(%barrier3A_55)
    %mul3A_56 = arith.constant 5096 : i32
    %mul3A_57 = arith.muli %arg0, %mul3A_56 : i32
    %add3A_58 = arith.addi %mul3A_57, %mul3A_32 : i32
    %add3A_59 = arith.constant 0 : i32
    %add3A_60 = arith.addi %mul3A_32, %add3A_59 : i32
    %run_scoped3A = arith.constant 0 : i32
    "tpu.region"() ({
      %run_scoped3A_166 = tpu.sem_alloc : memref<!tpu.dma_semaphore, #tpu.memory_space<semaphore_mem>>
      %dma_start3A_167 = arith.constant 0 : i32
      %dma_start3A_168 = arith.constant 0 : i32
      %dma_start3A_169 = tpu.memref_slice %arg11[%run_scoped3A, %dma_start3A_167, %dma_start3A_168] : memref<2x128x128xf32, #tpu.memory_space<vmem>> -> memref<1x128x128xf32, #tpu.memory_space<vmem>>
      %dma_start3A_170 = tpu.memref_squeeze %dma_start3A_169 : memref<1x128x128xf32, #tpu.memory_space<vmem>> -> memref<128x128xf32, #tpu.memory_space<vmem>>
      %dma_start3A_171 = arith.constant 0 : i32
      %dma_start3A_172 = tpu.memref_slice %arg13[%add3A_60, %dma_start3A_171] : memref<5096x128xf32, #tpu.memory_space<vmem_shared>> -> memref<128x128xf32, #tpu.memory_space<vmem_shared>>
      %dma_start3A_173 = arith.constant 0 : i32
      %dma_start3A_174 = arith.constant 0 : i32
      %dma_start3A_175 = tpu.memref_slice %arg11[%run_scoped3A, %dma_start3A_173, %dma_start3A_174] : memref<2x128x128xf32, #tpu.memory_space<vmem>> -> memref<1x128x128xf32, #tpu.memory_space<vmem>>
      %dma_start3A_176 = tpu.memref_squeeze %dma_start3A_175 : memref<1x128x128xf32, #tpu.memory_space<vmem>> -> memref<128x128xf32, #tpu.memory_space<vmem>>
      %dma_start3A_177 = arith.constant 0 : i32
      %dma_start3A_178 = tpu.memref_slice %arg13[%add3A_60, %dma_start3A_177] : memref<5096x128xf32, #tpu.memory_space<vmem_shared>> -> memref<128x128xf32, #tpu.memory_space<vmem_shared>>
      tpu.enqueue_dma source(%dma_start3A_178 : memref<128x128xf32, #tpu.memory_space<vmem_shared>>) target(%dma_start3A_176 : memref<128x128xf32, #tpu.memory_space<vmem>>) target_semaphore(%run_scoped3A_166 : memref<!tpu.dma_semaphore, #tpu.memory_space<semaphore_mem>>)
      %dma_wait3A_179 = arith.constant 0 : i32
      %dma_wait3A_180 = arith.constant 0 : i32
      %dma_wait3A_181 = tpu.memref_slice %arg11[%run_scoped3A, %dma_wait3A_179, %dma_wait3A_180] : memref<2x128x128xf32, #tpu.memory_space<vmem>> -> memref<1x128x128xf32, #tpu.memory_space<vmem>>
      %dma_wait3A_182 = tpu.memref_squeeze %dma_wait3A_181 : memref<1x128x128xf32, #tpu.memory_space<vmem>> -> memref<128x128xf32, #tpu.memory_space<vmem>>
      %dma_wait3A_183 = arith.constant 0 : i32
      %dma_wait3A_184 = tpu.memref_slice %arg13[%add3A_60, %dma_wait3A_183] : memref<5096x128xf32, #tpu.memory_space<vmem_shared>> -> memref<128x128xf32, #tpu.memory_space<vmem_shared>>
      %dma_wait3A_185 = arith.constant 0 : i32
      %dma_wait3A_186 = arith.constant 0 : i32
      %dma_wait3A_187 = tpu.memref_slice %arg11[%run_scoped3A, %dma_wait3A_185, %dma_wait3A_186] : memref<2x128x128xf32, #tpu.memory_space<vmem>> -> memref<1x128x128xf32, #tpu.memory_space<vmem>>
      %dma_wait3A_188 = tpu.memref_squeeze %dma_wait3A_187 : memref<1x128x128xf32, #tpu.memory_space<vmem>> -> memref<128x128xf32, #tpu.memory_space<vmem>>
      %dma_wait3A_189 = arith.constant 0 : i32
      %dma_wait3A_190 = tpu.memref_slice %arg13[%add3A_60, %dma_wait3A_189] : memref<5096x128xf32, #tpu.memory_space<vmem_shared>> -> memref<128x128xf32, #tpu.memory_space<vmem_shared>>
      tpu.wait_dma2 semaphore(%run_scoped3A_166 : memref<!tpu.dma_semaphore, #tpu.memory_space<semaphore_mem>>) src(%dma_wait3A_190 : memref<128x128xf32, #tpu.memory_space<vmem_shared>>) dst(%dma_wait3A_188 : memref<128x128xf32, #tpu.memory_space<vmem>>)
      tpu.yield
    }) : () -> ()
    %add3A_61 = arith.constant 0 : i32
    %add3A_62 = arith.addi %add3A_58, %add3A_61 : i32
    %dma_start3A = arith.constant 0 : i32
    %dma_start3A_63 = arith.constant 0 : i32
    %dma_start3A_64 = arith.constant 0 : i32
    %dma_start3A_65 = tpu.memref_slice %arg11[%dma_start3A, %dma_start3A_63, %dma_start3A_64] : memref<2x128x128xf32, #tpu.memory_space<vmem>> -> memref<1x128x128xf32, #tpu.memory_space<vmem>>
    %dma_start3A_66 = tpu.memref_squeeze %dma_start3A_65 : memref<1x128x128xf32, #tpu.memory_space<vmem>> -> memref<128x128xf32, #tpu.memory_space<vmem>>
    %dma_start3A_67 = arith.constant 0 : i32
    %dma_start3A_68 = tpu.memref_slice %arg7[%add3A_62, %dma_start3A_67] : memref<10192x128xf32, #tpu.memory_space<hbm>> -> memref<128x128xf32, #tpu.memory_space<hbm>>
    %dma_start3A_69 = arith.constant 0 : i32
    %dma_start3A_70 = tpu.memref_slice %arg7[%add3A_62, %dma_start3A_69] : memref<10192x128xf32, #tpu.memory_space<hbm>> -> memref<128x128xf32, #tpu.memory_space<hbm>>
    %dma_start3A_71 = arith.constant 0 : i32
    %dma_start3A_72 = arith.constant 0 : i32
    %dma_start3A_73 = tpu.memref_slice %arg11[%dma_start3A, %dma_start3A_71, %dma_start3A_72] : memref<2x128x128xf32, #tpu.memory_space<vmem>> -> memref<1x128x128xf32, #tpu.memory_space<vmem>>
    %dma_start3A_74 = tpu.memref_squeeze %dma_start3A_73 : memref<1x128x128xf32, #tpu.memory_space<vmem>> -> memref<128x128xf32, #tpu.memory_space<vmem>>
    tpu.enqueue_dma source(%dma_start3A_74 : memref<128x128xf32, #tpu.memory_space<vmem>>) target(%dma_start3A_70 : memref<128x128xf32, #tpu.memory_space<hbm>>) target_semaphore(%arg14 : memref<!tpu.dma_semaphore, #tpu.memory_space<semaphore_mem>>)
    %add3A_75 = arith.constant 128 : i32
    %add3A_76 = arith.addi %mul3A_32, %add3A_75 : i32
    %run_scoped3A_77 = arith.constant 1 : i32
    "tpu.region"() ({
      %run_scoped3A_166 = tpu.sem_alloc : memref<!tpu.dma_semaphore, #tpu.memory_space<semaphore_mem>>
      %dma_start3A_167 = arith.constant 0 : i32
      %dma_start3A_168 = arith.constant 0 : i32
      %dma_start3A_169 = tpu.memref_slice %arg11[%run_scoped3A_77, %dma_start3A_167, %dma_start3A_168] : memref<2x128x128xf32, #tpu.memory_space<vmem>> -> memref<1x128x128xf32, #tpu.memory_space<vmem>>
      %dma_start3A_170 = tpu.memref_squeeze %dma_start3A_169 : memref<1x128x128xf32, #tpu.memory_space<vmem>> -> memref<128x128xf32, #tpu.memory_space<vmem>>
      %dma_start3A_171 = arith.constant 0 : i32
      %dma_start3A_172 = tpu.memref_slice %arg13[%add3A_76, %dma_start3A_171] : memref<5096x128xf32, #tpu.memory_space<vmem_shared>> -> memref<128x128xf32, #tpu.memory_space<vmem_shared>>
      %dma_start3A_173 = arith.constant 0 : i32
      %dma_start3A_174 = arith.constant 0 : i32
      %dma_start3A_175 = tpu.memref_slice %arg11[%run_scoped3A_77, %dma_start3A_173, %dma_start3A_174] : memref<2x128x128xf32, #tpu.memory_space<vmem>> -> memref<1x128x128xf32, #tpu.memory_space<vmem>>
      %dma_start3A_176 = tpu.memref_squeeze %dma_start3A_175 : memref<1x128x128xf32, #tpu.memory_space<vmem>> -> memref<128x128xf32, #tpu.memory_space<vmem>>
      %dma_start3A_177 = arith.constant 0 : i32
      %dma_start3A_178 = tpu.memref_slice %arg13[%add3A_76, %dma_start3A_177] : memref<5096x128xf32, #tpu.memory_space<vmem_shared>> -> memref<128x128xf32, #tpu.memory_space<vmem_shared>>
      tpu.enqueue_dma source(%dma_start3A_178 : memref<128x128xf32, #tpu.memory_space<vmem_shared>>) target(%dma_start3A_176 : memref<128x128xf32, #tpu.memory_space<vmem>>) target_semaphore(%run_scoped3A_166 : memref<!tpu.dma_semaphore, #tpu.memory_space<semaphore_mem>>)
      %dma_wait3A_179 = arith.constant 0 : i32
      %dma_wait3A_180 = arith.constant 0 : i32
      %dma_wait3A_181 = tpu.memref_slice %arg11[%run_scoped3A_77, %dma_wait3A_179, %dma_wait3A_180] : memref<2x128x128xf32, #tpu.memory_space<vmem>> -> memref<1x128x128xf32, #tpu.memory_space<vmem>>
      %dma_wait3A_182 = tpu.memref_squeeze %dma_wait3A_181 : memref<1x128x128xf32, #tpu.memory_space<vmem>> -> memref<128x128xf32, #tpu.memory_space<vmem>>
      %dma_wait3A_183 = arith.constant 0 : i32
      %dma_wait3A_184 = tpu.memref_slice %arg13[%add3A_76, %dma_wait3A_183] : memref<5096x128xf32, #tpu.memory_space<vmem_shared>> -> memref<128x128xf32, #tpu.memory_space<vmem_shared>>
      %dma_wait3A_185 = arith.constant 0 : i32
      %dma_wait3A_186 = arith.constant 0 : i32
      %dma_wait3A_187 = tpu.memref_slice %arg11[%run_scoped3A_77, %dma_wait3A_185, %dma_wait3A_186] : memref<2x128x128xf32, #tpu.memory_space<vmem>> -> memref<1x128x128xf32, #tpu.memory_space<vmem>>
      %dma_wait3A_188 = tpu.memref_squeeze %dma_wait3A_187 : memref<1x128x128xf32, #tpu.memory_space<vmem>> -> memref<128x128xf32, #tpu.memory_space<vmem>>
      %dma_wait3A_189 = arith.constant 0 : i32
      %dma_wait3A_190 = tpu.memref_slice %arg13[%add3A_76, %dma_wait3A_189] : memref<5096x128xf32, #tpu.memory_space<vmem_shared>> -> memref<128x128xf32, #tpu.memory_space<vmem_shared>>
      tpu.wait_dma2 semaphore(%run_scoped3A_166 : memref<!tpu.dma_semaphore, #tpu.memory_space<semaphore_mem>>) src(%dma_wait3A_190 : memref<128x128xf32, #tpu.memory_space<vmem_shared>>) dst(%dma_wait3A_188 : memref<128x128xf32, #tpu.memory_space<vmem>>)
      tpu.yield
    }) : () -> ()
    %add3A_78 = arith.constant 128 : i32
    %add3A_79 = arith.addi %add3A_58, %add3A_78 : i32
    %dma_start3A_80 = arith.constant 1 : i32
    %dma_start3A_81 = arith.constant 0 : i32
    %dma_start3A_82 = arith.constant 0 : i32
    %dma_start3A_83 = tpu.memref_slice %arg11[%dma_start3A_80, %dma_start3A_81, %dma_start3A_82] : memref<2x128x128xf32, #tpu.memory_space<vmem>> -> memref<1x128x128xf32, #tpu.memory_space<vmem>>
    %dma_start3A_84 = tpu.memref_squeeze %dma_start3A_83 : memref<1x128x128xf32, #tpu.memory_space<vmem>> -> memref<128x128xf32, #tpu.memory_space<vmem>>
    %dma_start3A_85 = arith.constant 0 : i32
    %dma_start3A_86 = tpu.memref_slice %arg7[%add3A_79, %dma_start3A_85] : memref<10192x128xf32, #tpu.memory_space<hbm>> -> memref<128x128xf32, #tpu.memory_space<hbm>>
    %dma_start3A_87 = arith.constant 0 : i32
    %dma_start3A_88 = tpu.memref_slice %arg7[%add3A_79, %dma_start3A_87] : memref<10192x128xf32, #tpu.memory_space<hbm>> -> memref<128x128xf32, #tpu.memory_space<hbm>>
    %dma_start3A_89 = arith.constant 0 : i32
    %dma_start3A_90 = arith.constant 0 : i32
    %dma_start3A_91 = tpu.memref_slice %arg11[%dma_start3A_80, %dma_start3A_89, %dma_start3A_90] : memref<2x128x128xf32, #tpu.memory_space<vmem>> -> memref<1x128x128xf32, #tpu.memory_space<vmem>>
    %dma_start3A_92 = tpu.memref_squeeze %dma_start3A_91 : memref<1x128x128xf32, #tpu.memory_space<vmem>> -> memref<128x128xf32, #tpu.memory_space<vmem>>
    tpu.enqueue_dma source(%dma_start3A_92 : memref<128x128xf32, #tpu.memory_space<vmem>>) target(%dma_start3A_88 : memref<128x128xf32, #tpu.memory_space<hbm>>) target_semaphore(%arg14 : memref<!tpu.dma_semaphore, #tpu.memory_space<semaphore_mem>>)
    %dma_wait3A = arith.constant 0 : i32
    %dma_wait3A_93 = arith.constant 0 : i32
    %dma_wait3A_94 = arith.constant 0 : i32
    %dma_wait3A_95 = tpu.memref_slice %arg11[%dma_wait3A, %dma_wait3A_93, %dma_wait3A_94] : memref<2x128x128xf32, #tpu.memory_space<vmem>> -> memref<1x128x128xf32, #tpu.memory_space<vmem>>
    %dma_wait3A_96 = tpu.memref_squeeze %dma_wait3A_95 : memref<1x128x128xf32, #tpu.memory_space<vmem>> -> memref<128x128xf32, #tpu.memory_space<vmem>>
    %dma_wait3A_97 = arith.constant 0 : i32
    %dma_wait3A_98 = tpu.memref_slice %arg7[%add3A_62, %dma_wait3A_97] : memref<10192x128xf32, #tpu.memory_space<hbm>> -> memref<128x128xf32, #tpu.memory_space<hbm>>
    %dma_wait3A_99 = arith.constant 0 : i32
    %dma_wait3A_100 = tpu.memref_slice %arg7[%add3A_62, %dma_wait3A_99] : memref<10192x128xf32, #tpu.memory_space<hbm>> -> memref<128x128xf32, #tpu.memory_space<hbm>>
    %dma_wait3A_101 = arith.constant 0 : i32
    %dma_wait3A_102 = arith.constant 0 : i32
    %dma_wait3A_103 = tpu.memref_slice %arg11[%dma_wait3A, %dma_wait3A_101, %dma_wait3A_102] : memref<2x128x128xf32, #tpu.memory_space<vmem>> -> memref<1x128x128xf32, #tpu.memory_space<vmem>>
    %dma_wait3A_104 = tpu.memref_squeeze %dma_wait3A_103 : memref<1x128x128xf32, #tpu.memory_space<vmem>> -> memref<128x128xf32, #tpu.memory_space<vmem>>
    tpu.wait_dma2 semaphore(%arg14 : memref<!tpu.dma_semaphore, #tpu.memory_space<semaphore_mem>>) src(%dma_wait3A_104 : memref<128x128xf32, #tpu.memory_space<vmem>>) dst(%dma_wait3A_100 : memref<128x128xf32, #tpu.memory_space<hbm>>)
    %add3A_105 = arith.constant 256 : i32
    %add3A_106 = arith.addi %mul3A_32, %add3A_105 : i32
    %run_scoped3A_107 = arith.constant 0 : i32
    "tpu.region"() ({
      %run_scoped3A_166 = tpu.sem_alloc : memref<!tpu.dma_semaphore, #tpu.memory_space<semaphore_mem>>
      %dma_start3A_167 = arith.constant 0 : i32
      %dma_start3A_168 = arith.constant 0 : i32
      %dma_start3A_169 = tpu.memref_slice %arg11[%run_scoped3A_107, %dma_start3A_167, %dma_start3A_168] : memref<2x128x128xf32, #tpu.memory_space<vmem>> -> memref<1x128x128xf32, #tpu.memory_space<vmem>>
      %dma_start3A_170 = tpu.memref_squeeze %dma_start3A_169 : memref<1x128x128xf32, #tpu.memory_space<vmem>> -> memref<128x128xf32, #tpu.memory_space<vmem>>
      %dma_start3A_171 = arith.constant 0 : i32
      %dma_start3A_172 = arith.constant 0 : i32
      %dma_start3A_173 = tpu.memref_slice %dma_start3A_170[%dma_start3A_171, %dma_start3A_172] : memref<128x128xf32, #tpu.memory_space<vmem>> -> memref<56x128xf32, #tpu.memory_space<vmem>>
      %dma_start3A_174 = arith.constant 0 : i32
      %dma_start3A_175 = tpu.memref_slice %arg13[%add3A_106, %dma_start3A_174] : memref<5096x128xf32, #tpu.memory_space<vmem_shared>> -> memref<56x128xf32, #tpu.memory_space<vmem_shared>>
      %dma_start3A_176 = arith.constant 0 : i32
      %dma_start3A_177 = arith.constant 0 : i32
      %dma_start3A_178 = tpu.memref_slice %arg11[%run_scoped3A_107, %dma_start3A_176, %dma_start3A_177] : memref<2x128x128xf32, #tpu.memory_space<vmem>> -> memref<1x128x128xf32, #tpu.memory_space<vmem>>
      %dma_start3A_179 = tpu.memref_squeeze %dma_start3A_178 : memref<1x128x128xf32, #tpu.memory_space<vmem>> -> memref<128x128xf32, #tpu.memory_space<vmem>>
      %dma_start3A_180 = arith.constant 0 : i32
      %dma_start3A_181 = arith.constant 0 : i32
      %dma_start3A_182 = tpu.memref_slice %dma_start3A_179[%dma_start3A_180, %dma_start3A_181] : memref<128x128xf32, #tpu.memory_space<vmem>> -> memref<56x128xf32, #tpu.memory_space<vmem>>
      %dma_start3A_183 = arith.constant 0 : i32
      %dma_start3A_184 = tpu.memref_slice %arg13[%add3A_106, %dma_start3A_183] : memref<5096x128xf32, #tpu.memory_space<vmem_shared>> -> memref<56x128xf32, #tpu.memory_space<vmem_shared>>
      tpu.enqueue_dma source(%dma_start3A_184 : memref<56x128xf32, #tpu.memory_space<vmem_shared>>) target(%dma_start3A_182 : memref<56x128xf32, #tpu.memory_space<vmem>>) target_semaphore(%run_scoped3A_166 : memref<!tpu.dma_semaphore, #tpu.memory_space<semaphore_mem>>)
      %dma_wait3A_185 = arith.constant 0 : i32
      %dma_wait3A_186 = arith.constant 0 : i32
      %dma_wait3A_187 = tpu.memref_slice %arg11[%run_scoped3A_107, %dma_wait3A_185, %dma_wait3A_186] : memref<2x128x128xf32, #tpu.memory_space<vmem>> -> memref<1x128x128xf32, #tpu.memory_space<vmem>>
      %dma_wait3A_188 = tpu.memref_squeeze %dma_wait3A_187 : memref<1x128x128xf32, #tpu.memory_space<vmem>> -> memref<128x128xf32, #tpu.memory_space<vmem>>
      %dma_wait3A_189 = arith.constant 0 : i32
      %dma_wait3A_190 = arith.constant 0 : i32
      %dma_wait3A_191 = tpu.memref_slice %dma_wait3A_188[%dma_wait3A_189, %dma_wait3A_190] : memref<128x128xf32, #tpu.memory_space<vmem>> -> memref<56x128xf32, #tpu.memory_space<vmem>>
      %dma_wait3A_192 = arith.constant 0 : i32
      %dma_wait3A_193 = tpu.memref_slice %arg13[%add3A_106, %dma_wait3A_192] : memref<5096x128xf32, #tpu.memory_space<vmem_shared>> -> memref<56x128xf32, #tpu.memory_space<vmem_shared>>
      %dma_wait3A_194 = arith.constant 0 : i32
      %dma_wait3A_195 = arith.constant 0 : i32
      %dma_wait3A_196 = tpu.memref_slice %arg11[%run_scoped3A_107, %dma_wait3A_194, %dma_wait3A_195] : memref<2x128x128xf32, #tpu.memory_space<vmem>> -> memref<1x128x128xf32, #tpu.memory_space<vmem>>
      %dma_wait3A_197 = tpu.memref_squeeze %dma_wait3A_196 : memref<1x128x128xf32, #tpu.memory_space<vmem>> -> memref<128x128xf32, #tpu.memory_space<vmem>>
      %dma_wait3A_198 = arith.constant 0 : i32
      %dma_wait3A_199 = arith.constant 0 : i32
      %dma_wait3A_200 = tpu.memref_slice %dma_wait3A_197[%dma_wait3A_198, %dma_wait3A_199] : memref<128x128xf32, #tpu.memory_space<vmem>> -> memref<56x128xf32, #tpu.memory_space<vmem>>
      %dma_wait3A_201 = arith.constant 0 : i32
      %dma_wait3A_202 = tpu.memref_slice %arg13[%add3A_106, %dma_wait3A_201] : memref<5096x128xf32, #tpu.memory_space<vmem_shared>> -> memref<56x128xf32, #tpu.memory_space<vmem_shared>>
      tpu.wait_dma2 semaphore(%run_scoped3A_166 : memref<!tpu.dma_semaphore, #tpu.memory_space<semaphore_mem>>) src(%dma_wait3A_202 : memref<56x128xf32, #tpu.memory_space<vmem_shared>>) dst(%dma_wait3A_200 : memref<56x128xf32, #tpu.memory_space<vmem>>)
      tpu.yield
    }) : () -> ()
    %add3A_108 = arith.constant 256 : i32
    %add3A_109 = arith.addi %add3A_58, %add3A_108 : i32
    %dma_start3A_110 = arith.constant 0 : i32
    %dma_start3A_111 = arith.constant 0 : i32
    %dma_start3A_112 = arith.constant 0 : i32
    %dma_start3A_113 = tpu.memref_slice %arg11[%dma_start3A_110, %dma_start3A_111, %dma_start3A_112] : memref<2x128x128xf32, #tpu.memory_space<vmem>> -> memref<1x128x128xf32, #tpu.memory_space<vmem>>
    %dma_start3A_114 = tpu.memref_squeeze %dma_start3A_113 : memref<1x128x128xf32, #tpu.memory_space<vmem>> -> memref<128x128xf32, #tpu.memory_space<vmem>>
    %dma_start3A_115 = arith.constant 0 : i32
    %dma_start3A_116 = arith.constant 0 : i32
    %dma_start3A_117 = tpu.memref_slice %dma_start3A_114[%dma_start3A_115, %dma_start3A_116] : memref<128x128xf32, #tpu.memory_space<vmem>> -> memref<56x128xf32, #tpu.memory_space<vmem>>
    %dma_start3A_118 = arith.constant 0 : i32
    %dma_start3A_119 = tpu.memref_slice %arg7[%add3A_109, %dma_start3A_118] : memref<10192x128xf32, #tpu.memory_space<hbm>> -> memref<56x128xf32, #tpu.memory_space<hbm>>
    %dma_start3A_120 = arith.constant 0 : i32
    %dma_start3A_121 = tpu.memref_slice %arg7[%add3A_109, %dma_start3A_120] : memref<10192x128xf32, #tpu.memory_space<hbm>> -> memref<56x128xf32, #tpu.memory_space<hbm>>
    %dma_start3A_122 = arith.constant 0 : i32
    %dma_start3A_123 = arith.constant 0 : i32
    %dma_start3A_124 = tpu.memref_slice %arg11[%dma_start3A_110, %dma_start3A_122, %dma_start3A_123] : memref<2x128x128xf32, #tpu.memory_space<vmem>> -> memref<1x128x128xf32, #tpu.memory_space<vmem>>
    %dma_start3A_125 = tpu.memref_squeeze %dma_start3A_124 : memref<1x128x128xf32, #tpu.memory_space<vmem>> -> memref<128x128xf32, #tpu.memory_space<vmem>>
    %dma_start3A_126 = arith.constant 0 : i32
    %dma_start3A_127 = arith.constant 0 : i32
    %dma_start3A_128 = tpu.memref_slice %dma_start3A_125[%dma_start3A_126, %dma_start3A_127] : memref<128x128xf32, #tpu.memory_space<vmem>> -> memref<56x128xf32, #tpu.memory_space<vmem>>
    tpu.enqueue_dma source(%dma_start3A_128 : memref<56x128xf32, #tpu.memory_space<vmem>>) target(%dma_start3A_121 : memref<56x128xf32, #tpu.memory_space<hbm>>) target_semaphore(%arg14 : memref<!tpu.dma_semaphore, #tpu.memory_space<semaphore_mem>>)
    %dma_wait3A_129 = arith.constant 1 : i32
    %dma_wait3A_130 = arith.constant 0 : i32
    %dma_wait3A_131 = arith.constant 0 : i32
    %dma_wait3A_132 = tpu.memref_slice %arg11[%dma_wait3A_129, %dma_wait3A_130, %dma_wait3A_131] : memref<2x128x128xf32, #tpu.memory_space<vmem>> -> memref<1x128x128xf32, #tpu.memory_space<vmem>>
    %dma_wait3A_133 = tpu.memref_squeeze %dma_wait3A_132 : memref<1x128x128xf32, #tpu.memory_space<vmem>> -> memref<128x128xf32, #tpu.memory_space<vmem>>
    %dma_wait3A_134 = arith.constant 0 : i32
    %dma_wait3A_135 = tpu.memref_slice %arg7[%add3A_79, %dma_wait3A_134] : memref<10192x128xf32, #tpu.memory_space<hbm>> -> memref<128x128xf32, #tpu.memory_space<hbm>>
    %dma_wait3A_136 = arith.constant 0 : i32
    %dma_wait3A_137 = tpu.memref_slice %arg7[%add3A_79, %dma_wait3A_136] : memref<10192x128xf32, #tpu.memory_space<hbm>> -> memref<128x128xf32, #tpu.memory_space<hbm>>
    %dma_wait3A_138 = arith.constant 0 : i32
    %dma_wait3A_139 = arith.constant 0 : i32
    %dma_wait3A_140 = tpu.memref_slice %arg11[%dma_wait3A_129, %dma_wait3A_138, %dma_wait3A_139] : memref<2x128x128xf32, #tpu.memory_space<vmem>> -> memref<1x128x128xf32, #tpu.memory_space<vmem>>
    %dma_wait3A_141 = tpu.memref_squeeze %dma_wait3A_140 : memref<1x128x128xf32, #tpu.memory_space<vmem>> -> memref<128x128xf32, #tpu.memory_space<vmem>>
    tpu.wait_dma2 semaphore(%arg14 : memref<!tpu.dma_semaphore, #tpu.memory_space<semaphore_mem>>) src(%dma_wait3A_141 : memref<128x128xf32, #tpu.memory_space<vmem>>) dst(%dma_wait3A_137 : memref<128x128xf32, #tpu.memory_space<hbm>>)
    %dma_wait3A_142 = arith.constant 0 : i32
    %dma_wait3A_143 = arith.constant 0 : i32
    %dma_wait3A_144 = arith.constant 0 : i32
    %dma_wait3A_145 = tpu.memref_slice %arg11[%dma_wait3A_142, %dma_wait3A_143, %dma_wait3A_144] : memref<2x128x128xf32, #tpu.memory_space<vmem>> -> memref<1x128x128xf32, #tpu.memory_space<vmem>>
    %dma_wait3A_146 = tpu.memref_squeeze %dma_wait3A_145 : memref<1x128x128xf32, #tpu.memory_space<vmem>> -> memref<128x128xf32, #tpu.memory_space<vmem>>
    %dma_wait3A_147 = arith.constant 0 : i32
    %dma_wait3A_148 = arith.constant 0 : i32
    %dma_wait3A_149 = tpu.memref_slice %dma_wait3A_146[%dma_wait3A_147, %dma_wait3A_148] : memref<128x128xf32, #tpu.memory_space<vmem>> -> memref<56x128xf32, #tpu.memory_space<vmem>>
    %dma_wait3A_150 = arith.constant 0 : i32
    %dma_wait3A_151 = tpu.memref_slice %arg7[%add3A_109, %dma_wait3A_150] : memref<10192x128xf32, #tpu.memory_space<hbm>> -> memref<56x128xf32, #tpu.memory_space<hbm>>
    %dma_wait3A_152 = arith.constant 0 : i32
    %dma_wait3A_153 = tpu.memref_slice %arg7[%add3A_109, %dma_wait3A_152] : memref<10192x128xf32, #tpu.memory_space<hbm>> -> memref<56x128xf32, #tpu.memory_space<hbm>>
    %dma_wait3A_154 = arith.constant 0 : i32
    %dma_wait3A_155 = arith.constant 0 : i32
    %dma_wait3A_156 = tpu.memref_slice %arg11[%dma_wait3A_142, %dma_wait3A_154, %dma_wait3A_155] : memref<2x128x128xf32, #tpu.memory_space<vmem>> -> memref<1x128x128xf32, #tpu.memory_space<vmem>>
    %dma_wait3A_157 = tpu.memref_squeeze %dma_wait3A_156 : memref<1x128x128xf32, #tpu.memory_space<vmem>> -> memref<128x128xf32, #tpu.memory_space<vmem>>
    %dma_wait3A_158 = arith.constant 0 : i32
    %dma_wait3A_159 = arith.constant 0 : i32
    %dma_wait3A_160 = tpu.memref_slice %dma_wait3A_157[%dma_wait3A_158, %dma_wait3A_159] : memref<128x128xf32, #tpu.memory_space<vmem>> -> memref<56x128xf32, #tpu.memory_space<vmem>>
    tpu.wait_dma2 semaphore(%arg14 : memref<!tpu.dma_semaphore, #tpu.memory_space<semaphore_mem>>) src(%dma_wait3A_160 : memref<56x128xf32, #tpu.memory_space<vmem>>) dst(%dma_wait3A_153 : memref<56x128xf32, #tpu.memory_space<hbm>>)
    %eq3A_161 = arith.constant 0 : i32
    %eq3A_162 = arith.cmpi eq, %arg1, %eq3A_161 : i32
    %convert_element_type3A_163 = arith.extui %eq3A_162 : i1 to i32
    %cond3A_164 = arith.constant 0 : i32
    %cond3A_165 = arith.cmpi ne, %convert_element_type3A_163, %cond3A_164 : i32
    scf.if %cond3A_165 {
      %run_scoped3A_166 = arith.constant 0 : i32
      "tpu.region"() ({
        %run_scoped3A_172 = tpu.sem_alloc : memref<!tpu.dma_semaphore, #tpu.memory_space<semaphore_mem>>
        %dma_start3A_173 = arith.constant 0 : i32
        %dma_start3A_174 = arith.constant 0 : i32
        %dma_start3A_175 = tpu.memref_slice %arg11[%run_scoped3A_166, %dma_start3A_173, %dma_start3A_174] : memref<2x128x128xf32, #tpu.memory_space<vmem>> -> memref<1x128x128xf32, #tpu.memory_space<vmem>>
        %dma_start3A_176 = tpu.memref_squeeze %dma_start3A_175 : memref<1x128x128xf32, #tpu.memory_space<vmem>> -> memref<128x128xf32, #tpu.memory_space<vmem>>
        %dma_start3A_177 = arith.constant 0 : i32
        %dma_start3A_178 = arith.constant 0 : i32
        %dma_start3A_179 = tpu.memref_slice %dma_start3A_176[%dma_start3A_177, %dma_start3A_178] : memref<128x128xf32, #tpu.memory_space<vmem>> -> memref<104x128xf32, #tpu.memory_space<vmem>>
        %dma_start3A_180 = arith.constant 4992 : i32
        %dma_start3A_181 = arith.constant 0 : i32
        %dma_start3A_182 = tpu.memref_slice %arg13[%dma_start3A_180, %dma_start3A_181] : memref<5096x128xf32, #tpu.memory_space<vmem_shared>> -> memref<104x128xf32, #tpu.memory_space<vmem_shared>>
        %dma_start3A_183 = arith.constant 0 : i32
        %dma_start3A_184 = arith.constant 0 : i32
        %dma_start3A_185 = tpu.memref_slice %arg11[%run_scoped3A_166, %dma_start3A_183, %dma_start3A_184] : memref<2x128x128xf32, #tpu.memory_space<vmem>> -> memref<1x128x128xf32, #tpu.memory_space<vmem>>
        %dma_start3A_186 = tpu.memref_squeeze %dma_start3A_185 : memref<1x128x128xf32, #tpu.memory_space<vmem>> -> memref<128x128xf32, #tpu.memory_space<vmem>>
        %dma_start3A_187 = arith.constant 0 : i32
        %dma_start3A_188 = arith.constant 0 : i32
        %dma_start3A_189 = tpu.memref_slice %dma_start3A_186[%dma_start3A_187, %dma_start3A_188] : memref<128x128xf32, #tpu.memory_space<vmem>> -> memref<104x128xf32, #tpu.memory_space<vmem>>
        %dma_start3A_190 = arith.constant 4992 : i32
        %dma_start3A_191 = arith.constant 0 : i32
        %dma_start3A_192 = tpu.memref_slice %arg13[%dma_start3A_190, %dma_start3A_191] : memref<5096x128xf32, #tpu.memory_space<vmem_shared>> -> memref<104x128xf32, #tpu.memory_space<vmem_shared>>
        tpu.enqueue_dma source(%dma_start3A_192 : memref<104x128xf32, #tpu.memory_space<vmem_shared>>) target(%dma_start3A_189 : memref<104x128xf32, #tpu.memory_space<vmem>>) target_semaphore(%run_scoped3A_172 : memref<!tpu.dma_semaphore, #tpu.memory_space<semaphore_mem>>)
        %dma_wait3A_193 = arith.constant 0 : i32
        %dma_wait3A_194 = arith.constant 0 : i32
        %dma_wait3A_195 = tpu.memref_slice %arg11[%run_scoped3A_166, %dma_wait3A_193, %dma_wait3A_194] : memref<2x128x128xf32, #tpu.memory_space<vmem>> -> memref<1x128x128xf32, #tpu.memory_space<vmem>>
        %dma_wait3A_196 = tpu.memref_squeeze %dma_wait3A_195 : memref<1x128x128xf32, #tpu.memory_space<vmem>> -> memref<128x128xf32, #tpu.memory_space<vmem>>
        %dma_wait3A_197 = arith.constant 0 : i32
        %dma_wait3A_198 = arith.constant 0 : i32
        %dma_wait3A_199 = tpu.memref_slice %dma_wait3A_196[%dma_wait3A_197, %dma_wait3A_198] : memref<128x128xf32, #tpu.memory_space<vmem>> -> memref<104x128xf32, #tpu.memory_space<vmem>>
        %dma_wait3A_200 = arith.constant 4992 : i32
        %dma_wait3A_201 = arith.constant 0 : i32
        %dma_wait3A_202 = tpu.memref_slice %arg13[%dma_wait3A_200, %dma_wait3A_201] : memref<5096x128xf32, #tpu.memory_space<vmem_shared>> -> memref<104x128xf32, #tpu.memory_space<vmem_shared>>
        %dma_wait3A_203 = arith.constant 0 : i32
        %dma_wait3A_204 = arith.constant 0 : i32
        %dma_wait3A_205 = tpu.memref_slice %arg11[%run_scoped3A_166, %dma_wait3A_203, %dma_wait3A_204] : memref<2x128x128xf32, #tpu.memory_space<vmem>> -> memref<1x128x128xf32, #tpu.memory_space<vmem>>
        %dma_wait3A_206 = tpu.memref_squeeze %dma_wait3A_205 : memref<1x128x128xf32, #tpu.memory_space<vmem>> -> memref<128x128xf32, #tpu.memory_space<vmem>>
        %dma_wait3A_207 = arith.constant 0 : i32
        %dma_wait3A_208 = arith.constant 0 : i32
        %dma_wait3A_209 = tpu.memref_slice %dma_wait3A_206[%dma_wait3A_207, %dma_wait3A_208] : memref<128x128xf32, #tpu.memory_space<vmem>> -> memref<104x128xf32, #tpu.memory_space<vmem>>
        %dma_wait3A_210 = arith.constant 4992 : i32
        %dma_wait3A_211 = arith.constant 0 : i32
        %dma_wait3A_212 = tpu.memref_slice %arg13[%dma_wait3A_210, %dma_wait3A_211] : memref<5096x128xf32, #tpu.memory_space<vmem_shared>> -> memref<104x128xf32, #tpu.memory_space<vmem_shared>>
        tpu.wait_dma2 semaphore(%run_scoped3A_172 : memref<!tpu.dma_semaphore, #tpu.memory_space<semaphore_mem>>) src(%dma_wait3A_212 : memref<104x128xf32, #tpu.memory_space<vmem_shared>>) dst(%dma_wait3A_209 : memref<104x128xf32, #tpu.memory_space<vmem>>)
        tpu.yield
      }) : () -> ()
      %mul3A_167 = arith.constant 5096 : i32
      %mul3A_168 = arith.muli %arg0, %mul3A_167 : i32
      %add3A_169 = arith.constant 4992 : i32
      %add3A_170 = arith.addi %mul3A_168, %add3A_169 : i32
      %run_scoped3A_171 = arith.constant 0 : i32
      "tpu.region"() ({
        %run_scoped3A_172 = tpu.sem_alloc : memref<!tpu.dma_semaphore, #tpu.memory_space<semaphore_mem>>
        %dma_start3A_173 = arith.constant 0 : i32
        %dma_start3A_174 = arith.constant 0 : i32
        %dma_start3A_175 = tpu.memref_slice %arg11[%run_scoped3A_171, %dma_start3A_173, %dma_start3A_174] : memref<2x128x128xf32, #tpu.memory_space<vmem>> -> memref<1x128x128xf32, #tpu.memory_space<vmem>>
        %dma_start3A_176 = tpu.memref_squeeze %dma_start3A_175 : memref<1x128x128xf32, #tpu.memory_space<vmem>> -> memref<128x128xf32, #tpu.memory_space<vmem>>
        %dma_start3A_177 = arith.constant 0 : i32
        %dma_start3A_178 = arith.constant 0 : i32
        %dma_start3A_179 = tpu.memref_slice %dma_start3A_176[%dma_start3A_177, %dma_start3A_178] : memref<128x128xf32, #tpu.memory_space<vmem>> -> memref<104x128xf32, #tpu.memory_space<vmem>>
        %dma_start3A_180 = arith.constant 0 : i32
        %dma_start3A_181 = tpu.memref_slice %arg7[%add3A_170, %dma_start3A_180] : memref<10192x128xf32, #tpu.memory_space<hbm>> -> memref<104x128xf32, #tpu.memory_space<hbm>>
        %dma_start3A_182 = arith.constant 0 : i32
        %dma_start3A_183 = tpu.memref_slice %arg7[%add3A_170, %dma_start3A_182] : memref<10192x128xf32, #tpu.memory_space<hbm>> -> memref<104x128xf32, #tpu.memory_space<hbm>>
        %dma_start3A_184 = arith.constant 0 : i32
        %dma_start3A_185 = arith.constant 0 : i32
        %dma_start3A_186 = tpu.memref_slice %arg11[%run_scoped3A_171, %dma_start3A_184, %dma_start3A_185] : memref<2x128x128xf32, #tpu.memory_space<vmem>> -> memref<1x128x128xf32, #tpu.memory_space<vmem>>
        %dma_start3A_187 = tpu.memref_squeeze %dma_start3A_186 : memref<1x128x128xf32, #tpu.memory_space<vmem>> -> memref<128x128xf32, #tpu.memory_space<vmem>>
        %dma_start3A_188 = arith.constant 0 : i32
        %dma_start3A_189 = arith.constant 0 : i32
        %dma_start3A_190 = tpu.memref_slice %dma_start3A_187[%dma_start3A_188, %dma_start3A_189] : memref<128x128xf32, #tpu.memory_space<vmem>> -> memref<104x128xf32, #tpu.memory_space<vmem>>
        tpu.enqueue_dma source(%dma_start3A_190 : memref<104x128xf32, #tpu.memory_space<vmem>>) target(%dma_start3A_183 : memref<104x128xf32, #tpu.memory_space<hbm>>) target_semaphore(%run_scoped3A_172 : memref<!tpu.dma_semaphore, #tpu.memory_space<semaphore_mem>>)
        %dma_wait3A_191 = arith.constant 0 : i32
        %dma_wait3A_192 = arith.constant 0 : i32
        %dma_wait3A_193 = tpu.memref_slice %arg11[%run_scoped3A_171, %dma_wait3A_191, %dma_wait3A_192] : memref<2x128x128xf32, #tpu.memory_space<vmem>> -> memref<1x128x128xf32, #tpu.memory_space<vmem>>
        %dma_wait3A_194 = tpu.memref_squeeze %dma_wait3A_193 : memref<1x128x128xf32, #tpu.memory_space<vmem>> -> memref<128x128xf32, #tpu.memory_space<vmem>>
        %dma_wait3A_195 = arith.constant 0 : i32
        %dma_wait3A_196 = arith.constant 0 : i32
        %dma_wait3A_197 = tpu.memref_slice %dma_wait3A_194[%dma_wait3A_195, %dma_wait3A_196] : memref<128x128xf32, #tpu.memory_space<vmem>> -> memref<104x128xf32, #tpu.memory_space<vmem>>
        %dma_wait3A_198 = arith.constant 0 : i32
        %dma_wait3A_199 = tpu.memref_slice %arg7[%add3A_170, %dma_wait3A_198] : memref<10192x128xf32, #tpu.memory_space<hbm>> -> memref<104x128xf32, #tpu.memory_space<hbm>>
        %dma_wait3A_200 = arith.constant 0 : i32
        %dma_wait3A_201 = tpu.memref_slice %arg7[%add3A_170, %dma_wait3A_200] : memref<10192x128xf32, #tpu.memory_space<hbm>> -> memref<104x128xf32, #tpu.memory_space<hbm>>
        %dma_wait3A_202 = arith.constant 0 : i32
        %dma_wait3A_203 = arith.constant 0 : i32
        %dma_wait3A_204 = tpu.memref_slice %arg11[%run_scoped3A_171, %dma_wait3A_202, %dma_wait3A_203] : memref<2x128x128xf32, #tpu.memory_space<vmem>> -> memref<1x128x128xf32, #tpu.memory_space<vmem>>
        %dma_wait3A_205 = tpu.memref_squeeze %dma_wait3A_204 : memref<1x128x128xf32, #tpu.memory_space<vmem>> -> memref<128x128xf32, #tpu.memory_space<vmem>>
        %dma_wait3A_206 = arith.constant 0 : i32
        %dma_wait3A_207 = arith.constant 0 : i32
        %dma_wait3A_208 = tpu.memref_slice %dma_wait3A_205[%dma_wait3A_206, %dma_wait3A_207] : memref<128x128xf32, #tpu.memory_space<vmem>> -> memref<104x128xf32, #tpu.memory_space<vmem>>
        tpu.wait_dma2 semaphore(%run_scoped3A_172 : memref<!tpu.dma_semaphore, #tpu.memory_space<semaphore_mem>>) src(%dma_wait3A_208 : memref<104x128xf32, #tpu.memory_space<vmem>>) dst(%dma_wait3A_201 : memref<104x128xf32, #tpu.memory_space<hbm>>)
        tpu.yield
      }) : () -> ()
    } else {
    }
    return
  }
}

module attributes {stable_mosaic.version = 14 : i64} {
  func.func @_tc_matmul_body(%arg0: i32, %arg1: memref<1000x128xf32, #tpu.memory_space<vmem>>, %arg2: memref<128x128xf32, #tpu.memory_space<vmem>>, %arg3: memref<1000x128xf32, #tpu.memory_space<vmem>>) attributes {dimension_semantics = [#tpu.dimension_semantics<arbitrary>], iteration_bounds = array<i64: 10>, scalar_prefetch = 0 : i64, scratch_operands = 0 : i64, tpu.core_type = #tpu.core_type<tc>, window_params = [{transform_indices = @transform_0, window_bounds = array<i64: 1000, 128>}, {pipeline_mode = #tpu.pipeline_mode<synchronous>, transform_indices = @transform_1, window_bounds = array<i64: 128, 128>}, {transform_indices = @transform_2, window_bounds = array<i64: 1000, 128>}]} {
    %get3A = arith.constant 0 : index
    %get3A_0 = arith.constant 0 : index
    %get3A_1 = vector.load %arg1[%get3A, %get3A_0] : memref<1000x128xf32, #tpu.memory_space<vmem>>, vector<1000x128xf32>
    %get3A_2 = arith.constant 0 : index
    %get3A_3 = arith.constant 0 : index
    %get3A_4 = vector.load %arg2[%get3A_2, %get3A_3] : memref<128x128xf32, #tpu.memory_space<vmem>>, vector<128x128xf32>
    %dot_general3A = arith.constant dense<0.000000e+00> : vector<1000x128xf32>
    %dot_general3A_5 = tpu.matmul %get3A_1, %get3A_4, %dot_general3A {dimension_numbers = #tpu.dot_dimension_numbers<[1], [0], [0], [1], [0, 0, 1, 1], [], []>, transpose_lhs_hint = false} : vector<1000x128xf32>, vector<128x128xf32>, vector<1000x128xf32> -> vector<1000x128xf32>
    %swap3A = arith.constant 0 : index
    %swap3A_6 = arith.constant 0 : index
    %swap3A_7 = vector.load %arg3[%swap3A, %swap3A_6] : memref<1000x128xf32, #tpu.memory_space<vmem>>, vector<1000x128xf32>
    tpu.vector_store %arg3[%swap3A, %swap3A_6], %dot_general3A_5 {strides = array<i32>} : memref<1000x128xf32, #tpu.memory_space<vmem>>, vector<1000x128xf32>,
    return
  }
  func.func @transform_0(%arg0: i32) -> (i32, i32) {
    %c0_i32 = arith.constant 0 : i32
    %c0_i32_0 = arith.constant 0 : i32
    return %arg0, %c0_i32 : i32, i32
  }
  func.func @transform_1(%arg0: i32) -> (i32, i32) {
    %c0_i32 = arith.constant 0 : i32
    %c0_i32_0 = arith.constant 0 : i32
    %c0_i32_1 = arith.constant 0 : i32
    return %c0_i32, %c0_i32_0 : i32, i32
  }
  func.func @transform_2(%arg0: i32) -> (i32, i32) {
    %c0_i32 = arith.constant 0 : i32
    %c0_i32_0 = arith.constant 0 : i32
    return %arg0, %c0_i32 : i32, i32
  }
}

module attributes {stable_mosaic.version = 14 : i64} {
  func.func @_tc_scale_body(%arg0: i32, %arg1: memref<1000x1xf32, #tpu.memory_space<vmem>>, %arg2: memref<1000x128xf32, #tpu.memory_space<vmem>>, %arg3: memref<1000x128xf32, #tpu.memory_space<vmem>>, %arg4: memref<1000x1xf32, #tpu.memory_space<vmem>>) attributes {dimension_semantics = [#tpu.dimension_semantics<arbitrary>], iteration_bounds = array<i64: 10>, scalar_prefetch = 0 : i64, scratch_operands = 0 : i64, tpu.core_type = #tpu.core_type<tc>, window_params = [{transform_indices = @transform_0, window_bounds = array<i64: 1000, 1>}, {transform_indices = @transform_1, window_bounds = array<i64: 1000, 128>}, {transform_indices = @transform_2, window_bounds = array<i64: 1000, 128>}, {transform_indices = @transform_3, window_bounds = array<i64: 1000, 1>}]} {
    %get3A = arith.constant 0 : index
    %get3A_0 = arith.constant 0 : index
    %get3A_1 = vector.load %arg1[%get3A, %get3A_0] : memref<1000x1xf32, #tpu.memory_space<vmem>>, vector<1000x1xf32>
    %add3A = arith.constant 1.000000e+00 : f32
    %add3A_2 = vector.broadcast %add3A : f32 to vector<1000x1xf32>
    %add3A_3 = arith.addf %get3A_1, %add3A_2 : vector<1000x1xf32>
    %rsqrt3A = math.rsqrt %add3A_3 : vector<1000x1xf32>
    %get3A_4 = arith.constant 0 : index
    %get3A_5 = arith.constant 0 : index
    %get3A_6 = vector.load %arg2[%get3A_4, %get3A_5] : memref<1000x128xf32, #tpu.memory_space<vmem>>, vector<1000x128xf32>
    %mul3A = vector.broadcast %rsqrt3A : vector<1000x1xf32> to vector<1000x128xf32>
    %mul3A_7 = arith.mulf %get3A_6, %mul3A : vector<1000x128xf32>
    %swap3A = arith.constant 0 : index
    %swap3A_8 = arith.constant 0 : index
    %swap3A_9 = vector.load %arg3[%swap3A, %swap3A_8] : memref<1000x128xf32, #tpu.memory_space<vmem>>, vector<1000x128xf32>
    tpu.vector_store %arg3[%swap3A, %swap3A_8], %mul3A_7 {strides = array<i32>} : memref<1000x128xf32, #tpu.memory_space<vmem>>, vector<1000x128xf32>,
    %swap3A_10 = arith.constant 0 : index
    %swap3A_11 = arith.constant 0 : index
    %swap3A_12 = vector.load %arg4[%swap3A_10, %swap3A_11] : memref<1000x1xf32, #tpu.memory_space<vmem>>, vector<1000x1xf32>
    tpu.vector_store %arg4[%swap3A_10, %swap3A_11], %rsqrt3A {strides = array<i32>} : memref<1000x1xf32, #tpu.memory_space<vmem>>, vector<1000x1xf32>,
    return
  }
  func.func @transform_0(%arg0: i32) -> (i32, i32) {
    %c0_i32 = arith.constant 0 : i32
    %c0_i32_0 = arith.constant 0 : i32
    return %arg0, %c0_i32 : i32, i32
  }
  func.func @transform_1(%arg0: i32) -> (i32, i32) {
    %c0_i32 = arith.constant 0 : i32
    %c0_i32_0 = arith.constant 0 : i32
    return %arg0, %c0_i32 : i32, i32
  }
  func.func @transform_2(%arg0: i32) -> (i32, i32) {
    %c0_i32 = arith.constant 0 : i32
    %c0_i32_0 = arith.constant 0 : i32
    return %arg0, %c0_i32 : i32, i32
  }
  func.func @transform_3(%arg0: i32) -> (i32, i32) {
    %c0_i32 = arith.constant 0 : i32
    %c0_i32_0 = arith.constant 0 : i32
    return %arg0, %c0_i32 : i32, i32
  }
}

module attributes {stable_mosaic.version = 14 : i64} {
  func.func @_tc_mid_body(%arg0: i32, %arg1: memref<1000x128xf32, #tpu.memory_space<vmem>>, %arg2: memref<1000x128xf32, #tpu.memory_space<vmem>>, %arg3: memref<1000x1xf32, #tpu.memory_space<vmem>>, %arg4: memref<1x128xf32, #tpu.memory_space<vmem>>, %arg5: memref<128x128xf32, #tpu.memory_space<vmem>>, %arg6: memref<1000x128xf32, #tpu.memory_space<vmem>>) attributes {dimension_semantics = [#tpu.dimension_semantics<arbitrary>], iteration_bounds = array<i64: 10>, scalar_prefetch = 0 : i64, scratch_operands = 0 : i64, tpu.core_type = #tpu.core_type<tc>, window_params = [{transform_indices = @transform_0, window_bounds = array<i64: 1000, 128>}, {transform_indices = @transform_1, window_bounds = array<i64: 1000, 128>}, {transform_indices = @transform_2, window_bounds = array<i64: 1000, 1>}, {pipeline_mode = #tpu.pipeline_mode<synchronous>, transform_indices = @transform_3, window_bounds = array<i64: 1, 128>}, {pipeline_mode = #tpu.pipeline_mode<synchronous>, transform_indices = @transform_4, window_bounds = array<i64: 128, 128>}, {transform_indices = @transform_5, window_bounds = array<i64: 1000, 128>}]} {
    %get3A = arith.constant 0 : index
    %get3A_0 = arith.constant 0 : index
    %get3A_1 = vector.load %arg3[%get3A, %get3A_0] : memref<1000x1xf32, #tpu.memory_space<vmem>>, vector<1000x1xf32>
    %get3A_2 = arith.constant 0 : index
    %get3A_3 = arith.constant 0 : index
    %get3A_4 = vector.load %arg1[%get3A_2, %get3A_3] : memref<1000x128xf32, #tpu.memory_space<vmem>>, vector<1000x128xf32>
    %get3A_5 = arith.constant 0 : index
    %get3A_6 = arith.constant 0 : index
    %get3A_7 = vector.load %arg2[%get3A_5, %get3A_6] : memref<1000x128xf32, #tpu.memory_space<vmem>>, vector<1000x128xf32>
    %add3A = arith.addf %get3A_4, %get3A_7 : vector<1000x128xf32>
    %mul3A = vector.broadcast %get3A_1 : vector<1000x1xf32> to vector<1000x128xf32>
    %mul3A_8 = arith.mulf %add3A, %mul3A : vector<1000x128xf32>
    %get3A_9 = arith.constant 0 : index
    %get3A_10 = arith.constant 0 : index
    %get3A_11 = vector.load %arg4[%get3A_9, %get3A_10] : memref<1x128xf32, #tpu.memory_space<vmem>>, vector<1x128xf32>
    %add3A_12 = vector.broadcast %get3A_11 : vector<1x128xf32> to vector<1000x128xf32>
    %add3A_13 = arith.addf %mul3A_8, %add3A_12 : vector<1000x128xf32>
    %max3A = arith.constant 0.000000e+00 : f32
    %max3A_14 = vector.broadcast %max3A : f32 to vector<1000x128xf32>
    %max3A_15 = arith.maximumf %add3A_13, %max3A_14 : vector<1000x128xf32>
    %mul3A_16 = vector.broadcast %get3A_1 : vector<1000x1xf32> to vector<1000x128xf32>
    %mul3A_17 = arith.mulf %max3A_15, %mul3A_16 : vector<1000x128xf32>
    %get3A_18 = arith.constant 0 : index
    %get3A_19 = arith.constant 0 : index
    %get3A_20 = vector.load %arg5[%get3A_18, %get3A_19] : memref<128x128xf32, #tpu.memory_space<vmem>>, vector<128x128xf32>
    %dot_general3A = arith.constant dense<0.000000e+00> : vector<1000x128xf32>
    %dot_general3A_21 = tpu.matmul %mul3A_17, %get3A_20, %dot_general3A {dimension_numbers = #tpu.dot_dimension_numbers<[1], [0], [0], [1], [0, 0, 1, 1], [], []>, transpose_lhs_hint = false} : vector<1000x128xf32>, vector<128x128xf32>, vector<1000x128xf32> -> vector<1000x128xf32>
    %swap3A = arith.constant 0 : index
    %swap3A_22 = arith.constant 0 : index
    %swap3A_23 = vector.load %arg6[%swap3A, %swap3A_22] : memref<1000x128xf32, #tpu.memory_space<vmem>>, vector<1000x128xf32>
    tpu.vector_store %arg6[%swap3A, %swap3A_22], %dot_general3A_21 {strides = array<i32>} : memref<1000x128xf32, #tpu.memory_space<vmem>>, vector<1000x128xf32>,
    return
  }
  func.func @transform_0(%arg0: i32) -> (i32, i32) {
    %c0_i32 = arith.constant 0 : i32
    %c0_i32_0 = arith.constant 0 : i32
    return %arg0, %c0_i32 : i32, i32
  }
  func.func @transform_1(%arg0: i32) -> (i32, i32) {
    %c0_i32 = arith.constant 0 : i32
    %c0_i32_0 = arith.constant 0 : i32
    return %arg0, %c0_i32 : i32, i32
  }
  func.func @transform_2(%arg0: i32) -> (i32, i32) {
    %c0_i32 = arith.constant 0 : i32
    %c0_i32_0 = arith.constant 0 : i32
    return %arg0, %c0_i32 : i32, i32
  }
  func.func @transform_3(%arg0: i32) -> (i32, i32) {
    %c0_i32 = arith.constant 0 : i32
    %c0_i32_0 = arith.constant 0 : i32
    %c0_i32_1 = arith.constant 0 : i32
    return %c0_i32, %c0_i32_0 : i32, i32
  }
  func.func @transform_4(%arg0: i32) -> (i32, i32) {
    %c0_i32 = arith.constant 0 : i32
    %c0_i32_0 = arith.constant 0 : i32
    %c0_i32_1 = arith.constant 0 : i32
    return %c0_i32, %c0_i32_0 : i32, i32
  }
  func.func @transform_5(%arg0: i32) -> (i32, i32) {
    %c0_i32 = arith.constant 0 : i32
    %c0_i32_0 = arith.constant 0 : i32
    return %arg0, %c0_i32 : i32, i32
  }
}

module attributes {stable_mosaic.version = 14 : i64} {
  func.func @_tc_last_body(%arg0: i32, %arg1: memref<1000x128xf32, #tpu.memory_space<vmem>>, %arg2: memref<1000x128xf32, #tpu.memory_space<vmem>>, %arg3: memref<1000x1xf32, #tpu.memory_space<vmem>>, %arg4: memref<1x128xf32, #tpu.memory_space<vmem>>, %arg5: memref<1000x128xf32, #tpu.memory_space<vmem>>) attributes {dimension_semantics = [#tpu.dimension_semantics<arbitrary>], iteration_bounds = array<i64: 10>, scalar_prefetch = 0 : i64, scratch_operands = 0 : i64, tpu.core_type = #tpu.core_type<tc>, window_params = [{transform_indices = @transform_0, window_bounds = array<i64: 1000, 128>}, {transform_indices = @transform_1, window_bounds = array<i64: 1000, 128>}, {transform_indices = @transform_2, window_bounds = array<i64: 1000, 1>}, {pipeline_mode = #tpu.pipeline_mode<synchronous>, transform_indices = @transform_3, window_bounds = array<i64: 1, 128>}, {transform_indices = @transform_4, window_bounds = array<i64: 1000, 128>}]} {
    %get3A = arith.constant 0 : index
    %get3A_0 = arith.constant 0 : index
    %get3A_1 = vector.load %arg1[%get3A, %get3A_0] : memref<1000x128xf32, #tpu.memory_space<vmem>>, vector<1000x128xf32>
    %get3A_2 = arith.constant 0 : index
    %get3A_3 = arith.constant 0 : index
    %get3A_4 = vector.load %arg2[%get3A_2, %get3A_3] : memref<1000x128xf32, #tpu.memory_space<vmem>>, vector<1000x128xf32>
    %add3A = arith.addf %get3A_1, %get3A_4 : vector<1000x128xf32>
    %get3A_5 = arith.constant 0 : index
    %get3A_6 = arith.constant 0 : index
    %get3A_7 = vector.load %arg3[%get3A_5, %get3A_6] : memref<1000x1xf32, #tpu.memory_space<vmem>>, vector<1000x1xf32>
    %mul3A = vector.broadcast %get3A_7 : vector<1000x1xf32> to vector<1000x128xf32>
    %mul3A_8 = arith.mulf %add3A, %mul3A : vector<1000x128xf32>
    %get3A_9 = arith.constant 0 : index
    %get3A_10 = arith.constant 0 : index
    %get3A_11 = vector.load %arg4[%get3A_9, %get3A_10] : memref<1x128xf32, #tpu.memory_space<vmem>>, vector<1x128xf32>
    %add3A_12 = vector.broadcast %get3A_11 : vector<1x128xf32> to vector<1000x128xf32>
    %add3A_13 = arith.addf %mul3A_8, %add3A_12 : vector<1000x128xf32>
    %swap3A = arith.constant 0 : index
    %swap3A_14 = arith.constant 0 : index
    %swap3A_15 = vector.load %arg5[%swap3A, %swap3A_14] : memref<1000x128xf32, #tpu.memory_space<vmem>>, vector<1000x128xf32>
    tpu.vector_store %arg5[%swap3A, %swap3A_14], %add3A_13 {strides = array<i32>} : memref<1000x128xf32, #tpu.memory_space<vmem>>, vector<1000x128xf32>,
    return
  }
  func.func @transform_0(%arg0: i32) -> (i32, i32) {
    %c0_i32 = arith.constant 0 : i32
    %c0_i32_0 = arith.constant 0 : i32
    return %arg0, %c0_i32 : i32, i32
  }
  func.func @transform_1(%arg0: i32) -> (i32, i32) {
    %c0_i32 = arith.constant 0 : i32
    %c0_i32_0 = arith.constant 0 : i32
    return %arg0, %c0_i32 : i32, i32
  }
  func.func @transform_2(%arg0: i32) -> (i32, i32) {
    %c0_i32 = arith.constant 0 : i32
    %c0_i32_0 = arith.constant 0 : i32
    return %arg0, %c0_i32 : i32, i32
  }
  func.func @transform_3(%arg0: i32) -> (i32, i32) {
    %c0_i32 = arith.constant 0 : i32
    %c0_i32_0 = arith.constant 0 : i32
    %c0_i32_1 = arith.constant 0 : i32
    return %c0_i32, %c0_i32_0 : i32, i32
  }
  func.func @transform_4(%arg0: i32) -> (i32, i32) {
    %c0_i32 = arith.constant 0 : i32
    %c0_i32_0 = arith.constant 0 : i32
    return %arg0, %c0_i32 : i32, i32
  }
}

</mosaic_0001>

<sc_bundles>
// kernel: kernel.12.cloned.1.call-start
scs
__scs_entry_jumppad:
0x0: {  	(pc) =	sbr.rel $0x88, $3  }
0x1: {  	(tag) =	ssettag $0x0;
	lr =	simm.s32 $0x1  }
0x2: {  	[smem:$0x3F9B] =	sst lr;
	_ =	strace $0xD0000000  }
0x3: {  	_ = 	snop  }
0x4: {  	_ = 	snop  }
0x5: {  	_ = 	snop  }
0x6: {  	_ = 	snop  }
0x7: {  	_ = 	snop  }
__scs_overlays_trampoline_lowered:
0x8: {  	[smem:$0x3FAA] =	sst s0  }
0x9: {  	[smem:$0x3FAB] =	sst s1  }
0xa: {  	[smem:$0x3FAC] =	sst s2  }
0xb: {  	[smem:$0x3FAD] =	sst s3  }
0xc: {  	[smem:$0x3FAE] =	sst s4  }
0xd: {  	[smem:$0x3FAF] =	sst s5  }
0xe: {  	[smem:$0x3FB0] =	sst s6  }
0xf: {  	[smem:$0x3FB1] =	sst s7  }
0x10: {  	[smem:$0x3FB2] =	sst s8  }
0x11: {  	[smem:$0x3FB3] =	sst s9;
	s0 =	simm.s32 @!p0 $0x0  }
0x12: {  	s1 =	sld [smem:$0x3F99];
	s0 =	simm.s32 @p0 $0x1  }
0x13: {  	[smem:$0x3FB4] =	sst s0;
	s0 =	simm.s32 @!p1 $0x0  }
0x14: {  	s2 =	sld [smem:$0x3F98];
	s0 =	simm.s32 @p1 $0x1  }
0x15: {  	[smem:$0x3FB5] =	sst s0;
	s0 =	simm.s32 @!p2 $0x0  }
0x16: {  	s3 =	sld [smem:$0x3FDB];
	s0 =	simm.s32 @p2 $0x1  }
0x17: {  	s4 =	simm.s32 $0x1BF5;
	[smem:$0x3FB7] =	sst s0  }
0x18: {  	s0 =	sld [smem:$0x3F9A];
	_ =	swait.ge [sflag:s4], $0x0  }
0x19: {  	s7 =	sld [smem:$0x3F9B]  }
0x1a: {  	s8 =	sadd.s32 $0xFFFFE003, lr  }
0x1b: {  	s9 =	sadd.s32 $0xFFFFFEF7, lr;
	s5 =	simm.s32 $0xFFFFFFFF;
	p2 =	slt.u32 s8, $0xFFFFF086  }
0x1c: {  	p1 =	slt.u32 s9, $0xF7A;
	s5 =	simm.s32 @!p2 $0x0  }
0x1d: {  	s5 =	simm.s32 @p1 $0x1;
	p0 =	seq.s32 s7, s2  }
0x1e: {  	s7 =	smul.u32 @!p0 $0xF7A, s2;
	p2 =	seq.s32 @!p0 s5, $0x0  }
0x1f: {  	s9 =	smul.u32 $0xF7A, s1;
	s8 =	simm.s32 @!p0 $0x1BF5;
	p2 =	por !p2, p0  }
0x20: {  	[sflag:s8] =	ssyncset.s32 @!p0 $0xFFFFF086;
	s6 =	sadd.s32 @!p0 s3, s7;
	s7 =	simm.s32 @!p0 $0x108  }
0x21: {  	s3 =	sadd.s32 s3, s9;
	s6 =	sadd.s32 @!p0 $0x88, s6;
	s7 =	simm.s32 @p2 $0x1082  }
0x22: {  	[simem:s7], [sflag:s8] =	dma.local @!p0 [hbm:s6], $0xF7A  }
0x23: {  	s9 =	sor.u32 $0xD0000000, s2;
	s6 =	simm.s32 $0x108;
	_ =	swait.ge @!p0 [sflag:s8], $0x0  }
0x24: {  	s3 =	sadd.s32 $0x88, s3;
	s6 =	simm.s32 @!p1 $0x1082;
	[sflag:s4] =	ssyncset.s32 $0xFFFFF086  }
0x25: {  	[simem:s6], [sflag:s4] =	dma.local [hbm:s3], $0xF7A  }
0x26: {  	[smem:$0x3F9B] =	sst s1;
	(tag) =	ssettag s2;
	_ =	strace s9  }
0x27: {  	s1 =	sld [smem:$0x3FAB]  }
0x28: {  	s2 =	sld [smem:$0x3FAC]  }
0x29: {  	s4 =	sld [smem:$0x3FAE]  }
0x2a: {  	p0 =	seq.s32 s5, $0x0;
	s5 =	sld [smem:$0x3FAF]  }
0x2b: {  	s6 =	sld [smem:$0x3FB0]  }
0x2c: {  	s7 =	sld [smem:$0x3FB1]  }
0x2d: {  	s3 =	simm.s32 $0x108;
	s8 =	sld [smem:$0x3FB2]  }
0x2e: {  	s3 =	simm.s32 @!p0 $0x1082;
	s9 =	sld [smem:$0x3FB3]  }
0x2f: {  	lr =	sadd.s32 s0, s3;
	s0 =	sld [smem:$0x3FAA]  }
0x30: {  	s3 =	sld [smem:$0x3FAD]  }
0x31: {  	[smem:$0x3FB6] =	sst s10  }
0x32: {  	s10 =	sld [smem:$0x3FB4];
	_ =	sdelay $0x3  }
0x33: {  	p0 =	seq.s32 s10, $0x1;
	s10 =	sld [smem:$0x3FB6];
	_ =	sdelay $0x3  }
0x34: {  	[smem:$0x3FB6] =	sst s10  }
0x35: {  	s10 =	sld [smem:$0x3FB5];
	_ =	sdelay $0x3  }
0x36: {  	p1 =	seq.s32 s10, $0x1;
	s10 =	sld [smem:$0x3FB6];
	_ =	sdelay $0x3  }
0x37: {  	[smem:$0x3FB6] =	sst s10  }
0x38: {  	s10 =	sld [smem:$0x3FB7]  }
0x39: {  	_ = 	snop;
	(pc) =	sbr.ind lr, $3  }
0x3a: {  	_ = 	snop  }
0x3b: {  	_ = 	snop  }
0x3c: {  	p2 =	seq.s32 s10, $0x1;
	s10 =	sld [smem:$0x3FB6]  }
0x3d: {  	_ =	shalt  }
0x3e: {  	_ =	shalt  }
0x3f: {  	_ =	shalt  }
0x40: {  	_ =	shalt  }
0x41: {  	_ =	shalt  }
0x42: {  	_ =	shalt  }
0x43: {  	_ =	shalt  }
0x44: {  	_ =	shalt  }
0x45: {  	_ =	shalt  }
0x46: {  	_ =	shalt  }
0x47: {  	_ =	shalt  }
0x48: {  	_ =	shalt  }
0x49: {  	_ =	shalt  }
0x4a: {  	_ =	shalt  }
0x4b: {  	_ =	shalt  }
0x4c: {  	_ =	shalt  }
0x4d: {  	_ =	shalt  }
0x4e: {  	_ =	shalt  }
0x4f: {  	_ =	shalt  }
0x50: {  	_ =	shalt  }
0x51: {  	_ =	shalt  }
0x52: {  	_ =	shalt  }
0x53: {  	_ =	shalt  }
0x54: {  	_ =	shalt  }
0x55: {  	_ =	shalt  }
0x56: {  	_ =	shalt  }
0x57: {  	_ =	shalt  }
0x58: {  	_ =	shalt  }
0x59: {  	_ =	shalt  }
0x5a: {  	_ =	shalt  }
0x5b: {  	_ =	shalt  }
0x5c: {  	_ =	shalt  }
0x5d: {  	_ =	shalt  }
0x5e: {  	_ =	shalt  }
0x5f: {  	_ =	shalt  }
0x60: {  	_ =	shalt  }
0x61: {  	_ =	shalt  }
0x62: {  	_ =	shalt  }
0x63: {  	_ =	shalt  }
0x64: {  	_ =	shalt  }
0x65: {  	_ =	shalt  }
0x66: {  	_ =	shalt  }
0x67: {  	_ =	shalt  }
0x68: {  	_ =	shalt  }
0x69: {  	_ =	shalt  }
0x6a: {  	_ =	shalt  }
0x6b: {  	_ =	shalt  }
0x6c: {  	_ =	shalt  }
0x6d: {  	_ =	shalt  }
0x6e: {  	_ =	shalt  }
0x6f: {  	_ =	shalt  }
0x70: {  	_ =	shalt  }
0x71: {  	_ =	shalt  }
0x72: {  	_ =	shalt  }
0x73: {  	_ =	shalt  }
0x74: {  	_ =	shalt  }
0x75: {  	_ =	shalt  }
0x76: {  	_ =	shalt  }
0x77: {  	_ =	shalt  }
0x78: {  	_ =	shalt  }
0x79: {  	_ =	shalt  }
0x7a: {  	_ =	shalt  }
0x7b: {  	_ =	shalt  }
0x7c: {  	_ =	shalt  }
0x7d: {  	_ =	shalt  }
0x7e: {  	_ =	shalt  }
0x7f: {  	_ =	shalt  }
0x80: {  	_ =	shalt  }
0x81: {  	_ =	shalt  }
0x82: {  	_ =	shalt  }
0x83: {  	_ =	shalt  }
0x84: {  	_ =	shalt  }
0x85: {  	_ =	shalt  }
0x86: {  	_ =	shalt  }
0x87: {  	_ =	shalt  }
.Lfunc_end0:
.L_simem_size_0:
called_computation.1_lowered:
.L_overlay_start_0:
0x88: {  	s2 =	sld [smem:$0x3FD9]  }
0x89: {  	s3 =	sld [smem:$0x3FFE];
	_ =	sdelay $0x1  }
0x8a: {  	s1 =	srdreg.scid  }
0x8b: {  	s0 =	sand.u32 $0x1, s1  }
0x8c: {  	s17 =	sshll.u32 s0, $0xA;
	s2 =	sadd.s32 s3, s2  }
0x8d: {  	s2 =	sadd.s32 s2, s17  }
0x8e: {  	[smem:$0x3FC2] =	sst s2  }
0x8f: {  	_ = 	snop  }
0x90: {  	s2 =	sld [smem:$0x3FD0];
	(tm) =	ssettm $0x1  }
0x91: {  	s18 =	sld [smem:$0x3FFB];
	_ =	sdelay $0x3  }
0x92: {  	_ =	strace s18  }
0x93: {  	s3 =	sld [smem:$0x3FFC];
	_ =	sdelay $0x3  }
0x94: {  	_ =	strace s3  }
0x95: {  	s3 =	sld [smem:$0x3FFD];
	_ =	sdelay $0x3  }
0x96: {  	_ =	strace s3  }
0x97: {  	_ =	strace $0x8FFFFFFF  }
0x98: {  	s19 =	sld [smem:$0x3FDB];
	_ =	sdelay $0x1  }
0x99: {  	s4 =	simm.s32 $_scs_section_size  }
0x9a: {  	s5 =	simm.s32 $_size__tile_overlayer_lowered;
	s6 =	simm.s32 $_tile_overlayer_lowered  }
0x9b: {  	s22 =	simm.s32 $0x1BFF;
	s21 =	sshll.u32 s6, $0x1;
	s3 =	sadd.s32 s4, s19  }
0x9c: {  	s7 =	simm.s32 $0x0;
	s20 =	sshll.u32 s5, $0x1;
	s5 =	sadd.s32 s21, s3  }
0x9d: {  	[timem:s7], [sflag:s22] =	dma.local [hbm:s5], s20  }
0x9e: {  	_ =	swait.ge [sflag:s22], s20  }
0x9f: {  	s4 =	ssub.s32 $0x0, s20;
	[sflag:s22] =	ssyncset.done $0x0  }
0xa0: {  	[sflag:s22] =	ssyncadd.s32 s4;
	_ =	sdelay $0x1  }
0xa1: {  	s23 =	simm.s32 $0x1B8B  }
0xa2: {  	_ =	swait.ge [sflag:s23], $0x1  }
0xa3: {  	[sflag:s23] =	ssyncset.done $0x0  }
0xa4: {  	s25 =	simm.s32 $0x1B8E;
	s24 =	sld [smem:$0x3FFE];
	[sflag:s23] =	ssyncadd.s32 $0xFFFFFFFF  }
0xa5: {  	s26 =	simm.s32 $execute0_lowered;
	[smem:$0x3FD2] =	sst s25  }
0xa6: {  	s5 =	sshll.u32 s26, $0x1;
	_ =	strace $0x80000049;
	[dreg:$0x1] =	wrdreg $0xFFFFFFFF  }
0xa7: {  	s28 =	simm.s32 $_size_execute0_lowered;
	s3 =	sadd.s32 s3, s5;
	[dreg:$0x0] =	wrdreg $0x0  }
0xa8: {  	s5 =	sshll.u32 s28, $0x1;
	[dreg:$0x2] =	wrdreg s3  }
0xa9: {  	[dreg:$0x3] =	wrdreg s5  }
0xaa: {  	[dreg:$0x4] =	wrdreg $0xC0  }
0xab: {  	_ =	task [dreg:s7], $0x5FFFF  }
0xac: {  	[dreg:$0x1] =	wrdreg $0xFFFFFFFF  }
0xad: {  	[dreg:$0x0] =	wrdreg $0x60  }
0xae: {  	[dreg:$0x2] =	wrdreg s2  }
0xaf: {  	[dreg:$0x3] =	wrdreg s24  }
0xb0: {  	[dreg:$0x4] =	wrdreg $0x15E100  }
0xb1: {  	[dreg:$0x5] =	wrdreg $0x9  }
0xb2: {  	_ =	task.clear_ibuf [dreg:s7], $0x6FFFF;
	_ =	strace $0x90000049  }
0xb3: {  	s29 =	simm.s32 $0x9;
	_ =	strace $0x8000004B  }
0xb4: {  	_ =	swait.ge [sflag:s29], $0x1  }
0xb5: {  	[sflag:s29] =	ssyncadd.s32 $0xFFFFFFFF  }
0xb6: {  	_ =	strace $0x9000004B  }
0xb7: {  	_ =	sfence  }
0xb8: {  	s30 =	sld [smem:$0x0];
	_ =	sdelay $0x2  }
0xb9: {  	s31 =	sshll.u32 s1, $0xD;
	s1 =	sshrl.u32 s1, $0x2  }
0xba: {  	s3 =	sand.u32 $0x4000, s31;
	s1 =	sadd.s32 s1, s30  }
0xbb: {  	s0 =	sor.u32 s3, s0;
	s1 =	sshll.u32 s1, $0x11  }
0xbc: {  	s0 =	sor.u32 s1, s0  }
0xbd: {  	s0 =	sadd.s32 $0x8F2B, s0  }
0xbe: {  	[sflag:s0] =	ssyncadd.remote.s32 $0x1  }
0xbf: {  	_ =	sfence.sel $0xFFFF  }
0xc0: {  	[dreg:$0x0] =	wrdreg $0xFFFFFFFF;
	(pc) =	sbr.abs _section_cstart, $3  }
0xc1: {  	[dreg:$0x1] =	wrdreg $0xFFFFFFFF  }
0xc2: {  	_ =	task.clear_ibuf [dreg:s7], $0x2FFFF;
	_ =	strace $0x9FFFFFFF  }
0xc3: {  	(tm) =	ssettm $0x7FFFFFFF  }
tec
execute0_lowered:
.L_overlay_start_1:
0x0: {  	(tag) =	ssettag $0x1  }
0x1: {  	s0 =	rddreg [dreg:$0x0]  }
0x2: {  	s1 =	srdreg.scid;
	s4 =	rddreg [dreg:$0x1]  }
0x3: {  	s2 =	rddreg [dreg:$0x2];
	s5 =	stileid.u32;
	s3 =	simm.s32 $0x0  }
0x4: {  	s17 =	simm.s32 $0x3;
	s30 =	simm.s32 $0x4F00;
	s31 =	simm.s32 $0x9E00  }
0x5: {  	s20 =	simm.s32 $0x1;
	s21 =	simm.s32 $0x11E10;
	s22 =	simm.s32 $0x80  }
0x6: {  	s23 =	simm.s32 $0x9E10;
	s24 =	simm.s32 $0x2;
	s1 =	sand.u32 $0x1, s1  }
0x7: {  	[smem:$0x7FF] =	sst s3;
	s18 =	sadd.s32 $0x3400, s4;
	s10 =	smul.u32 $0x27000, s5  }
0x8: {  	s11 =	smul.u32 $0x138, s5;
	p0 =	sne.s32 s5, $0x0;
	s6 =	sshll.u32 s1, $0x4  }
0x9: {  	_ =	strace $0x8000004A;
	s8 =	ssub.s32 $0x2, s1;
	s28 =	smul.u32 $0x13E8, s1  }
0xa: {  	s1 =	smul.u32 $0x9F400, s1;
	s6 =	sor.u32 s5, s6;
	s9 =	sshrl.u32 s8, $0x1  }
0xb: {  	s26 =	sshrl.u32 s10, $0x2;
	s7 =	smul.u32 $0x9E0, s6;
	s6 =	sshll.u32 s6, $0x1  }
0xc: {  	s16 =	ssub.s32 s8, s9;
	s29 =	sadd.s32 s11, s28;
	s1 =	sshrl.u32 s1, $0x3  }
0xd: {  	s11 =	sadd.s32 $0x9C000, s2;
	s6 =	sadd.s32 s6, s4;
	s16 =	smax.u32 s16, $0x1  }
0xe: {  	s7 =	sadd.s32 s7, s4;
	s4 =	sadd.s32 $0x35600, s4;
	s8 =	sadd.s32 $0x35400, s6  }
.Ltmp0:
0xf: {  	s6 =	sshll.u32 s29, $0x4;
	[dreg:$0x5] =	wrdreg s16;
	(pc) =	sbr.rel .LBB2_1-.Ltmp0, $4  }
0x10: {  	s19 =	sadd.s32 $0xDC00, s7;
	s13 =	sadd.s32 $0x21800, s7;
	s7 =	sadd.s32 s26, s2  }
0x11: {  	s12 =	sadd.s32 s4, s6;
	s1 =	sadd.s32 s4, s1;
	s26 =	simm.s32 $0x0  }
0x12: {  	s9 =	sadd.s32 $0x4000, s7;
	s10 =	sadd.s32 $0x8000, s7;
	s14 =	sadd.s32 $0x800, s12  }
0x13: {  	s15 =	sadd.s32 $0x1000, s12;
	s25 =	sadd.s32 $0x13800, s1;
	[dreg:$0x4] =	wrdreg s12  }
.LBB2_4:
0x14: {  	_ = 	snop  }
.LBB2_9:
0x15: {  	[spmem:s2] =	stream.indirect.scatter.add.f32 @p1 [tilespmem:s6], [sflag:$0x2], $0x80, s4, s22, $0xb8;
	[tilespmem:$0x1FD50] =	vst v63  }
0x16: {  	p1 =	sge.s32 s18, s29;
	s29 =	sand.u32 $0x4000, s30;
	s18 =	smov.u32 s8  }
0x17: {  	s19 =	smov.u32 s13;
	s13 =	smov.u32 s14;
	s8 =	smov.u32 s15  }
0x18: {  	s14 =	smov.u32 s16;
	_ =	swait.ge [sflag:s24], $0x4000;
	s1 =	sxor.u32 @!p1 $0xFFFFFFFF, s30  }
0x19: {  	s15 =	smov.u32 s25;
	[sflag:s24] =	ssyncset.done $0x0;
	s1 =	sand.u32 @!p1 $0x4000, s1  }
0x1a: {  	s4 =	simm.s32 @!p1 $0x80;
	[sflag:s24] =	ssyncadd.s32 $0xFFFFC000;
	s1 =	sor.u32 @!p1 $0x9E10, s1  }
0x1b: {  	[tilespmem:s1], [sflag:$0x1] =	stream.indirect.gather @!p1 [hbm4b:s0+s4], $0x80, s31, s4, $0xb8;
	[tilespmem:$0x1FD50] =	vst v63  }
0x1c: {  	s25 =	smov.u32 s12;
	s30 =	simm.s32 $0x4F00;
	_ =	swait.ge [sflag:s20], $0x4000  }
0x1d: {  	s1 =	sor.u32 $0x9E10, s29;
	[sflag:s20] =	ssyncset.done $0x0;
	s12 =	rddreg [dreg:$0x4]  }
0x1e: {  	s31 =	simm.s32 $0x9E00;
	s16 =	rddreg [dreg:$0x5];
	[sflag:s20] =	ssyncadd.s32 $0xFFFFC000  }
0x1f: {  	[spmem:s2] =	stream.indirect.scatter.add.f32 [tilespmem:s1], [sflag:$0x2], $0x80, s5, s22, $0xb8;
	[tilespmem:$0x1FD50] =	vst v63  }
.LBB2_10:
0x20: {  	_ =	swait.ge [sflag:s24], $0x4000  }
0x21: {  	[sflag:s24] =	ssyncset.done $0x0  }
0x22: {  	[sflag:s24] =	ssyncadd.s32 $0xFFFFC000  }
.LBB2_11:
0x23: {  	[bflag:$0x0] =	sbarrier.arrive $0xFFFF  }
0x24: {  	[tilespmem:s23], [sflag:$0x3] =	stream.linear.gather [spmem:s7], $0x4000, $0x38;
	[tilespmem:$0x1FD50] =	vst v63  }
0x25: {  	_ =	swait.ge [sflag:s17], $0x4000  }
0x26: {  	[sflag:s17] =	ssyncset.done $0x0  }
0x27: {  	[sflag:s17] =	ssyncadd.s32 $0xFFFFC000  }
0x28: {  	[hbm4b:s12+s3] =	stream.linear.scatter [tilespmem:s23], [sflag:$0x1], $0x4000, $0x38;
	[tilespmem:$0x1FD50] =	vst v63  }
0x29: {  	s1 =	simm.s32 $0xDE10  }
0x2a: {  	[tilespmem:s1], [sflag:$0x3] =	stream.linear.gather [spmem:s9], $0x4000, $0x38;
	[tilespmem:$0x1FD50] =	vst v63  }
0x2b: {  	_ =	swait.ge [sflag:s17], $0x4000  }
0x2c: {  	[sflag:s17] =	ssyncset.done $0x0  }
0x2d: {  	[sflag:s17] =	ssyncadd.s32 $0xFFFFC000  }
0x2e: {  	[hbm4b:s14+s3] =	stream.linear.scatter [tilespmem:s1], [sflag:$0x1], $0x4000, $0x38;
	[tilespmem:$0x1FD50] =	vst v63  }
0x2f: {  	_ =	swait.ge [sflag:s20], $0x4000  }
0x30: {  	[sflag:s20] =	ssyncset.done $0x0  }
0x31: {  	[sflag:s20] =	ssyncadd.s32 $0xFFFFC000  }
0x32: {  	[tilespmem:s23], [sflag:$0x3] =	stream.linear.gather [spmem:s10], $0x1C00, $0x38;
	[tilespmem:$0x1FD50] =	vst v63  }
0x33: {  	_ =	swait.ge [sflag:s17], $0x1C00  }
0x34: {  	[sflag:s17] =	ssyncset.done $0x0  }
0x35: {  	[sflag:s17] =	ssyncadd.s32 $0xFFFFE400  }
0x36: {  	[hbm4b:s15+s3] =	stream.linear.scatter [tilespmem:s23], [sflag:$0x1], $0x1C00, $0x38;
	[tilespmem:$0x1FD50] =	vst v63  }
0x37: {  	_ =	swait.ge [sflag:s20], $0x4000  }
0x38: {  	[sflag:s20] =	ssyncset.done $0x0  }
0x39: {  	[sflag:s20] =	ssyncadd.s32 $0xFFFFC000  }
0x3a: {  	_ =	swait.ge [sflag:s20], $0x1C00  }
0x3b: {  	[sflag:s20] =	ssyncset.done $0x0  }
0x3c: {  	s1 =	simm.s32 @!p0 $0x9E10;
	[sflag:s20] =	ssyncadd.s32 $0xFFFFE400  }
0x3d: {  	[tilespmem:s1], [sflag:$0x3] =	stream.linear.gather @!p0 [spmem:s11], $0x3400, $0x38;
	[tilespmem:$0x1FD50] =	vst v63  }
0x3e: {  	s26 =	sadd.s32 $0x1, s26;
	_ =	swait.ge @!p0 [sflag:s28], $0x3400  }
0x3f: {  	p1 =	sne.s32 s26, s16;
	[sflag:s28] =	ssyncset.done @!p0 $0x0  }
.Ltmp1:
0x40: {  	s4 =	simm.s32 @!p0 $0x0;
	[sflag:s28] =	ssyncadd.s32 @!p0 $0xFFFFCC00;
	(pc) =	sbr.rel @!p1 .LBB2_12-.Ltmp1, $4  }
0x41: {  	[hbm4b:s25+s4] =	stream.linear.scatter @!p0 [tilespmem:s1], [sflag:$0x3], $0x3400, $0x38;
	[tilespmem:$0x1FD50] =	vst v63  }
0x42: {  	_ =	swait.ge @!p0 [sflag:s28], $0x3400  }
0x43: {  	[sflag:s28] =	ssyncset.done @!p0 $0x0  }
0x44: {  	[sflag:s28] =	ssyncadd.s32 @!p0 $0xFFFFCC00  }
.LBB2_1:
0x45: {  	[tilespmem:s3], [sflag:$0x3] =	stream.linear.gather [hbm4b:s19+s3], $0x4F00, $0x38;
	[tilespmem:$0x1FD50] =	vst v63  }
0x46: {  	_ =	swait.ge [sflag:s17], $0x4F00  }
0x47: {  	[sflag:s17] =	ssyncset.done $0x0  }
0x48: {  	[sflag:s17] =	ssyncadd.s32 $0xFFFFB100  }
0x49: {  	[tilespmem:s30], [sflag:$0x3] =	stream.linear.gather [hbm4b:s13+s3], $0x4F00, $0x38;
	[tilespmem:$0x1FD50] =	vst v63  }
0x4a: {  	_ =	swait.ge [sflag:s17], $0x4F00  }
0x4b: {  	[sflag:s17] =	ssyncset.done $0x0  }
0x4c: {  	[sflag:s17] =	ssyncadd.s32 $0xFFFFB100  }
0x4d: {  	[tilespmem:s31], [sflag:$0x3] =	stream.linear.gather [hbm4b:s8+s3], $0x10, $0x38;
	[tilespmem:$0x1FD50] =	vst v63  }
0x4e: {  	_ =	swait.ge [sflag:s17], $0x10  }
0x4f: {  	[sflag:s17] =	ssyncset.done $0x0  }
0x50: {  	[sflag:s17] =	ssyncadd.s32 $0xFFFFFFF0  }
0x51: {  	v0 =	vld [tilespmem:$0x9E00];
	_ =	sdelay $0x4  }
0x52: {  	v0 =	vxor.u32 $0x80000000, v0  }
0x53: {  	(xrf0) =	vmax.scan.msk.u32 $0xffff, v0;
	_ =	sdelay $0x5  }
0x54: {  	v0, _, _ =	vpop (xrf0)  }
0x55: {  	(v2sf) =	vpush v0, $0xF;
	_ =	sdelay $0xe  }
0x56: {  	s1 =	spop (v2sf)  }
0x57: {  	s1 =	sadd.s32 $0x8000007F, s1  }
0x58: {  	s4 =	sand.u32 $0x7F, s1  }
0x59: {  	s5 =	sshra.s32 s1, $0x1F;
	p1 =	slt.s32 s1, $0x1;
	p2 =	sne.s32 s4, $0x0  }
0x5a: {  	s6 =	sshrl.u32 s5, $0x19;
	p1 =	por !p1, !p2  }
0x5b: {  	s4 =	simm.s32 $0x1;
	s1 =	sadd.s32 s6, s1;
	p1 =	por !p1, !p1  }
0x5c: {  	s1 =	sshra.s32 s1, $0x7;
	s4 =	simm.s32 @!p1 $0x0  }
0x5d: {  	s29 =	ssub.s32 s1, s4  }
0x5e: {  	p2 =	slt.s32 s29, $0x1  }
0x5f: {  	s4 =	simm.s32 @!p2 $0x80;
	s5 =	simm.s32 @!p2 $0x0;
	s6 =	simm.s32 @!p2 $0x9E10  }
0x60: {  	[tilespmem:s6], [sflag:$0x1] =	stream.indirect.gather @!p2 [hbm4b:s0+s4], $0x80, s5, s4, $0xb8;
	[tilespmem:$0x1FD50] =	vst v63  }
0x61: {  	_ = 	snop  }
0x62: {  	[tilespmem:s21], [sflag:$0x3] =	stream.linear.gather [hbm4b:s18+s3], $0x4000, $0x38;
	[tilespmem:$0x1FD50] =	vst v63  }
0x63: {  	_ =	swait.ge [sflag:s17], $0x4000  }
0x64: {  	[sflag:s17] =	ssyncset.done $0x0  }
0x65: {  	[sflag:s17] =	ssyncadd.s32 $0xFFFFC000  }
0x66: {  	[spmem:s7] =	stream.linear.scatter [tilespmem:s21], [sflag:$0x3], $0x4000, $0x38;
	[tilespmem:$0x1FD50] =	vst v63  }
0x67: {  	_ =	swait.ge [sflag:s17], $0x4000  }
0x68: {  	[sflag:s17] =	ssyncset.done $0x0  }
0x69: {  	[sflag:s17] =	ssyncadd.s32 $0xFFFFC000  }
0x6a: {  	[spmem:s9] =	stream.linear.scatter [tilespmem:s21], [sflag:$0x3], $0x4000, $0x38;
	[tilespmem:$0x1FD50] =	vst v63  }
0x6b: {  	_ =	swait.ge [sflag:s17], $0x4000  }
0x6c: {  	[sflag:s17] =	ssyncset.done $0x0  }
0x6d: {  	[sflag:s17] =	ssyncadd.s32 $0xFFFFC000  }
0x6e: {  	[spmem:s10] =	stream.linear.scatter [tilespmem:s21], [sflag:$0x3], $0x1C00, $0x38;
	[tilespmem:$0x1FD50] =	vst v63  }
0x6f: {  	_ =	swait.ge [sflag:s17], $0x1C00  }
0x70: {  	[sflag:s17] =	ssyncset.done $0x0  }
0x71: {  	s28 =	simm.s32 @!p0 $0x3;
	s4 =	simm.s32 @!p0 $0x11E10;
	[sflag:s17] =	ssyncadd.s32 $0xFFFFE400  }
0x72: {  	[spmem:s11] =	stream.linear.scatter @!p0 [tilespmem:s4], [sflag:$0x3], $0x3400, $0x38;
	[tilespmem:$0x1FD50] =	vst v63  }
.Ltmp2:
0x73: {  	_ =	swait.ge @!p0 [sflag:s28], $0x3400;
	(pc) =	sbr.rel @p2 .LBB2_11-.Ltmp2, $3  }
0x74: {  	[sflag:s28] =	ssyncset.done @!p0 $0x0  }
0x75: {  	[sflag:s28] =	ssyncadd.s32 @!p0 $0xFFFFCC00  }
0x76: {  	[bflag:$0x0] =	sbarrier.arrive $0xFFFF;
	_ =	sdelay $0x1  }
0x77: {  	p2 =	seq.s32 s29, $0x1  }
0x78: {  	s4 =	simm.s32 @!p2 $0x80;
	s5 =	simm.s32 @!p2 $0xDE10  }
0x79: {  	[tilespmem:s5], [sflag:$0x1] =	stream.indirect.gather @!p2 [hbm4b:s0+s4], $0x80, s4, s4, $0xb8;
	[tilespmem:$0x1FD50] =	vst v63  }
.Ltmp3:
0x7a: {  	_ = 	snop;
	(pc) =	sbr.rel @p2 .LBB2_10-.Ltmp3, $4  }
0x7b: {  	_ =	swait.ge [sflag:s20], $0x4000  }
0x7c: {  	[sflag:s20] =	ssyncset.done $0x0  }
0x7d: {  	[sflag:s20] =	ssyncadd.s32 $0xFFFFC000  }
0x7e: {  	[spmem:s2] =	stream.indirect.scatter.add.f32 [tilespmem:s23], [sflag:$0x2], $0x80, s30, s22, $0xb8;
	[tilespmem:$0x1FD50] =	vst v63  }
0x7f: {  	s4 =	simm.s32 $0xFFFFFFFF  }
0x80: {  	s4 =	simm.s32 @!p1 $0x0  }
0x81: {  	s16 =	smov.u32 s14;
	s1 =	sadd.s32 s4, s1  }
0x82: {  	s14 =	smov.u32 s13;
	s13 =	smov.u32 s19;
	s19 =	sadd.s32 $0xFFFFFFFF, s1  }
0x83: {  	p2 =	sne.s32 s19, $0x1  }
.Ltmp4:
0x84: {  	_ = 	snop;
	(pc) =	sbr.rel @!p2 .LBB2_4-.Ltmp4, $4  }
0x85: {  	_ = 	snop  }
0x86: {  	s12 =	smov.u32 s25;
	s25 =	smov.u32 s15;
	s15 =	smov.u32 s8  }
0x87: {  	s8 =	smov.u32 s18;
	s5 =	simm.s32 $0x4F80;
	s30 =	simm.s32 $0x4000  }
0x88: {  	s31 =	simm.s32 $0x100;
	s18 =	simm.s32 $0x2;
	p1 =	por $0x0, $0x0  }
0x89: {  	p1 =	sle.s32 s29, $0x2;
	_ =	swait.ge [sflag:s24], $0x4000;
	s18 =	simm.s32 $0x3  }
0x8a: {  	p2 =	sne.s32 s19, $0x2;
	s6 =	sand.u32 $0x4000, s30;
	s1 =	sxor.u32 @!p1 $0xFFFFFFFF, s30  }
0x8b: {  	[sflag:s24] =	ssyncset.done $0x0;
	s4 =	simm.s32 @!p1 $0x80;
	s1 =	sand.u32 @!p1 $0x4000, s1  }
.Ltmp5:
0x8c: {  	[sflag:s24] =	ssyncadd.s32 $0xFFFFC000;
	s1 =	sor.u32 @!p1 $0x9E10, s1;
	(pc) =	sbr.rel @!p2 .LBB2_6-.Ltmp5, $4  }
0x8d: {  	[tilespmem:s1], [sflag:$0x1] =	stream.indirect.gather @!p1 [hbm4b:s0+s4], $0x80, s31, s4, $0xb8;
	[tilespmem:$0x1FD50] =	vst v63  }
0x8e: {  	s30 =	simm.s32 $0x8000;
	s6 =	sor.u32 $0x9E10, s6;
	_ =	swait.ge [sflag:s20], $0x4000  }
0x8f: {  	s4 =	simm.s32 $0x2;
	s31 =	simm.s32 $0x180;
	[sflag:s20] =	ssyncset.done $0x0  }
0x90: {  	s1 =	simm.s32 $0x5000;
	p1 =	por $0x1, $0x1;
	[sflag:s20] =	ssyncadd.s32 $0xFFFFC000  }
.LBB2_7:
0x91: {  	[spmem:s2] =	stream.indirect.scatter.add.f32 [tilespmem:s6], [sflag:$0x2], $0x80, s5, s22, $0xb8;
	[tilespmem:$0x1FD50] =	vst v63  }
0x92: {  	p3 =	sge.s32 s18, s29;
	s18 =	sadd.s32 $0x2, s4;
	s4 =	sadd.s32 $0x1, s4  }
0x93: {  	p2 =	sne.s32 s19, s4;
	s5 =	sxor.u32 @!p3 $0xFFFFFFFF, s30;
	_ =	swait.ge [sflag:s24], $0x4000  }
0x94: {  	s6 =	simm.s32 @!p3 $0x80;
	s5 =	sand.u32 @!p3 $0x4000, s5;
	[sflag:s24] =	ssyncset.done $0x0  }
.Ltmp6:
0x95: {  	s5 =	sor.u32 @!p3 $0x9E10, s5;
	[sflag:s24] =	ssyncadd.s32 $0xFFFFC000;
	(pc) =	sbr.rel @p2 .LBB2_7-.Ltmp6, $4  }
0x96: {  	[tilespmem:s5], [sflag:$0x1] =	stream.indirect.gather @!p3 [hbm4b:s0+s6], $0x80, s31, s6, $0xb8;
	[tilespmem:$0x1FD50] =	vst v63  }
0x97: {  	s31 =	sadd.s32 $0x80, s31;
	s5 =	smov.u32 s1;
	_ =	swait.ge [sflag:s20], $0x4000  }
0x98: {  	s6 =	sand.u32 $0x4000, s30;
	s30 =	sadd.s32 $0x4000, s30;
	[sflag:s20] =	ssyncset.done $0x0  }
0x99: {  	s1 =	sadd.s32 $0x80, s1;
	s6 =	sor.u32 $0x9E10, s6;
	[sflag:s20] =	ssyncadd.s32 $0xFFFFC000  }
.Ltmp7:
0x9a: {  	(pc) =	sbr.rel .LBB2_9-.Ltmp7, $2  }
0x9b: {  	_ =	sdelay $0x2  }
0x9c: {  	s4 =	smov.u32 s5;
	s5 =	smov.u32 s1  }
.LBB2_6:
.Ltmp8:
0x9d: {  	(pc) =	sbr.rel .LBB2_9-.Ltmp8, $2  }
0x9e: {  	_ =	sdelay $0x2  }
0x9f: {  	s4 =	simm.s32 $0x4F80;
	s5 =	simm.s32 $0x5000  }
.LBB2_12:
0xa0: {  	_ =	sfence.sel $0x180000  }
0xa1: {  	[bflag:$0x0] =	sbarrier.arrive $0xFFFF  }
0xa2: {  	_ =	strace $0x9000004A  }
0xa3: {  	[bflag:$0x2] =	sbarrier.arrive $0xFFFF  }
0xa4: {  	s0 =	rddreg [dreg:$0x3]  }
0xa5: {  	s0 =	sadd.s32 @!p0 $0x100000, s0  }
0xa6: {  	[sflag:s0] =	ssyncadd.tile.s32 @!p0 $0x1;
	_ =	shalt  }
.Lfunc_end2:
_tile_overlayer_lowered:
.L_overlay_start_2:
0xa7: {  	(tag) =	ssettag $0x2  }
0xa8: {  	s0 =	rddreg [dreg:$0x0];
	s2 =	stileid.u32  }
0xa9: {  	s1 =	rddreg [dreg:$0x1];
	p0 =	sne.s32 s2, $0x0  }
0xaa: {  	s3 =	rddreg [dreg:$0x2];
	[bflag:$0x3] =	sbarrier.arrive $0xFFFF;
	s2 =	simm.s32 @!p0 $0x1C03  }
0xab: {  	[timem:s3], [sflag:s2] =	dma.local @!p0 [hbm:s0], s1  }
0xac: {  	s0 =	simm.s32 @!p0 $0x3  }
0xad: {  	_ =	swait.ge @!p0 [sflag:s0], s1  }
0xae: {  	s1 =	ssub.s32 @!p0 $0x0, s1;
	[sflag:s0] =	ssyncset.done @!p0 $0x0  }
0xaf: {  	[sflag:s0] =	ssyncadd.s32 @!p0 s1  }
0xb0: {  	[bflag:$0x3] =	sbarrier.arrive $0xFFFF  }
0xb1: {  	_ =	shalt  }

// kernel: kernel.15.cloned.1.call-start
scs
__scs_entry_jumppad:
0x0: {  	(pc) =	sbr.rel $0x88, $3  }
0x1: {  	(tag) =	ssettag $0x0;
	lr =	simm.s32 $0x1  }
0x2: {  	[smem:$0x3F9B] =	sst lr;
	_ =	strace $0xD0000000  }
0x3: {  	_ = 	snop  }
0x4: {  	_ = 	snop  }
0x5: {  	_ = 	snop  }
0x6: {  	_ = 	snop  }
0x7: {  	_ = 	snop  }
__scs_overlays_trampoline_lowered:
0x8: {  	[smem:$0x3FAA] =	sst s0  }
0x9: {  	[smem:$0x3FAB] =	sst s1  }
0xa: {  	[smem:$0x3FAC] =	sst s2  }
0xb: {  	[smem:$0x3FAD] =	sst s3  }
0xc: {  	[smem:$0x3FAE] =	sst s4  }
0xd: {  	[smem:$0x3FAF] =	sst s5  }
0xe: {  	[smem:$0x3FB0] =	sst s6  }
0xf: {  	[smem:$0x3FB1] =	sst s7  }
0x10: {  	[smem:$0x3FB2] =	sst s8  }
0x11: {  	[smem:$0x3FB3] =	sst s9;
	s0 =	simm.s32 @!p0 $0x0  }
0x12: {  	s1 =	sld [smem:$0x3F99];
	s0 =	simm.s32 @p0 $0x1  }
0x13: {  	[smem:$0x3FB4] =	sst s0;
	s0 =	simm.s32 @!p1 $0x0  }
0x14: {  	s2 =	sld [smem:$0x3F98];
	s0 =	simm.s32 @p1 $0x1  }
0x15: {  	[smem:$0x3FB5] =	sst s0;
	s0 =	simm.s32 @!p2 $0x0  }
0x16: {  	s3 =	sld [smem:$0x3FDB];
	s0 =	simm.s32 @p2 $0x1  }
0x17: {  	s4 =	simm.s32 $0x1BF5;
	[smem:$0x3FB7] =	sst s0  }
0x18: {  	s0 =	sld [smem:$0x3F9A];
	_ =	swait.ge [sflag:s4], $0x0  }
0x19: {  	s7 =	sld [smem:$0x3F9B]  }
0x1a: {  	s8 =	sadd.s32 $0xFFFFE003, lr  }
0x1b: {  	s9 =	sadd.s32 $0xFFFFFEF7, lr;
	s5 =	simm.s32 $0xFFFFFFFF;
	p2 =	slt.u32 s8, $0xFFFFF086  }
0x1c: {  	p1 =	slt.u32 s9, $0xF7A;
	s5 =	simm.s32 @!p2 $0x0  }
0x1d: {  	s5 =	simm.s32 @p1 $0x1;
	p0 =	seq.s32 s7, s2  }
0x1e: {  	s7 =	smul.u32 @!p0 $0xF7A, s2;
	p2 =	seq.s32 @!p0 s5, $0x0  }
0x1f: {  	s9 =	smul.u32 $0xF7A, s1;
	s8 =	simm.s32 @!p0 $0x1BF5;
	p2 =	por !p2, p0  }
0x20: {  	[sflag:s8] =	ssyncset.s32 @!p0 $0xFFFFF086;
	s6 =	sadd.s32 @!p0 s3, s7;
	s7 =	simm.s32 @!p0 $0x108  }
0x21: {  	s3 =	sadd.s32 s3, s9;
	s6 =	sadd.s32 @!p0 $0x88, s6;
	s7 =	simm.s32 @p2 $0x1082  }
0x22: {  	[simem:s7], [sflag:s8] =	dma.local @!p0 [hbm:s6], $0xF7A  }
0x23: {  	s9 =	sor.u32 $0xD0000000, s2;
	s6 =	simm.s32 $0x108;
	_ =	swait.ge @!p0 [sflag:s8], $0x0  }
0x24: {  	s3 =	sadd.s32 $0x88, s3;
	s6 =	simm.s32 @!p1 $0x1082;
	[sflag:s4] =	ssyncset.s32 $0xFFFFF086  }
0x25: {  	[simem:s6], [sflag:s4] =	dma.local [hbm:s3], $0xF7A  }
0x26: {  	[smem:$0x3F9B] =	sst s1;
	(tag) =	ssettag s2;
	_ =	strace s9  }
0x27: {  	s1 =	sld [smem:$0x3FAB]  }
0x28: {  	s2 =	sld [smem:$0x3FAC]  }
0x29: {  	s4 =	sld [smem:$0x3FAE]  }
0x2a: {  	p0 =	seq.s32 s5, $0x0;
	s5 =	sld [smem:$0x3FAF]  }
0x2b: {  	s6 =	sld [smem:$0x3FB0]  }
0x2c: {  	s7 =	sld [smem:$0x3FB1]  }
0x2d: {  	s3 =	simm.s32 $0x108;
	s8 =	sld [smem:$0x3FB2]  }
0x2e: {  	s3 =	simm.s32 @!p0 $0x1082;
	s9 =	sld [smem:$0x3FB3]  }
0x2f: {  	lr =	sadd.s32 s0, s3;
	s0 =	sld [smem:$0x3FAA]  }
0x30: {  	s3 =	sld [smem:$0x3FAD]  }
0x31: {  	[smem:$0x3FB6] =	sst s10  }
0x32: {  	s10 =	sld [smem:$0x3FB4];
	_ =	sdelay $0x3  }
0x33: {  	p0 =	seq.s32 s10, $0x1;
	s10 =	sld [smem:$0x3FB6];
	_ =	sdelay $0x3  }
0x34: {  	[smem:$0x3FB6] =	sst s10  }
0x35: {  	s10 =	sld [smem:$0x3FB5];
	_ =	sdelay $0x3  }
0x36: {  	p1 =	seq.s32 s10, $0x1;
	s10 =	sld [smem:$0x3FB6];
	_ =	sdelay $0x3  }
0x37: {  	[smem:$0x3FB6] =	sst s10  }
0x38: {  	s10 =	sld [smem:$0x3FB7]  }
0x39: {  	_ = 	snop;
	(pc) =	sbr.ind lr, $3  }
0x3a: {  	_ = 	snop  }
0x3b: {  	_ = 	snop  }
0x3c: {  	p2 =	seq.s32 s10, $0x1;
	s10 =	sld [smem:$0x3FB6]  }
0x3d: {  	_ =	shalt  }
0x3e: {  	_ =	shalt  }
0x3f: {  	_ =	shalt  }
0x40: {  	_ =	shalt  }
0x41: {  	_ =	shalt  }
0x42: {  	_ =	shalt  }
0x43: {  	_ =	shalt  }
0x44: {  	_ =	shalt  }
0x45: {  	_ =	shalt  }
0x46: {  	_ =	shalt  }
0x47: {  	_ =	shalt  }
0x48: {  	_ =	shalt  }
0x49: {  	_ =	shalt  }
0x4a: {  	_ =	shalt  }
0x4b: {  	_ =	shalt  }
0x4c: {  	_ =	shalt  }
0x4d: {  	_ =	shalt  }
0x4e: {  	_ =	shalt  }
0x4f: {  	_ =	shalt  }
0x50: {  	_ =	shalt  }
0x51: {  	_ =	shalt  }
0x52: {  	_ =	shalt  }
0x53: {  	_ =	shalt  }
0x54: {  	_ =	shalt  }
0x55: {  	_ =	shalt  }
0x56: {  	_ =	shalt  }
0x57: {  	_ =	shalt  }
0x58: {  	_ =	shalt  }
0x59: {  	_ =	shalt  }
0x5a: {  	_ =	shalt  }
0x5b: {  	_ =	shalt  }
0x5c: {  	_ =	shalt  }
0x5d: {  	_ =	shalt  }
0x5e: {  	_ =	shalt  }
0x5f: {  	_ =	shalt  }
0x60: {  	_ =	shalt  }
0x61: {  	_ =	shalt  }
0x62: {  	_ =	shalt  }
0x63: {  	_ =	shalt  }
0x64: {  	_ =	shalt  }
0x65: {  	_ =	shalt  }
0x66: {  	_ =	shalt  }
0x67: {  	_ =	shalt  }
0x68: {  	_ =	shalt  }
0x69: {  	_ =	shalt  }
0x6a: {  	_ =	shalt  }
0x6b: {  	_ =	shalt  }
0x6c: {  	_ =	shalt  }
0x6d: {  	_ =	shalt  }
0x6e: {  	_ =	shalt  }
0x6f: {  	_ =	shalt  }
0x70: {  	_ =	shalt  }
0x71: {  	_ =	shalt  }
0x72: {  	_ =	shalt  }
0x73: {  	_ =	shalt  }
0x74: {  	_ =	shalt  }
0x75: {  	_ =	shalt  }
0x76: {  	_ =	shalt  }
0x77: {  	_ =	shalt  }
0x78: {  	_ =	shalt  }
0x79: {  	_ =	shalt  }
0x7a: {  	_ =	shalt  }
0x7b: {  	_ =	shalt  }
0x7c: {  	_ =	shalt  }
0x7d: {  	_ =	shalt  }
0x7e: {  	_ =	shalt  }
0x7f: {  	_ =	shalt  }
0x80: {  	_ =	shalt  }
0x81: {  	_ =	shalt  }
0x82: {  	_ =	shalt  }
0x83: {  	_ =	shalt  }
0x84: {  	_ =	shalt  }
0x85: {  	_ =	shalt  }
0x86: {  	_ =	shalt  }
0x87: {  	_ =	shalt  }
.Lfunc_end0:
.L_simem_size_0:
called_computation.2_lowered:
.L_overlay_start_0:
0x88: {  	s2 =	sld [smem:$0x3FD9]  }
0x89: {  	s3 =	sld [smem:$0x3FFE];
	_ =	sdelay $0x1  }
0x8a: {  	s1 =	srdreg.scid  }
0x8b: {  	s0 =	sand.u32 $0x1, s1  }
0x8c: {  	s17 =	sshll.u32 s0, $0xA;
	s2 =	sadd.s32 s3, s2  }
0x8d: {  	s2 =	sadd.s32 s2, s17  }
0x8e: {  	[smem:$0x3FC2] =	sst s2  }
0x8f: {  	_ = 	snop  }
0x90: {  	s2 =	sld [smem:$0x3FD0];
	(tm) =	ssettm $0x1  }
0x91: {  	s18 =	sld [smem:$0x3FFB];
	_ =	sdelay $0x3  }
0x92: {  	_ =	strace s18  }
0x93: {  	s3 =	sld [smem:$0x3FFC];
	_ =	sdelay $0x3  }
0x94: {  	_ =	strace s3  }
0x95: {  	s3 =	sld [smem:$0x3FFD];
	_ =	sdelay $0x3  }
0x96: {  	_ =	strace s3  }
0x97: {  	_ =	strace $0x8FFFFFFF  }
0x98: {  	s19 =	sld [smem:$0x3FDB];
	_ =	sdelay $0x1  }
0x99: {  	s4 =	simm.s32 $_scs_section_size  }
0x9a: {  	s5 =	simm.s32 $_size__tile_overlayer_lowered;
	s6 =	simm.s32 $_tile_overlayer_lowered  }
0x9b: {  	s22 =	simm.s32 $0x1BFF;
	s21 =	sshll.u32 s6, $0x1;
	s3 =	sadd.s32 s4, s19  }
0x9c: {  	s7 =	simm.s32 $0x0;
	s20 =	sshll.u32 s5, $0x1;
	s5 =	sadd.s32 s21, s3  }
0x9d: {  	[timem:s7], [sflag:s22] =	dma.local [hbm:s5], s20  }
0x9e: {  	_ =	swait.ge [sflag:s22], s20  }
0x9f: {  	s4 =	ssub.s32 $0x0, s20;
	[sflag:s22] =	ssyncset.done $0x0  }
0xa0: {  	[sflag:s22] =	ssyncadd.s32 s4;
	_ =	sdelay $0x1  }
0xa1: {  	s23 =	simm.s32 $0x1B8B  }
0xa2: {  	_ =	swait.ge [sflag:s23], $0x1  }
0xa3: {  	[sflag:s23] =	ssyncset.done $0x0  }
0xa4: {  	s25 =	simm.s32 $0x1B8E;
	s24 =	sld [smem:$0x3FFE];
	[sflag:s23] =	ssyncadd.s32 $0xFFFFFFFF  }
0xa5: {  	s26 =	simm.s32 $execute0_lowered;
	[smem:$0x3FD2] =	sst s25  }
0xa6: {  	s5 =	sshll.u32 s26, $0x1;
	_ =	strace $0x8000004C;
	[dreg:$0x1] =	wrdreg $0xFFFFFFFF  }
0xa7: {  	s28 =	simm.s32 $_size_execute0_lowered;
	s3 =	sadd.s32 s3, s5;
	[dreg:$0x0] =	wrdreg $0x0  }
0xa8: {  	s5 =	sshll.u32 s28, $0x1;
	[dreg:$0x2] =	wrdreg s3  }
0xa9: {  	[dreg:$0x3] =	wrdreg s5  }
0xaa: {  	[dreg:$0x4] =	wrdreg $0xC0  }
0xab: {  	_ =	task [dreg:s7], $0x5FFFF  }
0xac: {  	[dreg:$0x1] =	wrdreg $0xFFFFFFFF  }
0xad: {  	[dreg:$0x0] =	wrdreg $0x60  }
0xae: {  	[dreg:$0x2] =	wrdreg s2  }
0xaf: {  	[dreg:$0x3] =	wrdreg s24  }
0xb0: {  	[dreg:$0x4] =	wrdreg $0x15E100  }
0xb1: {  	[dreg:$0x5] =	wrdreg $0x9  }
0xb2: {  	_ =	task.clear_ibuf [dreg:s7], $0x6FFFF;
	_ =	strace $0x9000004C  }
0xb3: {  	s29 =	simm.s32 $0x9;
	_ =	strace $0x8000004E  }
0xb4: {  	_ =	swait.ge [sflag:s29], $0x1  }
0xb5: {  	[sflag:s29] =	ssyncadd.s32 $0xFFFFFFFF  }
0xb6: {  	_ =	strace $0x9000004E  }
0xb7: {  	_ =	sfence  }
0xb8: {  	s30 =	sld [smem:$0x0];
	_ =	sdelay $0x2  }
0xb9: {  	s31 =	sshll.u32 s1, $0xD;
	s1 =	sshrl.u32 s1, $0x2  }
0xba: {  	s3 =	sand.u32 $0x4000, s31;
	s1 =	sadd.s32 s1, s30  }
0xbb: {  	s0 =	sor.u32 s3, s0;
	s1 =	sshll.u32 s1, $0x11  }
0xbc: {  	s0 =	sor.u32 s1, s0  }
0xbd: {  	s0 =	sadd.s32 $0x8F2B, s0  }
0xbe: {  	[sflag:s0] =	ssyncadd.remote.s32 $0x1  }
0xbf: {  	_ =	sfence.sel $0xFFFF  }
0xc0: {  	[dreg:$0x0] =	wrdreg $0xFFFFFFFF;
	(pc) =	sbr.abs _section_cstart, $3  }
0xc1: {  	[dreg:$0x1] =	wrdreg $0xFFFFFFFF  }
0xc2: {  	_ =	task.clear_ibuf [dreg:s7], $0x2FFFF;
	_ =	strace $0x9FFFFFFF  }
0xc3: {  	(tm) =	ssettm $0x7FFFFFFF  }
tec
execute0_lowered:
.L_overlay_start_1:
0x0: {  	(tag) =	ssettag $0x1  }
0x1: {  	s0 =	rddreg [dreg:$0x0]  }
0x2: {  	s1 =	srdreg.scid;
	s4 =	rddreg [dreg:$0x1]  }
0x3: {  	s2 =	rddreg [dreg:$0x2];
	s5 =	stileid.u32;
	s3 =	simm.s32 $0x0  }
0x4: {  	s17 =	simm.s32 $0x3;
	s30 =	simm.s32 $0x4F00;
	s31 =	simm.s32 $0x9E00  }
0x5: {  	s20 =	simm.s32 $0x1;
	s21 =	simm.s32 $0x11E10;
	s22 =	simm.s32 $0x80  }
0x6: {  	s23 =	simm.s32 $0x9E10;
	s24 =	simm.s32 $0x2;
	s1 =	sand.u32 $0x1, s1  }
0x7: {  	[smem:$0x7FF] =	sst s3;
	s18 =	sadd.s32 $0x3400, s4;
	s10 =	smul.u32 $0x27000, s5  }
0x8: {  	s11 =	smul.u32 $0x138, s5;
	p0 =	sne.s32 s5, $0x0;
	s6 =	sshll.u32 s1, $0x4  }
0x9: {  	_ =	strace $0x8000004D;
	s8 =	ssub.s32 $0x2, s1;
	s28 =	smul.u32 $0x13E8, s1  }
0xa: {  	s1 =	smul.u32 $0x9F400, s1;
	s6 =	sor.u32 s5, s6;
	s9 =	sshrl.u32 s8, $0x1  }
0xb: {  	s26 =	sshrl.u32 s10, $0x2;
	s7 =	smul.u32 $0x9E0, s6;
	s6 =	sshll.u32 s6, $0x1  }
0xc: {  	s16 =	ssub.s32 s8, s9;
	s29 =	sadd.s32 s11, s28;
	s1 =	sshrl.u32 s1, $0x3  }
0xd: {  	s11 =	sadd.s32 $0x9C000, s2;
	s6 =	sadd.s32 s6, s4;
	s16 =	smax.u32 s16, $0x1  }
0xe: {  	s7 =	sadd.s32 s7, s4;
	s4 =	sadd.s32 $0x35600, s4;
	s8 =	sadd.s32 $0x35400, s6  }
.Ltmp0:
0xf: {  	s6 =	sshll.u32 s29, $0x4;
	[dreg:$0x5] =	wrdreg s16;
	(pc) =	sbr.rel .LBB2_1-.Ltmp0, $4  }
0x10: {  	s19 =	sadd.s32 $0xDC00, s7;
	s13 =	sadd.s32 $0x21800, s7;
	s7 =	sadd.s32 s26, s2  }
0x11: {  	s12 =	sadd.s32 s4, s6;
	s1 =	sadd.s32 s4, s1;
	s26 =	simm.s32 $0x0  }
0x12: {  	s9 =	sadd.s32 $0x4000, s7;
	s10 =	sadd.s32 $0x8000, s7;
	s14 =	sadd.s32 $0x800, s12  }
0x13: {  	s15 =	sadd.s32 $0x1000, s12;
	s25 =	sadd.s32 $0x13800, s1;
	[dreg:$0x4] =	wrdreg s12  }
.LBB2_4:
0x14: {  	_ = 	snop  }
.LBB2_9:
0x15: {  	[spmem:s2] =	stream.indirect.scatter.add.f32 @p1 [tilespmem:s6], [sflag:$0x2], $0x80, s4, s22, $0xb8;
	[tilespmem:$0x1FD50] =	vst v63  }
0x16: {  	p1 =	sge.s32 s18, s29;
	s29 =	sand.u32 $0x4000, s30;
	s18 =	smov.u32 s8  }
0x17: {  	s19 =	smov.u32 s13;
	s13 =	smov.u32 s14;
	s8 =	smov.u32 s15  }
0x18: {  	s14 =	smov.u32 s16;
	_ =	swait.ge [sflag:s24], $0x4000;
	s1 =	sxor.u32 @!p1 $0xFFFFFFFF, s30  }
0x19: {  	s15 =	smov.u32 s25;
	[sflag:s24] =	ssyncset.done $0x0;
	s1 =	sand.u32 @!p1 $0x4000, s1  }
0x1a: {  	s4 =	simm.s32 @!p1 $0x80;
	[sflag:s24] =	ssyncadd.s32 $0xFFFFC000;
	s1 =	sor.u32 @!p1 $0x9E10, s1  }
0x1b: {  	[tilespmem:s1], [sflag:$0x1] =	stream.indirect.gather @!p1 [hbm4b:s0+s4], $0x80, s31, s4, $0xb8;
	[tilespmem:$0x1FD50] =	vst v63  }
0x1c: {  	s25 =	smov.u32 s12;
	s30 =	simm.s32 $0x4F00;
	_ =	swait.ge [sflag:s20], $0x4000  }
0x1d: {  	s1 =	sor.u32 $0x9E10, s29;
	[sflag:s20] =	ssyncset.done $0x0;
	s12 =	rddreg [dreg:$0x4]  }
0x1e: {  	s31 =	simm.s32 $0x9E00;
	s16 =	rddreg [dreg:$0x5];
	[sflag:s20] =	ssyncadd.s32 $0xFFFFC000  }
0x1f: {  	[spmem:s2] =	stream.indirect.scatter.add.f32 [tilespmem:s1], [sflag:$0x2], $0x80, s5, s22, $0xb8;
	[tilespmem:$0x1FD50] =	vst v63  }
.LBB2_10:
0x20: {  	_ =	swait.ge [sflag:s24], $0x4000  }
0x21: {  	[sflag:s24] =	ssyncset.done $0x0  }
0x22: {  	[sflag:s24] =	ssyncadd.s32 $0xFFFFC000  }
.LBB2_11:
0x23: {  	[bflag:$0x0] =	sbarrier.arrive $0xFFFF  }
0x24: {  	[tilespmem:s23], [sflag:$0x3] =	stream.linear.gather [spmem:s7], $0x4000, $0x38;
	[tilespmem:$0x1FD50] =	vst v63  }
0x25: {  	_ =	swait.ge [sflag:s17], $0x4000  }
0x26: {  	[sflag:s17] =	ssyncset.done $0x0  }
0x27: {  	[sflag:s17] =	ssyncadd.s32 $0xFFFFC000  }
0x28: {  	[hbm4b:s12+s3] =	stream.linear.scatter [tilespmem:s23], [sflag:$0x1], $0x4000, $0x38;
	[tilespmem:$0x1FD50] =	vst v63  }
0x29: {  	s1 =	simm.s32 $0xDE10  }
0x2a: {  	[tilespmem:s1], [sflag:$0x3] =	stream.linear.gather [spmem:s9], $0x4000, $0x38;
	[tilespmem:$0x1FD50] =	vst v63  }
0x2b: {  	_ =	swait.ge [sflag:s17], $0x4000  }
0x2c: {  	[sflag:s17] =	ssyncset.done $0x0  }
0x2d: {  	[sflag:s17] =	ssyncadd.s32 $0xFFFFC000  }
0x2e: {  	[hbm4b:s14+s3] =	stream.linear.scatter [tilespmem:s1], [sflag:$0x1], $0x4000, $0x38;
	[tilespmem:$0x1FD50] =	vst v63  }
0x2f: {  	_ =	swait.ge [sflag:s20], $0x4000  }
0x30: {  	[sflag:s20] =	ssyncset.done $0x0  }
0x31: {  	[sflag:s20] =	ssyncadd.s32 $0xFFFFC000  }
0x32: {  	[tilespmem:s23], [sflag:$0x3] =	stream.linear.gather [spmem:s10], $0x1C00, $0x38;
	[tilespmem:$0x1FD50] =	vst v63  }
0x33: {  	_ =	swait.ge [sflag:s17], $0x1C00  }
0x34: {  	[sflag:s17] =	ssyncset.done $0x0  }
0x35: {  	[sflag:s17] =	ssyncadd.s32 $0xFFFFE400  }
0x36: {  	[hbm4b:s15+s3] =	stream.linear.scatter [tilespmem:s23], [sflag:$0x1], $0x1C00, $0x38;
	[tilespmem:$0x1FD50] =	vst v63  }
0x37: {  	_ =	swait.ge [sflag:s20], $0x4000  }
0x38: {  	[sflag:s20] =	ssyncset.done $0x0  }
0x39: {  	[sflag:s20] =	ssyncadd.s32 $0xFFFFC000  }
0x3a: {  	_ =	swait.ge [sflag:s20], $0x1C00  }
0x3b: {  	[sflag:s20] =	ssyncset.done $0x0  }
0x3c: {  	s1 =	simm.s32 @!p0 $0x9E10;
	[sflag:s20] =	ssyncadd.s32 $0xFFFFE400  }
0x3d: {  	[tilespmem:s1], [sflag:$0x3] =	stream.linear.gather @!p0 [spmem:s11], $0x3400, $0x38;
	[tilespmem:$0x1FD50] =	vst v63  }
0x3e: {  	s26 =	sadd.s32 $0x1, s26;
	_ =	swait.ge @!p0 [sflag:s28], $0x3400  }
0x3f: {  	p1 =	sne.s32 s26, s16;
	[sflag:s28] =	ssyncset.done @!p0 $0x0  }
.Ltmp1:
0x40: {  	s4 =	simm.s32 @!p0 $0x0;
	[sflag:s28] =	ssyncadd.s32 @!p0 $0xFFFFCC00;
	(pc) =	sbr.rel @!p1 .LBB2_12-.Ltmp1, $4  }
0x41: {  	[hbm4b:s25+s4] =	stream.linear.scatter @!p0 [tilespmem:s1], [sflag:$0x3], $0x3400, $0x38;
	[tilespmem:$0x1FD50] =	vst v63  }
0x42: {  	_ =	swait.ge @!p0 [sflag:s28], $0x3400  }
0x43: {  	[sflag:s28] =	ssyncset.done @!p0 $0x0  }
0x44: {  	[sflag:s28] =	ssyncadd.s32 @!p0 $0xFFFFCC00  }
.LBB2_1:
0x45: {  	[tilespmem:s3], [sflag:$0x3] =	stream.linear.gather [hbm4b:s19+s3], $0x4F00, $0x38;
	[tilespmem:$0x1FD50] =	vst v63  }
0x46: {  	_ =	swait.ge [sflag:s17], $0x4F00  }
0x47: {  	[sflag:s17] =	ssyncset.done $0x0  }
0x48: {  	[sflag:s17] =	ssyncadd.s32 $0xFFFFB100  }
0x49: {  	[tilespmem:s30], [sflag:$0x3] =	stream.linear.gather [hbm4b:s13+s3], $0x4F00, $0x38;
	[tilespmem:$0x1FD50] =	vst v63  }
0x4a: {  	_ =	swait.ge [sflag:s17], $0x4F00  }
0x4b: {  	[sflag:s17] =	ssyncset.done $0x0  }
0x4c: {  	[sflag:s17] =	ssyncadd.s32 $0xFFFFB100  }
0x4d: {  	[tilespmem:s31], [sflag:$0x3] =	stream.linear.gather [hbm4b:s8+s3], $0x10, $0x38;
	[tilespmem:$0x1FD50] =	vst v63  }
0x4e: {  	_ =	swait.ge [sflag:s17], $0x10  }
0x4f: {  	[sflag:s17] =	ssyncset.done $0x0  }
0x50: {  	[sflag:s17] =	ssyncadd.s32 $0xFFFFFFF0  }
0x51: {  	v0 =	vld [tilespmem:$0x9E00];
	_ =	sdelay $0x4  }
0x52: {  	v0 =	vxor.u32 $0x80000000, v0  }
0x53: {  	(xrf0) =	vmax.scan.msk.u32 $0xffff, v0;
	_ =	sdelay $0x5  }
0x54: {  	v0, _, _ =	vpop (xrf0)  }
0x55: {  	(v2sf) =	vpush v0, $0xF;
	_ =	sdelay $0xe  }
0x56: {  	s1 =	spop (v2sf)  }
0x57: {  	s1 =	sadd.s32 $0x8000007F, s1  }
0x58: {  	s4 =	sand.u32 $0x7F, s1  }
0x59: {  	s5 =	sshra.s32 s1, $0x1F;
	p1 =	slt.s32 s1, $0x1;
	p2 =	sne.s32 s4, $0x0  }
0x5a: {  	s6 =	sshrl.u32 s5, $0x19;
	p1 =	por !p1, !p2  }
0x5b: {  	s4 =	simm.s32 $0x1;
	s1 =	sadd.s32 s6, s1;
	p1 =	por !p1, !p1  }
0x5c: {  	s1 =	sshra.s32 s1, $0x7;
	s4 =	simm.s32 @!p1 $0x0  }
0x5d: {  	s29 =	ssub.s32 s1, s4  }
0x5e: {  	p2 =	slt.s32 s29, $0x1  }
0x5f: {  	s4 =	simm.s32 @!p2 $0x80;
	s5 =	simm.s32 @!p2 $0x0;
	s6 =	simm.s32 @!p2 $0x9E10  }
0x60: {  	[tilespmem:s6], [sflag:$0x1] =	stream.indirect.gather @!p2 [hbm4b:s0+s4], $0x80, s5, s4, $0xb8;
	[tilespmem:$0x1FD50] =	vst v63  }
0x61: {  	_ = 	snop  }
0x62: {  	[tilespmem:s21], [sflag:$0x3] =	stream.linear.gather [hbm4b:s18+s3], $0x4000, $0x38;
	[tilespmem:$0x1FD50] =	vst v63  }
0x63: {  	_ =	swait.ge [sflag:s17], $0x4000  }
0x64: {  	[sflag:s17] =	ssyncset.done $0x0  }
0x65: {  	[sflag:s17] =	ssyncadd.s32 $0xFFFFC000  }
0x66: {  	[spmem:s7] =	stream.linear.scatter [tilespmem:s21], [sflag:$0x3], $0x4000, $0x38;
	[tilespmem:$0x1FD50] =	vst v63  }
0x67: {  	_ =	swait.ge [sflag:s17], $0x4000  }
0x68: {  	[sflag:s17] =	ssyncset.done $0x0  }
0x69: {  	[sflag:s17] =	ssyncadd.s32 $0xFFFFC000  }
0x6a: {  	[spmem:s9] =	stream.linear.scatter [tilespmem:s21], [sflag:$0x3], $0x4000, $0x38;
	[tilespmem:$0x1FD50] =	vst v63  }
0x6b: {  	_ =	swait.ge [sflag:s17], $0x4000  }
0x6c: {  	[sflag:s17] =	ssyncset.done $0x0  }
0x6d: {  	[sflag:s17] =	ssyncadd.s32 $0xFFFFC000  }
0x6e: {  	[spmem:s10] =	stream.linear.scatter [tilespmem:s21], [sflag:$0x3], $0x1C00, $0x38;
	[tilespmem:$0x1FD50] =	vst v63  }
0x6f: {  	_ =	swait.ge [sflag:s17], $0x1C00  }
0x70: {  	[sflag:s17] =	ssyncset.done $0x0  }
0x71: {  	s28 =	simm.s32 @!p0 $0x3;
	s4 =	simm.s32 @!p0 $0x11E10;
	[sflag:s17] =	ssyncadd.s32 $0xFFFFE400  }
0x72: {  	[spmem:s11] =	stream.linear.scatter @!p0 [tilespmem:s4], [sflag:$0x3], $0x3400, $0x38;
	[tilespmem:$0x1FD50] =	vst v63  }
.Ltmp2:
0x73: {  	_ =	swait.ge @!p0 [sflag:s28], $0x3400;
	(pc) =	sbr.rel @p2 .LBB2_11-.Ltmp2, $3  }
0x74: {  	[sflag:s28] =	ssyncset.done @!p0 $0x0  }
0x75: {  	[sflag:s28] =	ssyncadd.s32 @!p0 $0xFFFFCC00  }
0x76: {  	[bflag:$0x0] =	sbarrier.arrive $0xFFFF;
	_ =	sdelay $0x1  }
0x77: {  	p2 =	seq.s32 s29, $0x1  }
0x78: {  	s4 =	simm.s32 @!p2 $0x80;
	s5 =	simm.s32 @!p2 $0xDE10  }
0x79: {  	[tilespmem:s5], [sflag:$0x1] =	stream.indirect.gather @!p2 [hbm4b:s0+s4], $0x80, s4, s4, $0xb8;
	[tilespmem:$0x1FD50] =	vst v63  }
.Ltmp3:
0x7a: {  	_ = 	snop;
	(pc) =	sbr.rel @p2 .LBB2_10-.Ltmp3, $4  }
0x7b: {  	_ =	swait.ge [sflag:s20], $0x4000  }
0x7c: {  	[sflag:s20] =	ssyncset.done $0x0  }
0x7d: {  	[sflag:s20] =	ssyncadd.s32 $0xFFFFC000  }
0x7e: {  	[spmem:s2] =	stream.indirect.scatter.add.f32 [tilespmem:s23], [sflag:$0x2], $0x80, s30, s22, $0xb8;
	[tilespmem:$0x1FD50] =	vst v63  }
0x7f: {  	s4 =	simm.s32 $0xFFFFFFFF  }
0x80: {  	s4 =	simm.s32 @!p1 $0x0  }
0x81: {  	s16 =	smov.u32 s14;
	s1 =	sadd.s32 s4, s1  }
0x82: {  	s14 =	smov.u32 s13;
	s13 =	smov.u32 s19;
	s19 =	sadd.s32 $0xFFFFFFFF, s1  }
0x83: {  	p2 =	sne.s32 s19, $0x1  }
.Ltmp4:
0x84: {  	_ = 	snop;
	(pc) =	sbr.rel @!p2 .LBB2_4-.Ltmp4, $4  }
0x85: {  	_ = 	snop  }
0x86: {  	s12 =	smov.u32 s25;
	s25 =	smov.u32 s15;
	s15 =	smov.u32 s8  }
0x87: {  	s8 =	smov.u32 s18;
	s5 =	simm.s32 $0x4F80;
	s30 =	simm.s32 $0x4000  }
0x88: {  	s31 =	simm.s32 $0x100;
	s18 =	simm.s32 $0x2;
	p1 =	por $0x0, $0x0  }
0x89: {  	p1 =	sle.s32 s29, $0x2;
	_ =	swait.ge [sflag:s24], $0x4000;
	s18 =	simm.s32 $0x3  }
0x8a: {  	p2 =	sne.s32 s19, $0x2;
	s6 =	sand.u32 $0x4000, s30;
	s1 =	sxor.u32 @!p1 $0xFFFFFFFF, s30  }
0x8b: {  	[sflag:s24] =	ssyncset.done $0x0;
	s4 =	simm.s32 @!p1 $0x80;
	s1 =	sand.u32 @!p1 $0x4000, s1  }
.Ltmp5:
0x8c: {  	[sflag:s24] =	ssyncadd.s32 $0xFFFFC000;
	s1 =	sor.u32 @!p1 $0x9E10, s1;
	(pc) =	sbr.rel @!p2 .LBB2_6-.Ltmp5, $4  }
0x8d: {  	[tilespmem:s1], [sflag:$0x1] =	stream.indirect.gather @!p1 [hbm4b:s0+s4], $0x80, s31, s4, $0xb8;
	[tilespmem:$0x1FD50] =	vst v63  }
0x8e: {  	s30 =	simm.s32 $0x8000;
	s6 =	sor.u32 $0x9E10, s6;
	_ =	swait.ge [sflag:s20], $0x4000  }
0x8f: {  	s4 =	simm.s32 $0x2;
	s31 =	simm.s32 $0x180;
	[sflag:s20] =	ssyncset.done $0x0  }
0x90: {  	s1 =	simm.s32 $0x5000;
	p1 =	por $0x1, $0x1;
	[sflag:s20] =	ssyncadd.s32 $0xFFFFC000  }
.LBB2_7:
0x91: {  	[spmem:s2] =	stream.indirect.scatter.add.f32 [tilespmem:s6], [sflag:$0x2], $0x80, s5, s22, $0xb8;
	[tilespmem:$0x1FD50] =	vst v63  }
0x92: {  	p3 =	sge.s32 s18, s29;
	s18 =	sadd.s32 $0x2, s4;
	s4 =	sadd.s32 $0x1, s4  }
0x93: {  	p2 =	sne.s32 s19, s4;
	s5 =	sxor.u32 @!p3 $0xFFFFFFFF, s30;
	_ =	swait.ge [sflag:s24], $0x4000  }
0x94: {  	s6 =	simm.s32 @!p3 $0x80;
	s5 =	sand.u32 @!p3 $0x4000, s5;
	[sflag:s24] =	ssyncset.done $0x0  }
.Ltmp6:
0x95: {  	s5 =	sor.u32 @!p3 $0x9E10, s5;
	[sflag:s24] =	ssyncadd.s32 $0xFFFFC000;
	(pc) =	sbr.rel @p2 .LBB2_7-.Ltmp6, $4  }
0x96: {  	[tilespmem:s5], [sflag:$0x1] =	stream.indirect.gather @!p3 [hbm4b:s0+s6], $0x80, s31, s6, $0xb8;
	[tilespmem:$0x1FD50] =	vst v63  }
0x97: {  	s31 =	sadd.s32 $0x80, s31;
	s5 =	smov.u32 s1;
	_ =	swait.ge [sflag:s20], $0x4000  }
0x98: {  	s6 =	sand.u32 $0x4000, s30;
	s30 =	sadd.s32 $0x4000, s30;
	[sflag:s20] =	ssyncset.done $0x0  }
0x99: {  	s1 =	sadd.s32 $0x80, s1;
	s6 =	sor.u32 $0x9E10, s6;
	[sflag:s20] =	ssyncadd.s32 $0xFFFFC000  }
.Ltmp7:
0x9a: {  	(pc) =	sbr.rel .LBB2_9-.Ltmp7, $2  }
0x9b: {  	_ =	sdelay $0x2  }
0x9c: {  	s4 =	smov.u32 s5;
	s5 =	smov.u32 s1  }
.LBB2_6:
.Ltmp8:
0x9d: {  	(pc) =	sbr.rel .LBB2_9-.Ltmp8, $2  }
0x9e: {  	_ =	sdelay $0x2  }
0x9f: {  	s4 =	simm.s32 $0x4F80;
	s5 =	simm.s32 $0x5000  }
.LBB2_12:
0xa0: {  	_ =	sfence.sel $0x180000  }
0xa1: {  	[bflag:$0x0] =	sbarrier.arrive $0xFFFF  }
0xa2: {  	_ =	strace $0x9000004D  }
0xa3: {  	[bflag:$0x2] =	sbarrier.arrive $0xFFFF  }
0xa4: {  	s0 =	rddreg [dreg:$0x3]  }
0xa5: {  	s0 =	sadd.s32 @!p0 $0x100000, s0  }
0xa6: {  	[sflag:s0] =	ssyncadd.tile.s32 @!p0 $0x1;
	_ =	shalt  }
.Lfunc_end2:
_tile_overlayer_lowered:
.L_overlay_start_2:
0xa7: {  	(tag) =	ssettag $0x2  }
0xa8: {  	s0 =	rddreg [dreg:$0x0];
	s2 =	stileid.u32  }
0xa9: {  	s1 =	rddreg [dreg:$0x1];
	p0 =	sne.s32 s2, $0x0  }
0xaa: {  	s3 =	rddreg [dreg:$0x2];
	[bflag:$0x3] =	sbarrier.arrive $0xFFFF;
	s2 =	simm.s32 @!p0 $0x1C03  }
0xab: {  	[timem:s3], [sflag:s2] =	dma.local @!p0 [hbm:s0], s1  }
0xac: {  	s0 =	simm.s32 @!p0 $0x3  }
0xad: {  	_ =	swait.ge @!p0 [sflag:s0], s1  }
0xae: {  	s1 =	ssub.s32 @!p0 $0x0, s1;
	[sflag:s0] =	ssyncset.done @!p0 $0x0  }
0xaf: {  	[sflag:s0] =	ssyncadd.s32 @!p0 s1  }
0xb0: {  	[bflag:$0x3] =	sbarrier.arrive $0xFFFF  }
0xb1: {  	_ =	shalt  }

// kernel: kernel.9.cloned.1.call-start
scs
__scs_entry_jumppad:
0x0: {  	(pc) =	sbr.rel $0x88, $3  }
0x1: {  	(tag) =	ssettag $0x0;
	lr =	simm.s32 $0x1  }
0x2: {  	[smem:$0x3F9B] =	sst lr;
	_ =	strace $0xD0000000  }
0x3: {  	_ = 	snop  }
0x4: {  	_ = 	snop  }
0x5: {  	_ = 	snop  }
0x6: {  	_ = 	snop  }
0x7: {  	_ = 	snop  }
__scs_overlays_trampoline_lowered:
0x8: {  	[smem:$0x3FAA] =	sst s0  }
0x9: {  	[smem:$0x3FAB] =	sst s1  }
0xa: {  	[smem:$0x3FAC] =	sst s2  }
0xb: {  	[smem:$0x3FAD] =	sst s3  }
0xc: {  	[smem:$0x3FAE] =	sst s4  }
0xd: {  	[smem:$0x3FAF] =	sst s5  }
0xe: {  	[smem:$0x3FB0] =	sst s6  }
0xf: {  	[smem:$0x3FB1] =	sst s7  }
0x10: {  	[smem:$0x3FB2] =	sst s8  }
0x11: {  	[smem:$0x3FB3] =	sst s9;
	s0 =	simm.s32 @!p0 $0x0  }
0x12: {  	s1 =	sld [smem:$0x3F99];
	s0 =	simm.s32 @p0 $0x1  }
0x13: {  	[smem:$0x3FB4] =	sst s0;
	s0 =	simm.s32 @!p1 $0x0  }
0x14: {  	s2 =	sld [smem:$0x3F98];
	s0 =	simm.s32 @p1 $0x1  }
0x15: {  	[smem:$0x3FB5] =	sst s0;
	s0 =	simm.s32 @!p2 $0x0  }
0x16: {  	s3 =	sld [smem:$0x3FDB];
	s0 =	simm.s32 @p2 $0x1  }
0x17: {  	s4 =	simm.s32 $0x1BF5;
	[smem:$0x3FB7] =	sst s0  }
0x18: {  	s0 =	sld [smem:$0x3F9A];
	_ =	swait.ge [sflag:s4], $0x0  }
0x19: {  	s7 =	sld [smem:$0x3F9B]  }
0x1a: {  	s8 =	sadd.s32 $0xFFFFE003, lr  }
0x1b: {  	s9 =	sadd.s32 $0xFFFFFEF7, lr;
	s5 =	simm.s32 $0xFFFFFFFF;
	p2 =	slt.u32 s8, $0xFFFFF086  }
0x1c: {  	p1 =	slt.u32 s9, $0xF7A;
	s5 =	simm.s32 @!p2 $0x0  }
0x1d: {  	s5 =	simm.s32 @p1 $0x1;
	p0 =	seq.s32 s7, s2  }
0x1e: {  	s7 =	smul.u32 @!p0 $0xF7A, s2;
	p2 =	seq.s32 @!p0 s5, $0x0  }
0x1f: {  	s9 =	smul.u32 $0xF7A, s1;
	s8 =	simm.s32 @!p0 $0x1BF5;
	p2 =	por !p2, p0  }
0x20: {  	[sflag:s8] =	ssyncset.s32 @!p0 $0xFFFFF086;
	s6 =	sadd.s32 @!p0 s3, s7;
	s7 =	simm.s32 @!p0 $0x108  }
0x21: {  	s3 =	sadd.s32 s3, s9;
	s6 =	sadd.s32 @!p0 $0x88, s6;
	s7 =	simm.s32 @p2 $0x1082  }
0x22: {  	[simem:s7], [sflag:s8] =	dma.local @!p0 [hbm:s6], $0xF7A  }
0x23: {  	s9 =	sor.u32 $0xD0000000, s2;
	s6 =	simm.s32 $0x108;
	_ =	swait.ge @!p0 [sflag:s8], $0x0  }
0x24: {  	s3 =	sadd.s32 $0x88, s3;
	s6 =	simm.s32 @!p1 $0x1082;
	[sflag:s4] =	ssyncset.s32 $0xFFFFF086  }
0x25: {  	[simem:s6], [sflag:s4] =	dma.local [hbm:s3], $0xF7A  }
0x26: {  	[smem:$0x3F9B] =	sst s1;
	(tag) =	ssettag s2;
	_ =	strace s9  }
0x27: {  	s1 =	sld [smem:$0x3FAB]  }
0x28: {  	s2 =	sld [smem:$0x3FAC]  }
0x29: {  	s4 =	sld [smem:$0x3FAE]  }
0x2a: {  	p0 =	seq.s32 s5, $0x0;
	s5 =	sld [smem:$0x3FAF]  }
0x2b: {  	s6 =	sld [smem:$0x3FB0]  }
0x2c: {  	s7 =	sld [smem:$0x3FB1]  }
0x2d: {  	s3 =	simm.s32 $0x108;
	s8 =	sld [smem:$0x3FB2]  }
0x2e: {  	s3 =	simm.s32 @!p0 $0x1082;
	s9 =	sld [smem:$0x3FB3]  }
0x2f: {  	lr =	sadd.s32 s0, s3;
	s0 =	sld [smem:$0x3FAA]  }
0x30: {  	s3 =	sld [smem:$0x3FAD]  }
0x31: {  	[smem:$0x3FB6] =	sst s10  }
0x32: {  	s10 =	sld [smem:$0x3FB4];
	_ =	sdelay $0x3  }
0x33: {  	p0 =	seq.s32 s10, $0x1;
	s10 =	sld [smem:$0x3FB6];
	_ =	sdelay $0x3  }
0x34: {  	[smem:$0x3FB6] =	sst s10  }
0x35: {  	s10 =	sld [smem:$0x3FB5];
	_ =	sdelay $0x3  }
0x36: {  	p1 =	seq.s32 s10, $0x1;
	s10 =	sld [smem:$0x3FB6];
	_ =	sdelay $0x3  }
0x37: {  	[smem:$0x3FB6] =	sst s10  }
0x38: {  	s10 =	sld [smem:$0x3FB7]  }
0x39: {  	_ = 	snop;
	(pc) =	sbr.ind lr, $3  }
0x3a: {  	_ = 	snop  }
0x3b: {  	_ = 	snop  }
0x3c: {  	p2 =	seq.s32 s10, $0x1;
	s10 =	sld [smem:$0x3FB6]  }
0x3d: {  	_ =	shalt  }
0x3e: {  	_ =	shalt  }
0x3f: {  	_ =	shalt  }
0x40: {  	_ =	shalt  }
0x41: {  	_ =	shalt  }
0x42: {  	_ =	shalt  }
0x43: {  	_ =	shalt  }
0x44: {  	_ =	shalt  }
0x45: {  	_ =	shalt  }
0x46: {  	_ =	shalt  }
0x47: {  	_ =	shalt  }
0x48: {  	_ =	shalt  }
0x49: {  	_ =	shalt  }
0x4a: {  	_ =	shalt  }
0x4b: {  	_ =	shalt  }
0x4c: {  	_ =	shalt  }
0x4d: {  	_ =	shalt  }
0x4e: {  	_ =	shalt  }
0x4f: {  	_ =	shalt  }
0x50: {  	_ =	shalt  }
0x51: {  	_ =	shalt  }
0x52: {  	_ =	shalt  }
0x53: {  	_ =	shalt  }
0x54: {  	_ =	shalt  }
0x55: {  	_ =	shalt  }
0x56: {  	_ =	shalt  }
0x57: {  	_ =	shalt  }
0x58: {  	_ =	shalt  }
0x59: {  	_ =	shalt  }
0x5a: {  	_ =	shalt  }
0x5b: {  	_ =	shalt  }
0x5c: {  	_ =	shalt  }
0x5d: {  	_ =	shalt  }
0x5e: {  	_ =	shalt  }
0x5f: {  	_ =	shalt  }
0x60: {  	_ =	shalt  }
0x61: {  	_ =	shalt  }
0x62: {  	_ =	shalt  }
0x63: {  	_ =	shalt  }
0x64: {  	_ =	shalt  }
0x65: {  	_ =	shalt  }
0x66: {  	_ =	shalt  }
0x67: {  	_ =	shalt  }
0x68: {  	_ =	shalt  }
0x69: {  	_ =	shalt  }
0x6a: {  	_ =	shalt  }
0x6b: {  	_ =	shalt  }
0x6c: {  	_ =	shalt  }
0x6d: {  	_ =	shalt  }
0x6e: {  	_ =	shalt  }
0x6f: {  	_ =	shalt  }
0x70: {  	_ =	shalt  }
0x71: {  	_ =	shalt  }
0x72: {  	_ =	shalt  }
0x73: {  	_ =	shalt  }
0x74: {  	_ =	shalt  }
0x75: {  	_ =	shalt  }
0x76: {  	_ =	shalt  }
0x77: {  	_ =	shalt  }
0x78: {  	_ =	shalt  }
0x79: {  	_ =	shalt  }
0x7a: {  	_ =	shalt  }
0x7b: {  	_ =	shalt  }
0x7c: {  	_ =	shalt  }
0x7d: {  	_ =	shalt  }
0x7e: {  	_ =	shalt  }
0x7f: {  	_ =	shalt  }
0x80: {  	_ =	shalt  }
0x81: {  	_ =	shalt  }
0x82: {  	_ =	shalt  }
0x83: {  	_ =	shalt  }
0x84: {  	_ =	shalt  }
0x85: {  	_ =	shalt  }
0x86: {  	_ =	shalt  }
0x87: {  	_ =	shalt  }
.Lfunc_end0:
.L_simem_size_0:
called_computation_lowered:
.L_overlay_start_0:
0x88: {  	s2 =	sld [smem:$0x3FD9]  }
0x89: {  	s3 =	sld [smem:$0x3FFE];
	_ =	sdelay $0x1  }
0x8a: {  	s1 =	srdreg.scid  }
0x8b: {  	s0 =	sand.u32 $0x1, s1  }
0x8c: {  	s17 =	sshll.u32 s0, $0xA;
	s2 =	sadd.s32 s3, s2  }
0x8d: {  	s2 =	sadd.s32 s2, s17  }
0x8e: {  	[smem:$0x3FC2] =	sst s2  }
0x8f: {  	_ = 	snop  }
0x90: {  	s2 =	sld [smem:$0x3FD0];
	(tm) =	ssettm $0x1  }
0x91: {  	s18 =	sld [smem:$0x3FFB];
	_ =	sdelay $0x3  }
0x92: {  	_ =	strace s18  }
0x93: {  	s3 =	sld [smem:$0x3FFC];
	_ =	sdelay $0x3  }
0x94: {  	_ =	strace s3  }
0x95: {  	s3 =	sld [smem:$0x3FFD];
	_ =	sdelay $0x3  }
0x96: {  	_ =	strace s3  }
0x97: {  	_ =	strace $0x8FFFFFFF  }
0x98: {  	s19 =	sld [smem:$0x3FDB];
	_ =	sdelay $0x1  }
0x99: {  	s4 =	simm.s32 $_scs_section_size  }
0x9a: {  	s5 =	simm.s32 $_size__tile_overlayer_lowered;
	s6 =	simm.s32 $_tile_overlayer_lowered  }
0x9b: {  	s22 =	simm.s32 $0x1BFF;
	s21 =	sshll.u32 s6, $0x1;
	s3 =	sadd.s32 s4, s19  }
0x9c: {  	s7 =	simm.s32 $0x0;
	s20 =	sshll.u32 s5, $0x1;
	s5 =	sadd.s32 s21, s3  }
0x9d: {  	[timem:s7], [sflag:s22] =	dma.local [hbm:s5], s20  }
0x9e: {  	_ =	swait.ge [sflag:s22], s20  }
0x9f: {  	s4 =	ssub.s32 $0x0, s20;
	[sflag:s22] =	ssyncset.done $0x0  }
0xa0: {  	[sflag:s22] =	ssyncadd.s32 s4;
	_ =	sdelay $0x1  }
0xa1: {  	s23 =	simm.s32 $0x1B8B  }
0xa2: {  	_ =	swait.ge [sflag:s23], $0x1  }
0xa3: {  	[sflag:s23] =	ssyncset.done $0x0  }
0xa4: {  	s25 =	simm.s32 $0x1B8E;
	s24 =	sld [smem:$0x3FFE];
	[sflag:s23] =	ssyncadd.s32 $0xFFFFFFFF  }
0xa5: {  	s26 =	simm.s32 $execute0_lowered;
	[smem:$0x3FD2] =	sst s25  }
0xa6: {  	s5 =	sshll.u32 s26, $0x1;
	_ =	strace $0x80000046;
	[dreg:$0x1] =	wrdreg $0xFFFFFFFF  }
0xa7: {  	s28 =	simm.s32 $_size_execute0_lowered;
	s3 =	sadd.s32 s3, s5;
	[dreg:$0x0] =	wrdreg $0x0  }
0xa8: {  	s5 =	sshll.u32 s28, $0x1;
	[dreg:$0x2] =	wrdreg s3  }
0xa9: {  	[dreg:$0x3] =	wrdreg s5  }
0xaa: {  	[dreg:$0x4] =	wrdreg $0xC0  }
0xab: {  	_ =	task [dreg:s7], $0x5FFFF  }
0xac: {  	[dreg:$0x1] =	wrdreg $0xFFFFFFFF  }
0xad: {  	[dreg:$0x0] =	wrdreg $0x60  }
0xae: {  	[dreg:$0x2] =	wrdreg s2  }
0xaf: {  	[dreg:$0x3] =	wrdreg s24  }
0xb0: {  	[dreg:$0x4] =	wrdreg $0x13E300  }
0xb1: {  	[dreg:$0x5] =	wrdreg $0x9  }
0xb2: {  	_ =	task.clear_ibuf [dreg:s7], $0x6FFFF;
	_ =	strace $0x90000046  }
0xb3: {  	s29 =	simm.s32 $0x9;
	_ =	strace $0x80000048  }
0xb4: {  	_ =	swait.ge [sflag:s29], $0x1  }
0xb5: {  	[sflag:s29] =	ssyncadd.s32 $0xFFFFFFFF  }
0xb6: {  	_ =	strace $0x90000048  }
0xb7: {  	_ =	sfence  }
0xb8: {  	s30 =	sld [smem:$0x0];
	_ =	sdelay $0x2  }
0xb9: {  	s31 =	sshll.u32 s1, $0xD;
	s1 =	sshrl.u32 s1, $0x2  }
0xba: {  	s3 =	sand.u32 $0x4000, s31;
	s1 =	sadd.s32 s1, s30  }
0xbb: {  	s0 =	sor.u32 s3, s0;
	s1 =	sshll.u32 s1, $0x11  }
0xbc: {  	s0 =	sor.u32 s1, s0  }
0xbd: {  	s0 =	sadd.s32 $0x8F2B, s0  }
0xbe: {  	[sflag:s0] =	ssyncadd.remote.s32 $0x1  }
0xbf: {  	_ =	sfence.sel $0xFFFF  }
0xc0: {  	[dreg:$0x0] =	wrdreg $0xFFFFFFFF;
	(pc) =	sbr.abs _section_cstart, $3  }
0xc1: {  	[dreg:$0x1] =	wrdreg $0xFFFFFFFF  }
0xc2: {  	_ =	task.clear_ibuf [dreg:s7], $0x2FFFF;
	_ =	strace $0x9FFFFFFF  }
0xc3: {  	(tm) =	ssettm $0x7FFFFFFF  }
tec
execute0_lowered:
.L_overlay_start_1:
0x0: {  	(tag) =	ssettag $0x1  }
0x1: {  	s5 =	rddreg [dreg:$0x0]  }
0x2: {  	s6 =	rddreg [dreg:$0x1]  }
0x3: {  	s1 =	rddreg [dreg:$0x2];
	s2 =	srdreg.scid  }
0x4: {  	s0 =	rddreg [dreg:$0x3];
	s15 =	stileid.u32;
	s19 =	simm.s32 $0xED00  }
0x5: {  	s20 =	simm.s32 $0x9E00;
	s22 =	simm.s32 $0x13E20;
	s23 =	simm.s32 $0x0  }
0x6: {  	s9 =	sand.u32 $0x1, s2;
	s2 =	simm.s32 $0x0;
	s7 =	smul.u32 $0x9E0, s15  }
0x7: {  	s4 =	sadd.s32 $0xD200, s6;
	s13 =	sadd.s32 $0xD600, s6;
	s16 =	smul.u32 $0x138, s15  }
0x8: {  	p0 =	sne.s32 s15, $0x0;
	s3 =	sshll.u32 s9, $0x4;
	s31 =	smul.u32 $0x13E8, s9  }
0x9: {  	[smem:$0x7FF] =	sst s2;
	s12 =	ssub.s32 $0x2, s9;
	s21 =	smul.u32 $0xFFFFEC78, s9  }
0xa: {  	s8 =	sor.u32 s15, s3;
	_ =	strace $0x80000047;
	s10 =	sadd.s32 s7, s6  }
0xb: {  	s3 =	sadd.s32 $0xD400, s6;
	s30 =	sshrl.u32 s12, $0x1;
	s5 =	sadd.s32 s5, s7  }
0xc: {  	s7 =	sadd.s32 s16, s1;
	s15 =	simm.s32 $0x1;
	s11 =	smul.u32 $0x9E0, s8  }
0xd: {  	s8 =	sshll.u32 s8, $0x1;
	s17 =	ssub.s32 s12, s30;
	s16 =	sadd.s32 s16, s31  }
0xe: {  	s18 =	sshrl.u32 s31, $0x3;
	v0 =	vmov s21;
	s21 =	simm.s32 $0x80;
	s14 =	sadd.s32 s8, s6  }
.Ltmp0:
0xf: {  	s8 =	sadd.s32 $0x1380, s1;
	s16 =	sshrl.u32 s16, $0x3;
	(pc) =	sbr.rel .LBB2_1-.Ltmp0, $4  }
0x10: {  	s11 =	sadd.s32 s11, s6;
	s6 =	sadd.s32 $0x3400, s10;
	s12 =	sadd.s32 s13, s16  }
0x11: {  	s13 =	sadd.s32 s13, s18;
	s16 =	simm.s32 $0x4F00;
	s18 =	simm.s32 $0x13C80  }
0x12: {  	s9 =	sadd.s32 $0xDC00, s11;
	s10 =	sadd.s32 $0x21800, s11;
	s11 =	sadd.s32 $0x35400, s14  }
0x13: {  	v1 =	vimm.s32 $0x0;
	v2 =	vimm.s32 $0x1388;
	s13 =	sadd.s32 $0x270, s13;
	s14 =	smax.u32 s17, $0x1;
	s17 =	simm.s32 $0x13C00  }
.LBB2_8:
0x14: {  	[sflag:s15] =	ssyncadd.s32 $0xFFFFFF80  }
.LBB2_9:
0x15: {  	[hbm4b:s9+s2] =	stream.linear.scatter [tilespmem:s20], [sflag:$0x1], $0x4F00, $0x38;
	[tilespmem:$0x13F70] =	vst v63  }
0x16: {  	_ =	swait.ge [sflag:s15], $0x4F00  }
0x17: {  	[sflag:s15] =	ssyncset.done $0x0  }
0x18: {  	[sflag:s15] =	ssyncadd.s32 $0xFFFFB100  }
0x19: {  	[hbm4b:s10+s2] =	stream.linear.scatter [tilespmem:s19], [sflag:$0x1], $0x4F00, $0x38;
	[tilespmem:$0x13F70] =	vst v63  }
0x1a: {  	_ =	swait.ge [sflag:s15], $0x4F00  }
0x1b: {  	[sflag:s15] =	ssyncset.done $0x0  }
0x1c: {  	v3 =	vmov s24;
	[sflag:s15] =	ssyncadd.s32 $0xFFFFB100  }
0x1d: {  	[tilespmem:$0x13E20] =	vst v3  }
0x1e: {  	[hbm4b:s11+s2] =	stream.linear.scatter [tilespmem:s22], [sflag:$0x1], $0x10, $0x38;
	[tilespmem:$0x13F70] =	vst v63  }
0x1f: {  	_ =	swait.ge [sflag:s15], $0x10  }
0x20: {  	[sflag:s15] =	ssyncset.done $0x0  }
0x21: {  	[sflag:s15] =	ssyncadd.s32 $0xFFFFFFF0  }
0x22: {  	[bflag:$0x0] =	sbarrier.arrive $0xFFFF  }
0x23: {  	[tilespmem:s18], [sflag:$0x1] =	stream.linear.gather [spmem:s7], $0x138, $0x38;
	[tilespmem:$0x13F70] =	vst v63  }
0x24: {  	_ =	swait.ge [sflag:s15], $0x138  }
0x25: {  	[sflag:s15] =	ssyncset.done $0x0  }
0x26: {  	[sflag:s15] =	ssyncadd.s32 $0xFFFFFEC8  }
0x27: {  	[hbm4b:s12+s2] =	stream.linear.scatter [tilespmem:s18], [sflag:$0x1], $0x138, $0x38;
	[tilespmem:$0x13F70] =	vst v63  }
0x28: {  	_ =	swait.ge [sflag:s15], $0x138  }
0x29: {  	[sflag:s15] =	ssyncset.done $0x0  }
0x2a: {  	s24 =	simm.s32 @!p0 $0x13C80;
	s25 =	simm.s32 @!p0 $0x1;
	[sflag:s15] =	ssyncadd.s32 $0xFFFFFEC8  }
0x2b: {  	[tilespmem:s24], [sflag:$0x1] =	stream.linear.gather @!p0 [spmem:s8], $0x68, $0x38;
	[tilespmem:$0x13F70] =	vst v63  }
0x2c: {  	s23 =	sadd.s32 $0x1, s23;
	_ =	swait.ge @!p0 [sflag:s25], $0x68  }
0x2d: {  	p1 =	sne.s32 s23, s14;
	[sflag:s25] =	ssyncset.done @!p0 $0x0  }
.Ltmp1:
0x2e: {  	s26 =	simm.s32 @!p0 $0x0;
	[sflag:s25] =	ssyncadd.s32 @!p0 $0xFFFFFF98;
	(pc) =	sbr.rel @!p1 .LBB2_10-.Ltmp1, $4  }
0x2f: {  	[hbm4b:s13+s26] =	stream.linear.scatter @!p0 [tilespmem:s24], [sflag:$0x1], $0x68, $0x38;
	[tilespmem:$0x13F70] =	vst v63  }
0x30: {  	_ =	swait.ge @!p0 [sflag:s25], $0x68  }
0x31: {  	[sflag:s25] =	ssyncset.done @!p0 $0x0  }
0x32: {  	[sflag:s25] =	ssyncadd.s32 @!p0 $0xFFFFFF98  }
.LBB2_1:
0x33: {  	[tilespmem:s2], [sflag:$0x1] =	stream.linear.gather [hbm4b:s5+s2], $0x4F00, $0x38;
	[tilespmem:$0x13F70] =	vst v63  }
0x34: {  	_ =	swait.ge [sflag:s15], $0x4F00  }
0x35: {  	[sflag:s15] =	ssyncset.done $0x0  }
0x36: {  	[sflag:s15] =	ssyncadd.s32 $0xFFFFB100  }
0x37: {  	[tilespmem:s16], [sflag:$0x1] =	stream.linear.gather [hbm4b:s6+s2], $0x4F00, $0x38;
	[tilespmem:$0x13F70] =	vst v63  }
0x38: {  	_ =	swait.ge [sflag:s15], $0x4F00  }
0x39: {  	[sflag:s15] =	ssyncset.done $0x0  }
0x3a: {  	[sflag:s15] =	ssyncadd.s32 $0xFFFFB100  }
0x3b: {  	[tilespmem:s17], [sflag:$0x1] =	stream.linear.gather [hbm4b:s4+s2], $0x80, $0x38;
	[tilespmem:$0x13F70] =	vst v63  }
0x3c: {  	_ =	swait.ge [sflag:s15], $0x80  }
0x3d: {  	[sflag:s15] =	ssyncset.done $0x0  }
0x3e: {  	[sflag:s15] =	ssyncadd.s32 $0xFFFFFF80  }
0x3f: {  	[tilespmem:s18], [sflag:$0x1] =	stream.linear.gather [hbm4b:s3+s2], $0x1A0, $0x38;
	[tilespmem:$0x13F70] =	vst v63  }
0x40: {  	_ =	swait.ge [sflag:s15], $0x1A0  }
0x41: {  	[sflag:s15] =	ssyncset.done $0x0  }
0x42: {  	[sflag:s15] =	ssyncadd.s32 $0xFFFFFE60  }
0x43: {  	[spmem:s7] =	stream.linear.scatter [tilespmem:s18], [sflag:$0x1], $0x138, $0x38;
	[tilespmem:$0x13F70] =	vst v63  }
0x44: {  	_ =	swait.ge [sflag:s15], $0x138  }
0x45: {  	[sflag:s15] =	ssyncset.done $0x0  }
0x46: {  	s24 =	simm.s32 @!p0 $0x13C80;
	[sflag:s15] =	ssyncadd.s32 $0xFFFFFEC8  }
0x47: {  	[spmem:s8] =	stream.linear.scatter @!p0 [tilespmem:s24], [sflag:$0x1], $0x68, $0x38;
	[tilespmem:$0x13F70] =	vst v63  }
0x48: {  	s24 =	simm.s32 @!p0 $0x1  }
0x49: {  	_ =	swait.ge @!p0 [sflag:s24], $0x68  }
0x4a: {  	[sflag:s24] =	ssyncset.done @!p0 $0x0  }
0x4b: {  	s25 =	simm.s32 $0x200;
	[sflag:s24] =	ssyncadd.s32 @!p0 $0xFFFFFF98;
	s24 =	simm.s32 $0x0  }
.LBB2_2:
0x4c: {  	p1 =	sne.s32 s25, $0x13A00;
	[tilespmem:s24+$0xED70] =	vst v2  }
0x4d: {  	[tilespmem:s24+$0x9E00] =	vst v1  }
0x4e: {  	[tilespmem:s24+$0xED00] =	vst v2  }
0x4f: {  	[tilespmem:s24+$0x9E10] =	vst v1  }
0x50: {  	[tilespmem:s24+$0xED10] =	vst v2  }
0x51: {  	[tilespmem:s24+$0x9E20] =	vst v1  }
0x52: {  	[tilespmem:s24+$0xED20] =	vst v2  }
0x53: {  	[tilespmem:s24+$0x9E30] =	vst v1  }
0x54: {  	[tilespmem:s24+$0xED30] =	vst v2  }
0x55: {  	[tilespmem:s24+$0x9E40] =	vst v1  }
0x56: {  	[tilespmem:s24+$0xED40] =	vst v2  }
.Ltmp2:
0x57: {  	[tilespmem:s24+$0x9E50] =	vst v1;
	(pc) =	sbr.rel @p1 .LBB2_2-.Ltmp2, $4  }
0x58: {  	[tilespmem:s24+$0xED50] =	vst v2  }
0x59: {  	[tilespmem:s24+$0x9E60] =	vst v1  }
0x5a: {  	[tilespmem:s24+$0xED60] =	vst v2  }
0x5b: {  	[tilespmem:s24+$0x9E70] =	vst v1;
	s24 =	sshra.s32 s25, $0x2;
	s25 =	sadd.s32 $0x200, s25  }
0x5c: {  	[tilespmem:s24+$0xED70] =	vst v2  }
0x5d: {  	[tilespmem:s24+$0x9E00] =	vst v1  }
0x5e: {  	[tilespmem:s24+$0xED00] =	vst v2  }
0x5f: {  	[tilespmem:s24+$0x9E10] =	vst v1  }
0x60: {  	[tilespmem:s24+$0xED10] =	vst v2  }
0x61: {  	[tilespmem:s24+$0x9E20] =	vst v1  }
0x62: {  	[tilespmem:s24+$0xED20] =	vst v2  }
0x63: {  	[tilespmem:s24+$0x9E30] =	vst v1  }
0x64: {  	[tilespmem:s24+$0xED30] =	vst v2  }
0x65: {  	[tilespmem:s24+$0x9E40] =	vst v1  }
0x66: {  	[tilespmem:s24+$0xED40] =	vst v2  }
0x67: {  	[tilespmem:s24+$0x9E50] =	vst v1  }
0x68: {  	[tilespmem:s24+$0xED50] =	vst v2  }
0x69: {  	[tilespmem:s24+$0x9E60] =	vst v1  }
0x6a: {  	[tilespmem:s24+$0xED60] =	vst v2  }
0x6b: {  	[tilespmem:s24+$0x9E70] =	vst v1;
	s31 =	simm.s32 $0x0  }
0x6c: {  	v3 =	vld [tilespmem:s31+$0x4F00];
	_ =	sdelay $0x4  }
0x6d: {  	v3 =	vadd.s32 v0, v3  }
0x6e: {  	vm0 =	vlt.u32 v3, $0x1388  }
0x6f: {  	v4 =	vsel vm0, $0x1, v1  }
0x70: {  	(xrf0) =	vadd.scan.msk.s32 $0xffff, v4;
	_ =	sdelay $0x5  }
0x71: {  	s25 =	simm.s32 $0xFFFFFFFF;
	v4, _, _ =	vpop (xrf0)  }
0x72: {  	v5 =	vadd.s32 s25, v4;
	(v2sf) =	vpush v4, $0xF  }
0x73: {  	v6 =	vld [tilespmem:s31+$0x0];
	_ =	sdelay $0x3  }
0x74: {  	[tilespmem:v5+s19+$0x0] =	vst.idx.msk vm0, v3  }
0x75: {  	s24 =	simm.s32 $0x0;
	s26 =	simm.s32 $0x80;
	s25 =	simm.s32 $0x10;
	[tilespmem:v5+s20+$0x0] =	vst.idx.msk vm0, v6  }
.LBB2_4:
0x76: {  	p1 =	sne.s32 s26, $0x13BC0;
	v3 =	vld [tilespmem:s25+$0x4F00];
	_ =	sdelay $0x4  }
0x77: {  	v3 =	vadd.s32 v0, v3  }
0x78: {  	vm0 =	vlt.u32 v3, $0x1388  }
0x79: {  	v4 =	vsel vm0, $0x1, v1  }
0x7a: {  	(xrf0) =	vadd.scan.msk.s32 $0xffff, v4;
	s28 =	spop (v2sf)  }
0x7b: {  	s24 =	sadd.s32 s24, s28  }
0x7c: {  	s28 =	sadd.s32 $0xFFFFFFFF, s24;
	_ =	sdelay $0x3  }
0x7d: {  	v4, _, _ =	vpop (xrf0)  }
0x7e: {  	v5 =	vadd.s32 s28, v4;
	(v2sf) =	vpush v4, $0xF  }
0x7f: {  	v4 =	vld [tilespmem:s25+$0x0]  }
.Ltmp3:
0x80: {  	(pc) =	sbr.rel @p1 .LBB2_4-.Ltmp3, $3  }
0x81: {  	_ =	sdelay $0x1  }
0x82: {  	[tilespmem:v5+s19+$0x0] =	vst.idx.msk vm0, v3  }
0x83: {  	s25 =	sshra.s32 s26, $0x2;
	s26 =	sadd.s32 $0x40, s26;
	[tilespmem:v5+s20+$0x0] =	vst.idx.msk vm0, v4  }
0x84: {  	v3 =	vld [tilespmem:s25+$0x4F00];
	_ =	sdelay $0x4  }
0x85: {  	v3 =	vadd.s32 v0, v3  }
0x86: {  	vm0 =	vlt.u32 v3, $0x1388  }
0x87: {  	v4 =	vsel vm0, $0x1, v1  }
0x88: {  	(xrf0) =	vadd.scan.msk.s32 $0xffff, v4;
	_ =	sdelay $0x5  }
0x89: {  	v4, _, _ =	vpop (xrf0)  }
0x8a: {  	(v2sf) =	vpush v4, $0xF;
	_ =	sdelay $0xd  }
0x8b: {  	s26 =	spop (v2sf)  }
0x8c: {  	s26 =	sadd.s32 s24, s26;
	s29 =	spop (v2sf)  }
0x8d: {  	s24 =	sadd.s32 s26, s29  }
0x8e: {  	s28 =	sadd.s32 $0x7F, s24  }
0x8f: {  	s30 =	sand.u32 $0x7F, s28  }
0x90: {  	s31 =	sshra.s32 s28, $0x1F;
	p2 =	slt.s32 s28, $0x1;
	p1 =	sne.s32 s30, $0x0  }
0x91: {  	v5 =	vld [tilespmem:s25+$0x0];
	s26 =	sadd.s32 $0xFFFFFFFF, s26;
	s25 =	sshrl.u32 s31, $0x19;
	p1 =	por !p2, !p1  }
0x92: {  	v4 =	vadd.s32 s26, v4;
	s26 =	simm.s32 $0x1;
	s25 =	sadd.s32 s25, s28;
	p1 =	por !p1, !p1  }
0x93: {  	s25 =	sshra.s32 s25, $0x7;
	s26 =	simm.s32 @!p1 $0x0  }
0x94: {  	s26 =	ssub.s32 s25, s26  }
0x95: {  	p1 =	slt.s32 s26, $0x1  }
.Ltmp4:
0x96: {  	_ = 	snop;
	(pc) =	sbr.rel @p1 .LBB2_9-.Ltmp4, $4  }
0x97: {  	[tilespmem:v4+s19+$0x0] =	vst.idx.msk vm0, v3  }
0x98: {  	[tilespmem:v4+s20+$0x0] =	vst.idx.msk vm0, v5  }
0x99: {  	[bflag:$0x0] =	sbarrier.arrive $0xFFFF  }
0x9a: {  	s25 =	simm.s32 $0xED00  }
0x9b: {  	p1 =	sne.s32 s26, $0x1  }
.Ltmp5:
0x9c: {  	_ = 	snop;
	(pc) =	sbr.rel @!p1 .LBB2_8-.Ltmp5, $4  }
0x9d: {  	_ = 	snop  }
0x9e: {  	[spmem:s1] =	stream.indirect.scatter.add.f32 [tilespmem:s17], [sflag:$0x1], $0x1, s25, s21, $0xb8;
	[tilespmem:$0x13F70] =	vst v63  }
0x9f: {  	_ =	swait.ge [sflag:s15], $0x80  }
0xa0: {  	s26 =	sadd.s32 $0xFFFFFFFF, s26;
	[sflag:s15] =	ssyncset.done $0x0  }
.LBB2_7:
0xa1: {  	p1 =	sne.s32 s26, $0x1;
	[sflag:s15] =	ssyncadd.s32 $0xFFFFFF80;
	s25 =	sadd.s32 $0x80, s25  }
.Ltmp6:
0xa2: {  	s26 =	sadd.s32 $0xFFFFFFFF, s26;
	(pc) =	sbr.rel @p1 .LBB2_7-.Ltmp6, $4  }
0xa3: {  	_ = 	snop  }
0xa4: {  	[spmem:s1] =	stream.indirect.scatter.add.f32 [tilespmem:s17], [sflag:$0x1], $0x1, s25, s21, $0xb8;
	[tilespmem:$0x13F70] =	vst v63  }
0xa5: {  	_ =	swait.ge [sflag:s15], $0x80  }
0xa6: {  	[sflag:s15] =	ssyncset.done $0x0  }
.Ltmp7:
0xa7: {  	_ = 	snop;
	(pc) =	sbr.rel .LBB2_8-.Ltmp7, $1  }
0xa8: {  	_ =	sdelay $0x3  }
.LBB2_10:
0xa9: {  	_ =	sfence.sel $0x180000  }
0xaa: {  	[bflag:$0x0] =	sbarrier.arrive $0xFFFF  }
0xab: {  	_ =	strace $0x90000047  }
0xac: {  	s0 =	sadd.s32 @!p0 $0x100000, s0;
	[bflag:$0x2] =	sbarrier.arrive $0xFFFF  }
0xad: {  	[sflag:s0] =	ssyncadd.tile.s32 @!p0 $0x1;
	_ =	shalt  }
.Lfunc_end2:
_tile_overlayer_lowered:
.L_overlay_start_2:
0xae: {  	(tag) =	ssettag $0x2  }
0xaf: {  	s0 =	rddreg [dreg:$0x0];
	s2 =	stileid.u32  }
0xb0: {  	s1 =	rddreg [dreg:$0x1];
	p0 =	sne.s32 s2, $0x0  }
0xb1: {  	s3 =	rddreg [dreg:$0x2];
	[bflag:$0x3] =	sbarrier.arrive $0xFFFF;
	s2 =	simm.s32 @!p0 $0x1C01  }
0xb2: {  	[timem:s3], [sflag:s2] =	dma.local @!p0 [hbm:s0], s1  }
0xb3: {  	s0 =	simm.s32 @!p0 $0x1  }
0xb4: {  	_ =	swait.ge @!p0 [sflag:s0], s1  }
0xb5: {  	s1 =	ssub.s32 @!p0 $0x0, s1;
	[sflag:s0] =	ssyncset.done @!p0 $0x0  }
0xb6: {  	[sflag:s0] =	ssyncadd.s32 @!p0 s1  }
0xb7: {  	[bflag:$0x3] =	sbarrier.arrive $0xFFFF  }
0xb8: {  	_ =	shalt  }

</sc_bundles>
